<compile_context>
chip_gen: v7x
topology: tpu7x:2x2x1
jax: 0.10.2.dev20260603
libtpu: 0.0.44.dev20260713+nightly
codegen_flags: <defaults>
</compile_context>

<pallas_src>
import functools
import math

import jax
import jax.numpy as jnp
from jax import lax
from jax.experimental import pallas as pl
from jax.experimental.pallas import tpu as pltpu
from jax.experimental.pallas import tpu_sc as plsc

_SCALE = math.sqrt(32.0)
_D1, _D2, _D3 = 4, 10, 20
_BB, _BL = 8, 128
_NROWS = _D2 * _D3 * _BB * _D1
_BLK = 4

_E = 1_000_000
_NFULL = _E // 128
_REM = _E - _NFULL * 128


@jax.jit
def _sc_table_transpose(tab_t, tail16):
    info = plsc.get_sparse_core_info()
    num_workers = info.num_cores * info.num_subcores
    n_k = (_NFULL + num_workers - 1) // num_workers
    n_pairs = (n_k + 1) // 2

    mesh = plsc.VectorSubcoreMesh(core_axis_name="c", subcore_axis_name="s")

    @functools.partial(
        pl.kernel,
        out_type=jax.ShapeDtypeStruct((_E * 32,), jnp.float32),
        mesh=mesh,
        scratch_types=[
            pltpu.VMEM((2, 32, _BL), jnp.float32),
            pltpu.VMEM((32 * _BL,), jnp.float32),
            pltpu.VMEM((32 * _BL,), jnp.float32),
            pltpu.VMEM((_REM * 32,), jnp.float32),
            pltpu.SemaphoreType.DMA,
            pltpu.SemaphoreType.DMA,
            pltpu.SemaphoreType.DMA,
            pltpu.SemaphoreType.DMA,
        ],
        compiler_params=pltpu.CompilerParams(use_tc_tiling_on_sc=True,
                                             needs_layout_passes=False),
    )
    def tk(tab_hbm, tail_hbm, out_hbm, in_v, out_v0, out_v1, tail_v,
           isem0, isem1, wsem0, wsem1):
        out_vs = (out_v0, out_v1)
        isems = (isem0, isem1)
        wsems = (wsem0, wsem1)
        wid = lax.axis_index("s") * info.num_cores + lax.axis_index("c")
        lane = lax.broadcasted_iota(jnp.int32, (16,), 0)

        def group_of(k):
            return k * num_workers + wid

        def in_src(g):
            c0 = pl.multiple_of(g * _BL, _BL)
            return tab_hbm.at[:, pl.ds(c0, _BL)]

        def load(k, p):
            g = group_of(k)

            @pl.when(g < _NFULL)
            def _():
                pltpu.async_copy(in_src(g), in_v.at[p], isems[p])

        def wait_in(g, p):
            pltpu.make_async_copy(in_src(g), in_v.at[p], isems[p]).wait()

        def transpose(src, dst, ncols):
            for e0 in range(0, 32, 16):
                e_ids = e0 + lane
                fb = [((lane + d) & 15) * 32 + e_ids for d in range(16)]

                def do_blk(t, c):
                    f0 = t * 512

                    for d in range(16):
                        f = f0 + fb[d]
                        v = plsc.load_gather(src, [e_ids, f >> 5])
                        plsc.store_scatter(dst, [f], v)
                    return c
                lax.fori_loop(0, ncols // 16, do_blk, 0)

        def fire_write(g, p):
            r0 = pl.multiple_of(g * 4096, 4096)
            pltpu.async_copy(out_vs[p],
                             out_hbm.at[pl.ds(r0, 4096)], wsems[p])

        def drain_write(p):
            pltpu.make_async_copy(out_vs[p],
                                  out_hbm.at[pl.ds(0, 4096)], wsems[p]).wait()

        load(0, 0)
        load(1, 1)

        def do_pair(j, carry):
            for p in range(2):
                k = 2 * j + p
                g = group_of(k)

                @pl.when(g < _NFULL)
                def _():
                    wait_in(g, p)

                    @pl.when(k >= 2)
                    def _():
                        drain_write(p)

                    transpose(in_v.at[p], out_vs[p], _BL)
                    fire_write(g, p)
                load(k + 2, p)
            return carry

        lax.fori_loop(0, n_pairs, do_pair, 0)

        drain_write(0)
        drain_write(1)

        @pl.when(wid == 0)
        def _():
            pltpu.sync_copy(tail_hbm, tail_v)
            pltpu.sync_copy(tail_v,
                            out_hbm.at[pl.ds(_NFULL * _BL * 32, _REM * 32)])

    return tk(tab_t, tail16)


@jax.jit
def _sc_impl(xp, table):
    info = plsc.get_sparse_core_info()
    num_cores, num_subcores = info.num_cores, info.num_subcores
    num_workers = num_cores * num_subcores
    rows_per_w = _NROWS // num_workers
    n_blocks = rows_per_w // _BLK

    mesh = plsc.VectorSubcoreMesh(core_axis_name="c", subcore_axis_name="s")

    @functools.partial(
        pl.kernel,
        out_type=jax.ShapeDtypeStruct((_D1, _D2, _D3, 8, _BB, 8, _BL),
                                      jnp.float32),
        mesh=mesh,
        scratch_types=[
            pltpu.VMEM((2, _BLK, _BL), jnp.int32),
            pltpu.VMEM((2, _BLK * _BL, 32), jnp.float32),
            pltpu.VMEM((2, _BLK, 4, 8, 129), jnp.float32),
            pltpu.SemaphoreType.DMA,
            pltpu.SemaphoreType.DMA,
            pltpu.SemaphoreType.DMA,
            pltpu.SemaphoreType.DMA,
        ],
        compiler_params=pltpu.CompilerParams(use_tc_tiling_on_sc=False,
                                             needs_layout_passes=False),
    )
    def k(xp_hbm, tab_hbm, out_hbm, idx_v, rows_v, tiles_v,
          gsem0, gsem1, wsem0, wsem1):
        gsems = (gsem0, gsem1)
        wsems = (wsem0, wsem1)
        wid = lax.axis_index("s") * num_cores + lax.axis_index("c")
        w_row0 = wid * rows_per_w
        lane = lax.broadcasted_iota(jnp.int32, (16,), 0)

        def load_and_fire(u, p):
            r0 = w_row0 + u * _BLK
            pltpu.sync_copy(xp_hbm.at[pl.ds(r0, _BLK)], idx_v.at[p])
            for j in range(_BLK):
                pltpu.async_copy(
                    tab_hbm.at[idx_v.at[p, j]],
                    rows_v.at[p, pl.ds(j * _BL, _BL)], gsems[p])

        def wait_gathers(p):
            for j in range(_BLK):
                pltpu.make_async_copy(
                    tab_hbm.at[idx_v.at[p, j]],
                    rows_v.at[p, pl.ds(j * _BL, _BL)], gsems[p]).wait()

        def fire_writes(u, p):
            for su in range(_BLK):
                r = w_row0 + u * _BLK + su
                d1 = r % _D1
                bb = (r // _D1) % _BB
                t = r // (_D1 * _BB)
                d3 = t % _D3
                d2 = t // _D3
                for h in range(2):
                    pltpu.async_copy(
                        tiles_v.at[p, su, :, :, pl.ds(0, _BL)],
                        out_hbm.at[d1, d2, d3, pl.ds(4 * h, 4), bb],
                        wsems[p])

        def drain_writes(p):
            for su in range(_BLK):
                for h in range(2):
                    pltpu.make_async_copy(
                        tiles_v.at[p, su, :, :, pl.ds(0, _BL)],
                        out_hbm.at[0, 0, 0, pl.ds(4 * h, 4), 0],
                        wsems[p]).wait()

        ehp_lo, el_lo = lane // 8, lane % 8
        ehp_hi = ehp_lo + 2

        def transpose(p):
            for su in range(_BLK):
                def do_row(b, c):
                    for s in range(4):
                        bq = b * 4 + s
                        row = su * _BL + bq
                        bl_ids = jnp.full((16,), bq, jnp.int32)
                        v0 = rows_v[p, row, pl.ds(0, 16)] * _SCALE
                        v1 = rows_v[p, row, pl.ds(16, 16)] * _SCALE
                        plsc.store_scatter(tiles_v.at[p, su],
                                           [ehp_lo, el_lo, bl_ids], v0)
                        plsc.store_scatter(tiles_v.at[p, su],
                                           [ehp_hi, el_lo, bl_ids], v1)
                    return c
                lax.fori_loop(0, _BL // 4, do_row, 0)

        load_and_fire(0, 0)
        load_and_fire(1, 1)

        def do_pair(g, carry):
            for p in range(2):
                u = 2 * g + p
                wait_gathers(p)

                @pl.when(u >= 2)
                def _():
                    drain_writes(p)

                transpose(p)
                fire_writes(u, p)

                @pl.when(u + 2 < n_blocks)
                def _():
                    load_and_fire(u + 2, p)
            return carry

        lax.fori_loop(0, n_blocks // 2, do_pair, 0)
        drain_writes(0)
        drain_writes(1)

    return k(xp, table)


def kernel(x, embedding):
    xp = (x.reshape(_BB, _BL, _D1, _D2, _D3)
            .transpose(3, 4, 0, 2, 1)
            .reshape(_NROWS, _BL)
            .astype(jnp.int32))
    tail16 = embedding[_NFULL * _BL:, :].reshape(_REM * 32)
    tbl = _sc_table_transpose(embedding.T, tail16).reshape(1000000, 32)
    out7 = _sc_impl(xp, tbl)
    out = (out7.transpose(4, 6, 0, 1, 2, 3, 5)
               .reshape(_BB * _BL, _D1, _D2, _D3, 64))
    return out

# --- scband reference (transcript-rebuilt; emitter-appended) ---
"""Pipeline reference for scband-mash-83631603187923 (READ-ONLY COPY).

The authoritative reference and input builder live on the scoring server;
editing this copy changes nothing except your own understanding.
"""

import math
import jax, jax.numpy as jnp
import numpy as np

VOCAB = 1000000
EMBDIM = 32

def setup_inputs(seed: int = 0) -> dict:
    key = jax.random.key(seed)
    k1, k2 = jax.random.split(key)
    x = jax.random.randint(k1, (1024, 4, 10, 20), 0, VOCAB, dtype=jnp.int64 if jax.config.jax_enable_x64 else jnp.int32)
    # nn.Embedding weight initialized uniform(-0.1, 0.1) per init_weights()
    embedding = jax.random.uniform(k2, (VOCAB, EMBDIM), dtype=jnp.float32, minval=-0.1, maxval=0.1)
    return {"x": x, "embedding": embedding}

def reference(x, embedding):
    # assert len(x.size()) == 4
    # x = self.embedding(x) * math.sqrt(self.embdim)
    e = jnp.take(embedding, x, axis=0) * math.sqrt(EMBDIM)
    # paragraph_model and sentence_model are unspecified submodules; treated as
    # identity mappings (see notes), so the forward is concat(e, e) on last dim.
    paragraph_output = e
    sentence_output = e
    return jnp.concatenate((paragraph_output, sentence_output), axis=-1)

if __name__ == "__main__":
    import jax
    _d = setup_inputs()
    print(jax.jit(kernel)(*tuple(_d.values())))

</pallas_src>

<mosaic_0001>
#map = affine_map<(d0, d1) -> (0, 0)>
#map1 = affine_map<(d0, d1) -> (0)>
module attributes {stable_mosaic.version = 14 : i64} {
  func.func @tk(%arg0: i32, %arg1: i32, %arg2: memref<32x1000000xf32, #tpu.memory_space<hbm>>, %arg3: memref<2048xf32, #tpu.memory_space<hbm>>, %arg4: memref<32000000xf32, #tpu.memory_space<hbm>>, %arg5: memref<2x32x128xf32, #tpu.memory_space<vmem>>, %arg6: memref<4096xf32, #tpu.memory_space<vmem>>, %arg7: memref<4096xf32, #tpu.memory_space<vmem>>, %arg8: memref<2048xf32, #tpu.memory_space<vmem>>, %arg9: memref<!tpu.dma_semaphore, #tpu.memory_space<semaphore_mem>>, %arg10: memref<!tpu.dma_semaphore, #tpu.memory_space<semaphore_mem>>, %arg11: memref<!tpu.dma_semaphore, #tpu.memory_space<semaphore_mem>>, %arg12: memref<!tpu.dma_semaphore, #tpu.memory_space<semaphore_mem>>) attributes {dimension_semantics = [#tpu.dimension_semantics<core_parallel>, #tpu.dimension_semantics<subcore_parallel>], iteration_bounds = array<i64: 2, 16>, scalar_prefetch = 0 : i64, scratch_operands = 8 : i64, tpu.core_type = #tpu.core_type<sc_vector_subcore>, window_params = [{transform_indices = #map}, {transform_indices = #map1}, {transform_indices = #map1}]} {
    %mul3A = arith.constant 2 : i32
    %mul3A_0 = arith.muli %arg1, %mul3A : i32
    %add3A = arith.addi %mul3A_0, %arg0 : i32
    %iota3A = tpu.iota {dimensions = array<i32: 0>} : vector<16xi32>
    %add3A_1 = arith.constant 0 : i32
    %add3A_2 = arith.addi %add3A_1, %add3A : i32
    %lt3A = arith.constant 7812 : i32
    %lt3A_3 = arith.cmpi slt, %add3A_2, %lt3A : i32
    %convert_element_type3A = arith.extui %lt3A_3 : i1 to i32
    %cond3A = arith.constant 0 : i32
    %cond3A_4 = arith.cmpi ne, %convert_element_type3A, %cond3A : i32
    scf.if %cond3A_4 {
      %mul3A_28 = arith.constant 128 : i32
      %mul3A_29 = arith.muli %add3A_2, %mul3A_28 : i32
      %multiple_of3A = tpu.assume_multiple %mul3A_29, 128 : i32
      %dma_start3A = arith.constant 0 : i32
      %dma_start3A_30 = arith.constant 0 : i32
      %dma_start3A_31 = arith.constant 0 : i32
      %dma_start3A_32 = tpu.memref_slice %arg5[%dma_start3A, %dma_start3A_30, %dma_start3A_31] : memref<2x32x128xf32, #tpu.memory_space<vmem>> -> memref<1x32x128xf32, #tpu.memory_space<vmem>>
      %dma_start3A_33 = tpu.memref_squeeze %dma_start3A_32 : memref<1x32x128xf32, #tpu.memory_space<vmem>> -> memref<32x128xf32, #tpu.memory_space<vmem>>
      %dma_start3A_34 = arith.constant 0 : i32
      %dma_start3A_35 = tpu.memref_slice %arg2[%dma_start3A_34, %multiple_of3A] : memref<32x1000000xf32, #tpu.memory_space<hbm>> -> memref<32x128xf32, #tpu.memory_space<hbm>>
      %dma_start3A_36 = arith.constant 0 : i32
      %dma_start3A_37 = arith.constant 0 : i32
      %dma_start3A_38 = tpu.memref_slice %arg5[%dma_start3A, %dma_start3A_36, %dma_start3A_37] : memref<2x32x128xf32, #tpu.memory_space<vmem>> -> memref<1x32x128xf32, #tpu.memory_space<vmem>>
      %dma_start3A_39 = tpu.memref_squeeze %dma_start3A_38 : memref<1x32x128xf32, #tpu.memory_space<vmem>> -> memref<32x128xf32, #tpu.memory_space<vmem>>
      %dma_start3A_40 = arith.constant 0 : i32
      %dma_start3A_41 = tpu.memref_slice %arg2[%dma_start3A_40, %multiple_of3A] : memref<32x1000000xf32, #tpu.memory_space<hbm>> -> memref<32x128xf32, #tpu.memory_space<hbm>>
      tpu.enqueue_dma source(%dma_start3A_41 : memref<32x128xf32, #tpu.memory_space<hbm>>) target(%dma_start3A_39 : memref<32x128xf32, #tpu.memory_space<vmem>>) target_semaphore(%arg9 : memref<!tpu.dma_semaphore, #tpu.memory_space<semaphore_mem>>)
    } else {
    }
    %add3A_5 = arith.constant 32 : i32
    %add3A_6 = arith.addi %add3A_5, %add3A : i32
    %lt3A_7 = arith.constant 7812 : i32
    %lt3A_8 = arith.cmpi slt, %add3A_6, %lt3A_7 : i32
    %convert_element_type3A_9 = arith.extui %lt3A_8 : i1 to i32
    %cond3A_10 = arith.constant 0 : i32
    %cond3A_11 = arith.cmpi ne, %convert_element_type3A_9, %cond3A_10 : i32
    scf.if %cond3A_11 {
      %mul3A_28 = arith.constant 128 : i32
      %mul3A_29 = arith.muli %add3A_6, %mul3A_28 : i32
      %multiple_of3A = tpu.assume_multiple %mul3A_29, 128 : i32
      %dma_start3A = arith.constant 1 : i32
      %dma_start3A_30 = arith.constant 0 : i32
      %dma_start3A_31 = arith.constant 0 : i32
      %dma_start3A_32 = tpu.memref_slice %arg5[%dma_start3A, %dma_start3A_30, %dma_start3A_31] : memref<2x32x128xf32, #tpu.memory_space<vmem>> -> memref<1x32x128xf32, #tpu.memory_space<vmem>>
      %dma_start3A_33 = tpu.memref_squeeze %dma_start3A_32 : memref<1x32x128xf32, #tpu.memory_space<vmem>> -> memref<32x128xf32, #tpu.memory_space<vmem>>
      %dma_start3A_34 = arith.constant 0 : i32
      %dma_start3A_35 = tpu.memref_slice %arg2[%dma_start3A_34, %multiple_of3A] : memref<32x1000000xf32, #tpu.memory_space<hbm>> -> memref<32x128xf32, #tpu.memory_space<hbm>>
      %dma_start3A_36 = arith.constant 0 : i32
      %dma_start3A_37 = arith.constant 0 : i32
      %dma_start3A_38 = tpu.memref_slice %arg5[%dma_start3A, %dma_start3A_36, %dma_start3A_37] : memref<2x32x128xf32, #tpu.memory_space<vmem>> -> memref<1x32x128xf32, #tpu.memory_space<vmem>>
      %dma_start3A_39 = tpu.memref_squeeze %dma_start3A_38 : memref<1x32x128xf32, #tpu.memory_space<vmem>> -> memref<32x128xf32, #tpu.memory_space<vmem>>
      %dma_start3A_40 = arith.constant 0 : i32
      %dma_start3A_41 = tpu.memref_slice %arg2[%dma_start3A_40, %multiple_of3A] : memref<32x1000000xf32, #tpu.memory_space<hbm>> -> memref<32x128xf32, #tpu.memory_space<hbm>>
      tpu.enqueue_dma source(%dma_start3A_41 : memref<32x128xf32, #tpu.memory_space<hbm>>) target(%dma_start3A_39 : memref<32x128xf32, #tpu.memory_space<vmem>>) target_semaphore(%arg10 : memref<!tpu.dma_semaphore, #tpu.memory_space<semaphore_mem>>)
    } else {
    }
    %scan3A = arith.constant 0 : i32
    %scan3A_12 = arith.constant 0 : i32
    %scan3A_13 = arith.constant 123 : i32
    %scan3A_14 = arith.addi %scan3A_12, %scan3A_13 : i32
    %scan3A_15 = arith.constant 1 : i32
    scf.for %scan3A_28 = %scan3A_12 to %scan3A_14 step %scan3A_15  : i32 {
      %mul3A_29 = arith.constant 2 : i32
      %mul3A_30 = arith.muli %mul3A_29, %scan3A_28 : i32
      %add3A_31 = arith.constant 0 : i32
      %add3A_32 = arith.addi %mul3A_30, %add3A_31 : i32
      %mul3A_33 = arith.constant 32 : i32
      %mul3A_34 = arith.muli %add3A_32, %mul3A_33 : i32
      %add3A_35 = arith.addi %mul3A_34, %add3A : i32
      %lt3A_36 = arith.constant 7812 : i32
      %lt3A_37 = arith.cmpi slt, %add3A_35, %lt3A_36 : i32
      %convert_element_type3A_38 = arith.extui %lt3A_37 : i1 to i32
      %cond3A_39 = arith.constant 0 : i32
      %cond3A_40 = arith.cmpi ne, %convert_element_type3A_38, %cond3A_39 : i32
      scf.if %cond3A_40 {
        %mul3A_73 = arith.constant 128 : i32
        %mul3A_74 = arith.muli %add3A_35, %mul3A_73 : i32
        %multiple_of3A = tpu.assume_multiple %mul3A_74, 128 : i32
        %dma_wait3A_75 = arith.constant 0 : i32
        %dma_wait3A_76 = arith.constant 0 : i32
        %dma_wait3A_77 = arith.constant 0 : i32
        %dma_wait3A_78 = tpu.memref_slice %arg5[%dma_wait3A_75, %dma_wait3A_76, %dma_wait3A_77] : memref<2x32x128xf32, #tpu.memory_space<vmem>> -> memref<1x32x128xf32, #tpu.memory_space<vmem>>
        %dma_wait3A_79 = tpu.memref_squeeze %dma_wait3A_78 : memref<1x32x128xf32, #tpu.memory_space<vmem>> -> memref<32x128xf32, #tpu.memory_space<vmem>>
        %dma_wait3A_80 = arith.constant 0 : i32
        %dma_wait3A_81 = tpu.memref_slice %arg2[%dma_wait3A_80, %multiple_of3A] : memref<32x1000000xf32, #tpu.memory_space<hbm>> -> memref<32x128xf32, #tpu.memory_space<hbm>>
        %dma_wait3A_82 = arith.constant 0 : i32
        %dma_wait3A_83 = arith.constant 0 : i32
        %dma_wait3A_84 = tpu.memref_slice %arg5[%dma_wait3A_75, %dma_wait3A_82, %dma_wait3A_83] : memref<2x32x128xf32, #tpu.memory_space<vmem>> -> memref<1x32x128xf32, #tpu.memory_space<vmem>>
        %dma_wait3A_85 = tpu.memref_squeeze %dma_wait3A_84 : memref<1x32x128xf32, #tpu.memory_space<vmem>> -> memref<32x128xf32, #tpu.memory_space<vmem>>
        %dma_wait3A_86 = arith.constant 0 : i32
        %dma_wait3A_87 = tpu.memref_slice %arg2[%dma_wait3A_86, %multiple_of3A] : memref<32x1000000xf32, #tpu.memory_space<hbm>> -> memref<32x128xf32, #tpu.memory_space<hbm>>
        tpu.wait_dma2 semaphore(%arg9 : memref<!tpu.dma_semaphore, #tpu.memory_space<semaphore_mem>>) src(%dma_wait3A_87 : memref<32x128xf32, #tpu.memory_space<hbm>>) dst(%dma_wait3A_85 : memref<32x128xf32, #tpu.memory_space<vmem>>)
        %ge3A = arith.constant 2 : i32
        %ge3A_88 = arith.cmpi sge, %add3A_32, %ge3A : i32
        %convert_element_type3A_89 = arith.extui %ge3A_88 : i1 to i32
        %cond3A_90 = arith.constant 0 : i32
        %cond3A_91 = arith.cmpi ne, %convert_element_type3A_89, %cond3A_90 : i32
        scf.if %cond3A_91 {
          %dma_wait3A_435 = arith.constant 0 : i32
          %dma_wait3A_436 = tpu.memref_slice %arg4[%dma_wait3A_435] : memref<32000000xf32, #tpu.memory_space<hbm>> -> memref<4096xf32, #tpu.memory_space<hbm>>
          %dma_wait3A_437 = arith.constant 0 : i32
          %dma_wait3A_438 = tpu.memref_slice %arg4[%dma_wait3A_437] : memref<32000000xf32, #tpu.memory_space<hbm>> -> memref<4096xf32, #tpu.memory_space<hbm>>
          tpu.wait_dma2 semaphore(%arg11 : memref<!tpu.dma_semaphore, #tpu.memory_space<semaphore_mem>>) src(%arg6 : memref<4096xf32, #tpu.memory_space<vmem>>) dst(%dma_wait3A_438 : memref<4096xf32, #tpu.memory_space<hbm>>)
        } else {
        }
        %add3A_92 = arith.constant 0 : i32
        %add3A_93 = vector.broadcast %add3A_92 : i32 to vector<16xi32>
        %add3A_94 = arith.addi %add3A_93, %iota3A : vector<16xi32>
        %add3A_95 = arith.constant 0 : i32
        %add3A_96 = vector.broadcast %add3A_95 : i32 to vector<16xi32>
        %add3A_97 = arith.addi %iota3A, %add3A_96 : vector<16xi32>
        %and3A = arith.constant 15 : i32
        %and3A_98 = vector.broadcast %and3A : i32 to vector<16xi32>
        %and3A_99 = arith.andi %add3A_97, %and3A_98 : vector<16xi32>
        %mul3A_100 = arith.constant 32 : i32
        %mul3A_101 = vector.broadcast %mul3A_100 : i32 to vector<16xi32>
        %mul3A_102 = arith.muli %and3A_99, %mul3A_101 : vector<16xi32>
        %add3A_103 = arith.addi %mul3A_102, %add3A_94 : vector<16xi32>
        %add3A_104 = arith.constant 1 : i32
        %add3A_105 = vector.broadcast %add3A_104 : i32 to vector<16xi32>
        %add3A_106 = arith.addi %iota3A, %add3A_105 : vector<16xi32>
        %and3A_107 = arith.constant 15 : i32
        %and3A_108 = vector.broadcast %and3A_107 : i32 to vector<16xi32>
        %and3A_109 = arith.andi %add3A_106, %and3A_108 : vector<16xi32>
        %mul3A_110 = arith.constant 32 : i32
        %mul3A_111 = vector.broadcast %mul3A_110 : i32 to vector<16xi32>
        %mul3A_112 = arith.muli %and3A_109, %mul3A_111 : vector<16xi32>
        %add3A_113 = arith.addi %mul3A_112, %add3A_94 : vector<16xi32>
        %add3A_114 = arith.constant 2 : i32
        %add3A_115 = vector.broadcast %add3A_114 : i32 to vector<16xi32>
        %add3A_116 = arith.addi %iota3A, %add3A_115 : vector<16xi32>
        %and3A_117 = arith.constant 15 : i32
        %and3A_118 = vector.broadcast %and3A_117 : i32 to vector<16xi32>
        %and3A_119 = arith.andi %add3A_116, %and3A_118 : vector<16xi32>
        %mul3A_120 = arith.constant 32 : i32
        %mul3A_121 = vector.broadcast %mul3A_120 : i32 to vector<16xi32>
        %mul3A_122 = arith.muli %and3A_119, %mul3A_121 : vector<16xi32>
        %add3A_123 = arith.addi %mul3A_122, %add3A_94 : vector<16xi32>
        %add3A_124 = arith.constant 3 : i32
        %add3A_125 = vector.broadcast %add3A_124 : i32 to vector<16xi32>
        %add3A_126 = arith.addi %iota3A, %add3A_125 : vector<16xi32>
        %and3A_127 = arith.constant 15 : i32
        %and3A_128 = vector.broadcast %and3A_127 : i32 to vector<16xi32>
        %and3A_129 = arith.andi %add3A_126, %and3A_128 : vector<16xi32>
        %mul3A_130 = arith.constant 32 : i32
        %mul3A_131 = vector.broadcast %mul3A_130 : i32 to vector<16xi32>
        %mul3A_132 = arith.muli %and3A_129, %mul3A_131 : vector<16xi32>
        %add3A_133 = arith.addi %mul3A_132, %add3A_94 : vector<16xi32>
        %add3A_134 = arith.constant 4 : i32
        %add3A_135 = vector.broadcast %add3A_134 : i32 to vector<16xi32>
        %add3A_136 = arith.addi %iota3A, %add3A_135 : vector<16xi32>
        %and3A_137 = arith.constant 15 : i32
        %and3A_138 = vector.broadcast %and3A_137 : i32 to vector<16xi32>
        %and3A_139 = arith.andi %add3A_136, %and3A_138 : vector<16xi32>
        %mul3A_140 = arith.constant 32 : i32
        %mul3A_141 = vector.broadcast %mul3A_140 : i32 to vector<16xi32>
        %mul3A_142 = arith.muli %and3A_139, %mul3A_141 : vector<16xi32>
        %add3A_143 = arith.addi %mul3A_142, %add3A_94 : vector<16xi32>
        %add3A_144 = arith.constant 5 : i32
        %add3A_145 = vector.broadcast %add3A_144 : i32 to vector<16xi32>
        %add3A_146 = arith.addi %iota3A, %add3A_145 : vector<16xi32>
        %and3A_147 = arith.constant 15 : i32
        %and3A_148 = vector.broadcast %and3A_147 : i32 to vector<16xi32>
        %and3A_149 = arith.andi %add3A_146, %and3A_148 : vector<16xi32>
        %mul3A_150 = arith.constant 32 : i32
        %mul3A_151 = vector.broadcast %mul3A_150 : i32 to vector<16xi32>
        %mul3A_152 = arith.muli %and3A_149, %mul3A_151 : vector<16xi32>
        %add3A_153 = arith.addi %mul3A_152, %add3A_94 : vector<16xi32>
        %add3A_154 = arith.constant 6 : i32
        %add3A_155 = vector.broadcast %add3A_154 : i32 to vector<16xi32>
        %add3A_156 = arith.addi %iota3A, %add3A_155 : vector<16xi32>
        %and3A_157 = arith.constant 15 : i32
        %and3A_158 = vector.broadcast %and3A_157 : i32 to vector<16xi32>
        %and3A_159 = arith.andi %add3A_156, %and3A_158 : vector<16xi32>
        %mul3A_160 = arith.constant 32 : i32
        %mul3A_161 = vector.broadcast %mul3A_160 : i32 to vector<16xi32>
        %mul3A_162 = arith.muli %and3A_159, %mul3A_161 : vector<16xi32>
        %add3A_163 = arith.addi %mul3A_162, %add3A_94 : vector<16xi32>
        %add3A_164 = arith.constant 7 : i32
        %add3A_165 = vector.broadcast %add3A_164 : i32 to vector<16xi32>
        %add3A_166 = arith.addi %iota3A, %add3A_165 : vector<16xi32>
        %and3A_167 = arith.constant 15 : i32
        %and3A_168 = vector.broadcast %and3A_167 : i32 to vector<16xi32>
        %and3A_169 = arith.andi %add3A_166, %and3A_168 : vector<16xi32>
        %mul3A_170 = arith.constant 32 : i32
        %mul3A_171 = vector.broadcast %mul3A_170 : i32 to vector<16xi32>
        %mul3A_172 = arith.muli %and3A_169, %mul3A_171 : vector<16xi32>
        %add3A_173 = arith.addi %mul3A_172, %add3A_94 : vector<16xi32>
        %add3A_174 = arith.constant 8 : i32
        %add3A_175 = vector.broadcast %add3A_174 : i32 to vector<16xi32>
        %add3A_176 = arith.addi %iota3A, %add3A_175 : vector<16xi32>
        %and3A_177 = arith.constant 15 : i32
        %and3A_178 = vector.broadcast %and3A_177 : i32 to vector<16xi32>
        %and3A_179 = arith.andi %add3A_176, %and3A_178 : vector<16xi32>
        %mul3A_180 = arith.constant 32 : i32
        %mul3A_181 = vector.broadcast %mul3A_180 : i32 to vector<16xi32>
        %mul3A_182 = arith.muli %and3A_179, %mul3A_181 : vector<16xi32>
        %add3A_183 = arith.addi %mul3A_182, %add3A_94 : vector<16xi32>
        %add3A_184 = arith.constant 9 : i32
        %add3A_185 = vector.broadcast %add3A_184 : i32 to vector<16xi32>
        %add3A_186 = arith.addi %iota3A, %add3A_185 : vector<16xi32>
        %and3A_187 = arith.constant 15 : i32
        %and3A_188 = vector.broadcast %and3A_187 : i32 to vector<16xi32>
        %and3A_189 = arith.andi %add3A_186, %and3A_188 : vector<16xi32>
        %mul3A_190 = arith.constant 32 : i32
        %mul3A_191 = vector.broadcast %mul3A_190 : i32 to vector<16xi32>
        %mul3A_192 = arith.muli %and3A_189, %mul3A_191 : vector<16xi32>
        %add3A_193 = arith.addi %mul3A_192, %add3A_94 : vector<16xi32>
        %add3A_194 = arith.constant 10 : i32
        %add3A_195 = vector.broadcast %add3A_194 : i32 to vector<16xi32>
        %add3A_196 = arith.addi %iota3A, %add3A_195 : vector<16xi32>
        %and3A_197 = arith.constant 15 : i32
        %and3A_198 = vector.broadcast %and3A_197 : i32 to vector<16xi32>
        %and3A_199 = arith.andi %add3A_196, %and3A_198 : vector<16xi32>
        %mul3A_200 = arith.constant 32 : i32
        %mul3A_201 = vector.broadcast %mul3A_200 : i32 to vector<16xi32>
        %mul3A_202 = arith.muli %and3A_199, %mul3A_201 : vector<16xi32>
        %add3A_203 = arith.addi %mul3A_202, %add3A_94 : vector<16xi32>
        %add3A_204 = arith.constant 11 : i32
        %add3A_205 = vector.broadcast %add3A_204 : i32 to vector<16xi32>
        %add3A_206 = arith.addi %iota3A, %add3A_205 : vector<16xi32>
        %and3A_207 = arith.constant 15 : i32
        %and3A_208 = vector.broadcast %and3A_207 : i32 to vector<16xi32>
        %and3A_209 = arith.andi %add3A_206, %and3A_208 : vector<16xi32>
        %mul3A_210 = arith.constant 32 : i32
        %mul3A_211 = vector.broadcast %mul3A_210 : i32 to vector<16xi32>
        %mul3A_212 = arith.muli %and3A_209, %mul3A_211 : vector<16xi32>
        %add3A_213 = arith.addi %mul3A_212, %add3A_94 : vector<16xi32>
        %add3A_214 = arith.constant 12 : i32
        %add3A_215 = vector.broadcast %add3A_214 : i32 to vector<16xi32>
        %add3A_216 = arith.addi %iota3A, %add3A_215 : vector<16xi32>
        %and3A_217 = arith.constant 15 : i32
        %and3A_218 = vector.broadcast %and3A_217 : i32 to vector<16xi32>
        %and3A_219 = arith.andi %add3A_216, %and3A_218 : vector<16xi32>
        %mul3A_220 = arith.constant 32 : i32
        %mul3A_221 = vector.broadcast %mul3A_220 : i32 to vector<16xi32>
        %mul3A_222 = arith.muli %and3A_219, %mul3A_221 : vector<16xi32>
        %add3A_223 = arith.addi %mul3A_222, %add3A_94 : vector<16xi32>
        %add3A_224 = arith.constant 13 : i32
        %add3A_225 = vector.broadcast %add3A_224 : i32 to vector<16xi32>
        %add3A_226 = arith.addi %iota3A, %add3A_225 : vector<16xi32>
        %and3A_227 = arith.constant 15 : i32
        %and3A_228 = vector.broadcast %and3A_227 : i32 to vector<16xi32>
        %and3A_229 = arith.andi %add3A_226, %and3A_228 : vector<16xi32>
        %mul3A_230 = arith.constant 32 : i32
        %mul3A_231 = vector.broadcast %mul3A_230 : i32 to vector<16xi32>
        %mul3A_232 = arith.muli %and3A_229, %mul3A_231 : vector<16xi32>
        %add3A_233 = arith.addi %mul3A_232, %add3A_94 : vector<16xi32>
        %add3A_234 = arith.constant 14 : i32
        %add3A_235 = vector.broadcast %add3A_234 : i32 to vector<16xi32>
        %add3A_236 = arith.addi %iota3A, %add3A_235 : vector<16xi32>
        %and3A_237 = arith.constant 15 : i32
        %and3A_238 = vector.broadcast %and3A_237 : i32 to vector<16xi32>
        %and3A_239 = arith.andi %add3A_236, %and3A_238 : vector<16xi32>
        %mul3A_240 = arith.constant 32 : i32
        %mul3A_241 = vector.broadcast %mul3A_240 : i32 to vector<16xi32>
        %mul3A_242 = arith.muli %and3A_239, %mul3A_241 : vector<16xi32>
        %add3A_243 = arith.addi %mul3A_242, %add3A_94 : vector<16xi32>
        %add3A_244 = arith.constant 15 : i32
        %add3A_245 = vector.broadcast %add3A_244 : i32 to vector<16xi32>
        %add3A_246 = arith.addi %iota3A, %add3A_245 : vector<16xi32>
        %and3A_247 = arith.constant 15 : i32
        %and3A_248 = vector.broadcast %and3A_247 : i32 to vector<16xi32>
        %and3A_249 = arith.andi %add3A_246, %and3A_248 : vector<16xi32>
        %mul3A_250 = arith.constant 32 : i32
        %mul3A_251 = vector.broadcast %mul3A_250 : i32 to vector<16xi32>
        %mul3A_252 = arith.muli %and3A_249, %mul3A_251 : vector<16xi32>
        %add3A_253 = arith.addi %mul3A_252, %add3A_94 : vector<16xi32>
        %scan3A_254 = arith.constant 0 : i32
        %scan3A_255 = arith.constant 0 : i32
        %scan3A_256 = arith.constant 0 : i32
        %scan3A_257 = arith.constant 8 : i32
        %scan3A_258 = arith.addi %scan3A_256, %scan3A_257 : i32
        %scan3A_259 = arith.constant 1 : i32
        scf.for %scan3A_435 = %scan3A_256 to %scan3A_258 step %scan3A_259  : i32 {
          %mul3A_436 = arith.constant 512 : i32
          %mul3A_437 = arith.muli %scan3A_435, %mul3A_436 : i32
          %add3A_438 = vector.broadcast %mul3A_437 : i32 to vector<16xi32>
          %add3A_439 = arith.addi %add3A_438, %add3A_103 : vector<16xi32>
          %shift_right_arithmetic3A = arith.constant 5 : i32
          %shift_right_arithmetic3A_440 = vector.broadcast %shift_right_arithmetic3A : i32 to vector<16xi32>
          %shift_right_arithmetic3A_441 = arith.shrsi %add3A_439, %shift_right_arithmetic3A_440 : vector<16xi32>
          %gather3A = arith.constant 0 : i32
          %gather3A_442 = arith.constant 0 : i32
          %gather3A_443 = tpu.memref_slice %arg5[%scan3A_255, %gather3A, %gather3A_442] : memref<2x32x128xf32, #tpu.memory_space<vmem>> -> memref<1x32x128xf32, #tpu.memory_space<vmem>>
          %gather3A_444 = tpu.memref_squeeze %gather3A_443 : memref<1x32x128xf32, #tpu.memory_space<vmem>> -> memref<32x128xf32, #tpu.memory_space<vmem>>
          %gather3A_445 = tpu.vector_load_idx %gather3A_444[%add3A_94, %shift_right_arithmetic3A_441] : memref<32x128xf32, #tpu.memory_space<vmem>>[vector<16xi32>, vector<16xi32>], vector<16xf32>,
          tpu.vector_store_idx %arg6[%add3A_439], %gather3A_445 : memref<4096xf32, #tpu.memory_space<vmem>>[vector<16xi32>], vector<16xf32>,
          %add3A_446 = vector.broadcast %mul3A_437 : i32 to vector<16xi32>
          %add3A_447 = arith.addi %add3A_446, %add3A_113 : vector<16xi32>
          %shift_right_arithmetic3A_448 = arith.constant 5 : i32
          %shift_right_arithmetic3A_449 = vector.broadcast %shift_right_arithmetic3A_448 : i32 to vector<16xi32>
          %shift_right_arithmetic3A_450 = arith.shrsi %add3A_447, %shift_right_arithmetic3A_449 : vector<16xi32>
          %gather3A_451 = arith.constant 0 : i32
          %gather3A_452 = arith.constant 0 : i32
          %gather3A_453 = tpu.memref_slice %arg5[%scan3A_255, %gather3A_451, %gather3A_452] : memref<2x32x128xf32, #tpu.memory_space<vmem>> -> memref<1x32x128xf32, #tpu.memory_space<vmem>>
          %gather3A_454 = tpu.memref_squeeze %gather3A_453 : memref<1x32x128xf32, #tpu.memory_space<vmem>> -> memref<32x128xf32, #tpu.memory_space<vmem>>
          %gather3A_455 = tpu.vector_load_idx %gather3A_454[%add3A_94, %shift_right_arithmetic3A_450] : memref<32x128xf32, #tpu.memory_space<vmem>>[vector<16xi32>, vector<16xi32>], vector<16xf32>,
          tpu.vector_store_idx %arg6[%add3A_447], %gather3A_455 : memref<4096xf32, #tpu.memory_space<vmem>>[vector<16xi32>], vector<16xf32>,
          %add3A_456 = vector.broadcast %mul3A_437 : i32 to vector<16xi32>
          %add3A_457 = arith.addi %add3A_456, %add3A_123 : vector<16xi32>
          %shift_right_arithmetic3A_458 = arith.constant 5 : i32
          %shift_right_arithmetic3A_459 = vector.broadcast %shift_right_arithmetic3A_458 : i32 to vector<16xi32>
          %shift_right_arithmetic3A_460 = arith.shrsi %add3A_457, %shift_right_arithmetic3A_459 : vector<16xi32>
          %gather3A_461 = arith.constant 0 : i32
          %gather3A_462 = arith.constant 0 : i32
          %gather3A_463 = tpu.memref_slice %arg5[%scan3A_255, %gather3A_461, %gather3A_462] : memref<2x32x128xf32, #tpu.memory_space<vmem>> -> memref<1x32x128xf32, #tpu.memory_space<vmem>>
          %gather3A_464 = tpu.memref_squeeze %gather3A_463 : memref<1x32x128xf32, #tpu.memory_space<vmem>> -> memref<32x128xf32, #tpu.memory_space<vmem>>
          %gather3A_465 = tpu.vector_load_idx %gather3A_464[%add3A_94, %shift_right_arithmetic3A_460] : memref<32x128xf32, #tpu.memory_space<vmem>>[vector<16xi32>, vector<16xi32>], vector<16xf32>,
          tpu.vector_store_idx %arg6[%add3A_457], %gather3A_465 : memref<4096xf32, #tpu.memory_space<vmem>>[vector<16xi32>], vector<16xf32>,
          %add3A_466 = vector.broadcast %mul3A_437 : i32 to vector<16xi32>
          %add3A_467 = arith.addi %add3A_466, %add3A_133 : vector<16xi32>
          %shift_right_arithmetic3A_468 = arith.constant 5 : i32
          %shift_right_arithmetic3A_469 = vector.broadcast %shift_right_arithmetic3A_468 : i32 to vector<16xi32>
          %shift_right_arithmetic3A_470 = arith.shrsi %add3A_467, %shift_right_arithmetic3A_469 : vector<16xi32>
          %gather3A_471 = arith.constant 0 : i32
          %gather3A_472 = arith.constant 0 : i32
          %gather3A_473 = tpu.memref_slice %arg5[%scan3A_255, %gather3A_471, %gather3A_472] : memref<2x32x128xf32, #tpu.memory_space<vmem>> -> memref<1x32x128xf32, #tpu.memory_space<vmem>>
          %gather3A_474 = tpu.memref_squeeze %gather3A_473 : memref<1x32x128xf32, #tpu.memory_space<vmem>> -> memref<32x128xf32, #tpu.memory_space<vmem>>
          %gather3A_475 = tpu.vector_load_idx %gather3A_474[%add3A_94, %shift_right_arithmetic3A_470] : memref<32x128xf32, #tpu.memory_space<vmem>>[vector<16xi32>, vector<16xi32>], vector<16xf32>,
          tpu.vector_store_idx %arg6[%add3A_467], %gather3A_475 : memref<4096xf32, #tpu.memory_space<vmem>>[vector<16xi32>], vector<16xf32>,
          %add3A_476 = vector.broadcast %mul3A_437 : i32 to vector<16xi32>
          %add3A_477 = arith.addi %add3A_476, %add3A_143 : vector<16xi32>
          %shift_right_arithmetic3A_478 = arith.constant 5 : i32
          %shift_right_arithmetic3A_479 = vector.broadcast %shift_right_arithmetic3A_478 : i32 to vector<16xi32>
          %shift_right_arithmetic3A_480 = arith.shrsi %add3A_477, %shift_right_arithmetic3A_479 : vector<16xi32>
          %gather3A_481 = arith.constant 0 : i32
          %gather3A_482 = arith.constant 0 : i32
          %gather3A_483 = tpu.memref_slice %arg5[%scan3A_255, %gather3A_481, %gather3A_482] : memref<2x32x128xf32, #tpu.memory_space<vmem>> -> memref<1x32x128xf32, #tpu.memory_space<vmem>>
          %gather3A_484 = tpu.memref_squeeze %gather3A_483 : memref<1x32x128xf32, #tpu.memory_space<vmem>> -> memref<32x128xf32, #tpu.memory_space<vmem>>
          %gather3A_485 = tpu.vector_load_idx %gather3A_484[%add3A_94, %shift_right_arithmetic3A_480] : memref<32x128xf32, #tpu.memory_space<vmem>>[vector<16xi32>, vector<16xi32>], vector<16xf32>,
          tpu.vector_store_idx %arg6[%add3A_477], %gather3A_485 : memref<4096xf32, #tpu.memory_space<vmem>>[vector<16xi32>], vector<16xf32>,
          %add3A_486 = vector.broadcast %mul3A_437 : i32 to vector<16xi32>
          %add3A_487 = arith.addi %add3A_486, %add3A_153 : vector<16xi32>
          %shift_right_arithmetic3A_488 = arith.constant 5 : i32
          %shift_right_arithmetic3A_489 = vector.broadcast %shift_right_arithmetic3A_488 : i32 to vector<16xi32>
          %shift_right_arithmetic3A_490 = arith.shrsi %add3A_487, %shift_right_arithmetic3A_489 : vector<16xi32>
          %gather3A_491 = arith.constant 0 : i32
          %gather3A_492 = arith.constant 0 : i32
          %gather3A_493 = tpu.memref_slice %arg5[%scan3A_255, %gather3A_491, %gather3A_492] : memref<2x32x128xf32, #tpu.memory_space<vmem>> -> memref<1x32x128xf32, #tpu.memory_space<vmem>>
          %gather3A_494 = tpu.memref_squeeze %gather3A_493 : memref<1x32x128xf32, #tpu.memory_space<vmem>> -> memref<32x128xf32, #tpu.memory_space<vmem>>
          %gather3A_495 = tpu.vector_load_idx %gather3A_494[%add3A_94, %shift_right_arithmetic3A_490] : memref<32x128xf32, #tpu.memory_space<vmem>>[vector<16xi32>, vector<16xi32>], vector<16xf32>,
          tpu.vector_store_idx %arg6[%add3A_487], %gather3A_495 : memref<4096xf32, #tpu.memory_space<vmem>>[vector<16xi32>], vector<16xf32>,
          %add3A_496 = vector.broadcast %mul3A_437 : i32 to vector<16xi32>
          %add3A_497 = arith.addi %add3A_496, %add3A_163 : vector<16xi32>
          %shift_right_arithmetic3A_498 = arith.constant 5 : i32
          %shift_right_arithmetic3A_499 = vector.broadcast %shift_right_arithmetic3A_498 : i32 to vector<16xi32>
          %shift_right_arithmetic3A_500 = arith.shrsi %add3A_497, %shift_right_arithmetic3A_499 : vector<16xi32>
          %gather3A_501 = arith.constant 0 : i32
          %gather3A_502 = arith.constant 0 : i32
          %gather3A_503 = tpu.memref_slice %arg5[%scan3A_255, %gather3A_501, %gather3A_502] : memref<2x32x128xf32, #tpu.memory_space<vmem>> -> memref<1x32x128xf32, #tpu.memory_space<vmem>>
          %gather3A_504 = tpu.memref_squeeze %gather3A_503 : memref<1x32x128xf32, #tpu.memory_space<vmem>> -> memref<32x128xf32, #tpu.memory_space<vmem>>
          %gather3A_505 = tpu.vector_load_idx %gather3A_504[%add3A_94, %shift_right_arithmetic3A_500] : memref<32x128xf32, #tpu.memory_space<vmem>>[vector<16xi32>, vector<16xi32>], vector<16xf32>,
          tpu.vector_store_idx %arg6[%add3A_497], %gather3A_505 : memref<4096xf32, #tpu.memory_space<vmem>>[vector<16xi32>], vector<16xf32>,
          %add3A_506 = vector.broadcast %mul3A_437 : i32 to vector<16xi32>
          %add3A_507 = arith.addi %add3A_506, %add3A_173 : vector<16xi32>
          %shift_right_arithmetic3A_508 = arith.constant 5 : i32
          %shift_right_arithmetic3A_509 = vector.broadcast %shift_right_arithmetic3A_508 : i32 to vector<16xi32>
          %shift_right_arithmetic3A_510 = arith.shrsi %add3A_507, %shift_right_arithmetic3A_509 : vector<16xi32>
          %gather3A_511 = arith.constant 0 : i32
          %gather3A_512 = arith.constant 0 : i32
          %gather3A_513 = tpu.memref_slice %arg5[%scan3A_255, %gather3A_511, %gather3A_512] : memref<2x32x128xf32, #tpu.memory_space<vmem>> -> memref<1x32x128xf32, #tpu.memory_space<vmem>>
          %gather3A_514 = tpu.memref_squeeze %gather3A_513 : memref<1x32x128xf32, #tpu.memory_space<vmem>> -> memref<32x128xf32, #tpu.memory_space<vmem>>
          %gather3A_515 = tpu.vector_load_idx %gather3A_514[%add3A_94, %shift_right_arithmetic3A_510] : memref<32x128xf32, #tpu.memory_space<vmem>>[vector<16xi32>, vector<16xi32>], vector<16xf32>,
          tpu.vector_store_idx %arg6[%add3A_507], %gather3A_515 : memref<4096xf32, #tpu.memory_space<vmem>>[vector<16xi32>], vector<16xf32>,
          %add3A_516 = vector.broadcast %mul3A_437 : i32 to vector<16xi32>
          %add3A_517 = arith.addi %add3A_516, %add3A_183 : vector<16xi32>
          %shift_right_arithmetic3A_518 = arith.constant 5 : i32
          %shift_right_arithmetic3A_519 = vector.broadcast %shift_right_arithmetic3A_518 : i32 to vector<16xi32>
          %shift_right_arithmetic3A_520 = arith.shrsi %add3A_517, %shift_right_arithmetic3A_519 : vector<16xi32>
          %gather3A_521 = arith.constant 0 : i32
          %gather3A_522 = arith.constant 0 : i32
          %gather3A_523 = tpu.memref_slice %arg5[%scan3A_255, %gather3A_521, %gather3A_522] : memref<2x32x128xf32, #tpu.memory_space<vmem>> -> memref<1x32x128xf32, #tpu.memory_space<vmem>>
          %gather3A_524 = tpu.memref_squeeze %gather3A_523 : memref<1x32x128xf32, #tpu.memory_space<vmem>> -> memref<32x128xf32, #tpu.memory_space<vmem>>
          %gather3A_525 = tpu.vector_load_idx %gather3A_524[%add3A_94, %shift_right_arithmetic3A_520] : memref<32x128xf32, #tpu.memory_space<vmem>>[vector<16xi32>, vector<16xi32>], vector<16xf32>,
          tpu.vector_store_idx %arg6[%add3A_517], %gather3A_525 : memref<4096xf32, #tpu.memory_space<vmem>>[vector<16xi32>], vector<16xf32>,
          %add3A_526 = vector.broadcast %mul3A_437 : i32 to vector<16xi32>
          %add3A_527 = arith.addi %add3A_526, %add3A_193 : vector<16xi32>
          %shift_right_arithmetic3A_528 = arith.constant 5 : i32
          %shift_right_arithmetic3A_529 = vector.broadcast %shift_right_arithmetic3A_528 : i32 to vector<16xi32>
          %shift_right_arithmetic3A_530 = arith.shrsi %add3A_527, %shift_right_arithmetic3A_529 : vector<16xi32>
          %gather3A_531 = arith.constant 0 : i32
          %gather3A_532 = arith.constant 0 : i32
          %gather3A_533 = tpu.memref_slice %arg5[%scan3A_255, %gather3A_531, %gather3A_532] : memref<2x32x128xf32, #tpu.memory_space<vmem>> -> memref<1x32x128xf32, #tpu.memory_space<vmem>>
          %gather3A_534 = tpu.memref_squeeze %gather3A_533 : memref<1x32x128xf32, #tpu.memory_space<vmem>> -> memref<32x128xf32, #tpu.memory_space<vmem>>
          %gather3A_535 = tpu.vector_load_idx %gather3A_534[%add3A_94, %shift_right_arithmetic3A_530] : memref<32x128xf32, #tpu.memory_space<vmem>>[vector<16xi32>, vector<16xi32>], vector<16xf32>,
          tpu.vector_store_idx %arg6[%add3A_527], %gather3A_535 : memref<4096xf32, #tpu.memory_space<vmem>>[vector<16xi32>], vector<16xf32>,
          %add3A_536 = vector.broadcast %mul3A_437 : i32 to vector<16xi32>
          %add3A_537 = arith.addi %add3A_536, %add3A_203 : vector<16xi32>
          %shift_right_arithmetic3A_538 = arith.constant 5 : i32
          %shift_right_arithmetic3A_539 = vector.broadcast %shift_right_arithmetic3A_538 : i32 to vector<16xi32>
          %shift_right_arithmetic3A_540 = arith.shrsi %add3A_537, %shift_right_arithmetic3A_539 : vector<16xi32>
          %gather3A_541 = arith.constant 0 : i32
          %gather3A_542 = arith.constant 0 : i32
          %gather3A_543 = tpu.memref_slice %arg5[%scan3A_255, %gather3A_541, %gather3A_542] : memref<2x32x128xf32, #tpu.memory_space<vmem>> -> memref<1x32x128xf32, #tpu.memory_space<vmem>>
          %gather3A_544 = tpu.memref_squeeze %gather3A_543 : memref<1x32x128xf32, #tpu.memory_space<vmem>> -> memref<32x128xf32, #tpu.memory_space<vmem>>
          %gather3A_545 = tpu.vector_load_idx %gather3A_544[%add3A_94, %shift_right_arithmetic3A_540] : memref<32x128xf32, #tpu.memory_space<vmem>>[vector<16xi32>, vector<16xi32>], vector<16xf32>,
          tpu.vector_store_idx %arg6[%add3A_537], %gather3A_545 : memref<4096xf32, #tpu.memory_space<vmem>>[vector<16xi32>], vector<16xf32>,
          %add3A_546 = vector.broadcast %mul3A_437 : i32 to vector<16xi32>
          %add3A_547 = arith.addi %add3A_546, %add3A_213 : vector<16xi32>
          %shift_right_arithmetic3A_548 = arith.constant 5 : i32
          %shift_right_arithmetic3A_549 = vector.broadcast %shift_right_arithmetic3A_548 : i32 to vector<16xi32>
          %shift_right_arithmetic3A_550 = arith.shrsi %add3A_547, %shift_right_arithmetic3A_549 : vector<16xi32>
          %gather3A_551 = arith.constant 0 : i32
          %gather3A_552 = arith.constant 0 : i32
          %gather3A_553 = tpu.memref_slice %arg5[%scan3A_255, %gather3A_551, %gather3A_552] : memref<2x32x128xf32, #tpu.memory_space<vmem>> -> memref<1x32x128xf32, #tpu.memory_space<vmem>>
          %gather3A_554 = tpu.memref_squeeze %gather3A_553 : memref<1x32x128xf32, #tpu.memory_space<vmem>> -> memref<32x128xf32, #tpu.memory_space<vmem>>
          %gather3A_555 = tpu.vector_load_idx %gather3A_554[%add3A_94, %shift_right_arithmetic3A_550] : memref<32x128xf32, #tpu.memory_space<vmem>>[vector<16xi32>, vector<16xi32>], vector<16xf32>,
          tpu.vector_store_idx %arg6[%add3A_547], %gather3A_555 : memref<4096xf32, #tpu.memory_space<vmem>>[vector<16xi32>], vector<16xf32>,
          %add3A_556 = vector.broadcast %mul3A_437 : i32 to vector<16xi32>
          %add3A_557 = arith.addi %add3A_556, %add3A_223 : vector<16xi32>
          %shift_right_arithmetic3A_558 = arith.constant 5 : i32
          %shift_right_arithmetic3A_559 = vector.broadcast %shift_right_arithmetic3A_558 : i32 to vector<16xi32>
          %shift_right_arithmetic3A_560 = arith.shrsi %add3A_557, %shift_right_arithmetic3A_559 : vector<16xi32>
          %gather3A_561 = arith.constant 0 : i32
          %gather3A_562 = arith.constant 0 : i32
          %gather3A_563 = tpu.memref_slice %arg5[%scan3A_255, %gather3A_561, %gather3A_562] : memref<2x32x128xf32, #tpu.memory_space<vmem>> -> memref<1x32x128xf32, #tpu.memory_space<vmem>>
          %gather3A_564 = tpu.memref_squeeze %gather3A_563 : memref<1x32x128xf32, #tpu.memory_space<vmem>> -> memref<32x128xf32, #tpu.memory_space<vmem>>
          %gather3A_565 = tpu.vector_load_idx %gather3A_564[%add3A_94, %shift_right_arithmetic3A_560] : memref<32x128xf32, #tpu.memory_space<vmem>>[vector<16xi32>, vector<16xi32>], vector<16xf32>,
          tpu.vector_store_idx %arg6[%add3A_557], %gather3A_565 : memref<4096xf32, #tpu.memory_space<vmem>>[vector<16xi32>], vector<16xf32>,
          %add3A_566 = vector.broadcast %mul3A_437 : i32 to vector<16xi32>
          %add3A_567 = arith.addi %add3A_566, %add3A_233 : vector<16xi32>
          %shift_right_arithmetic3A_568 = arith.constant 5 : i32
          %shift_right_arithmetic3A_569 = vector.broadcast %shift_right_arithmetic3A_568 : i32 to vector<16xi32>
          %shift_right_arithmetic3A_570 = arith.shrsi %add3A_567, %shift_right_arithmetic3A_569 : vector<16xi32>
          %gather3A_571 = arith.constant 0 : i32
          %gather3A_572 = arith.constant 0 : i32
          %gather3A_573 = tpu.memref_slice %arg5[%scan3A_255, %gather3A_571, %gather3A_572] : memref<2x32x128xf32, #tpu.memory_space<vmem>> -> memref<1x32x128xf32, #tpu.memory_space<vmem>>
          %gather3A_574 = tpu.memref_squeeze %gather3A_573 : memref<1x32x128xf32, #tpu.memory_space<vmem>> -> memref<32x128xf32, #tpu.memory_space<vmem>>
          %gather3A_575 = tpu.vector_load_idx %gather3A_574[%add3A_94, %shift_right_arithmetic3A_570] : memref<32x128xf32, #tpu.memory_space<vmem>>[vector<16xi32>, vector<16xi32>], vector<16xf32>,
          tpu.vector_store_idx %arg6[%add3A_567], %gather3A_575 : memref<4096xf32, #tpu.memory_space<vmem>>[vector<16xi32>], vector<16xf32>,
          %add3A_576 = vector.broadcast %mul3A_437 : i32 to vector<16xi32>
          %add3A_577 = arith.addi %add3A_576, %add3A_243 : vector<16xi32>
          %shift_right_arithmetic3A_578 = arith.constant 5 : i32
          %shift_right_arithmetic3A_579 = vector.broadcast %shift_right_arithmetic3A_578 : i32 to vector<16xi32>
          %shift_right_arithmetic3A_580 = arith.shrsi %add3A_577, %shift_right_arithmetic3A_579 : vector<16xi32>
          %gather3A_581 = arith.constant 0 : i32
          %gather3A_582 = arith.constant 0 : i32
          %gather3A_583 = tpu.memref_slice %arg5[%scan3A_255, %gather3A_581, %gather3A_582] : memref<2x32x128xf32, #tpu.memory_space<vmem>> -> memref<1x32x128xf32, #tpu.memory_space<vmem>>
          %gather3A_584 = tpu.memref_squeeze %gather3A_583 : memref<1x32x128xf32, #tpu.memory_space<vmem>> -> memref<32x128xf32, #tpu.memory_space<vmem>>
          %gather3A_585 = tpu.vector_load_idx %gather3A_584[%add3A_94, %shift_right_arithmetic3A_580] : memref<32x128xf32, #tpu.memory_space<vmem>>[vector<16xi32>, vector<16xi32>], vector<16xf32>,
          tpu.vector_store_idx %arg6[%add3A_577], %gather3A_585 : memref<4096xf32, #tpu.memory_space<vmem>>[vector<16xi32>], vector<16xf32>,
          %add3A_586 = vector.broadcast %mul3A_437 : i32 to vector<16xi32>
          %add3A_587 = arith.addi %add3A_586, %add3A_253 : vector<16xi32>
          %shift_right_arithmetic3A_588 = arith.constant 5 : i32
          %shift_right_arithmetic3A_589 = vector.broadcast %shift_right_arithmetic3A_588 : i32 to vector<16xi32>
          %shift_right_arithmetic3A_590 = arith.shrsi %add3A_587, %shift_right_arithmetic3A_589 : vector<16xi32>
          %gather3A_591 = arith.constant 0 : i32
          %gather3A_592 = arith.constant 0 : i32
          %gather3A_593 = tpu.memref_slice %arg5[%scan3A_255, %gather3A_591, %gather3A_592] : memref<2x32x128xf32, #tpu.memory_space<vmem>> -> memref<1x32x128xf32, #tpu.memory_space<vmem>>
          %gather3A_594 = tpu.memref_squeeze %gather3A_593 : memref<1x32x128xf32, #tpu.memory_space<vmem>> -> memref<32x128xf32, #tpu.memory_space<vmem>>
          %gather3A_595 = tpu.vector_load_idx %gather3A_594[%add3A_94, %shift_right_arithmetic3A_590] : memref<32x128xf32, #tpu.memory_space<vmem>>[vector<16xi32>, vector<16xi32>], vector<16xf32>,
          tpu.vector_store_idx %arg6[%add3A_587], %gather3A_595 : memref<4096xf32, #tpu.memory_space<vmem>>[vector<16xi32>], vector<16xf32>,
        }
        %scan3A_260 = arith.constant 8 : i32
        %add3A_261 = arith.constant 16 : i32
        %add3A_262 = vector.broadcast %add3A_261 : i32 to vector<16xi32>
        %add3A_263 = arith.addi %add3A_262, %iota3A : vector<16xi32>
        %add3A_264 = arith.constant 0 : i32
        %add3A_265 = vector.broadcast %add3A_264 : i32 to vector<16xi32>
        %add3A_266 = arith.addi %iota3A, %add3A_265 : vector<16xi32>
        %and3A_267 = arith.constant 15 : i32
        %and3A_268 = vector.broadcast %and3A_267 : i32 to vector<16xi32>
        %and3A_269 = arith.andi %add3A_266, %and3A_268 : vector<16xi32>
        %mul3A_270 = arith.constant 32 : i32
        %mul3A_271 = vector.broadcast %mul3A_270 : i32 to vector<16xi32>
        %mul3A_272 = arith.muli %and3A_269, %mul3A_271 : vector<16xi32>
        %add3A_273 = arith.addi %mul3A_272, %add3A_263 : vector<16xi32>
        %add3A_274 = arith.constant 1 : i32
        %add3A_275 = vector.broadcast %add3A_274 : i32 to vector<16xi32>
        %add3A_276 = arith.addi %iota3A, %add3A_275 : vector<16xi32>
        %and3A_277 = arith.constant 15 : i32
        %and3A_278 = vector.broadcast %and3A_277 : i32 to vector<16xi32>
        %and3A_279 = arith.andi %add3A_276, %and3A_278 : vector<16xi32>
        %mul3A_280 = arith.constant 32 : i32
        %mul3A_281 = vector.broadcast %mul3A_280 : i32 to vector<16xi32>
        %mul3A_282 = arith.muli %and3A_279, %mul3A_281 : vector<16xi32>
        %add3A_283 = arith.addi %mul3A_282, %add3A_263 : vector<16xi32>
        %add3A_284 = arith.constant 2 : i32
        %add3A_285 = vector.broadcast %add3A_284 : i32 to vector<16xi32>
        %add3A_286 = arith.addi %iota3A, %add3A_285 : vector<16xi32>
        %and3A_287 = arith.constant 15 : i32
        %and3A_288 = vector.broadcast %and3A_287 : i32 to vector<16xi32>
        %and3A_289 = arith.andi %add3A_286, %and3A_288 : vector<16xi32>
        %mul3A_290 = arith.constant 32 : i32
        %mul3A_291 = vector.broadcast %mul3A_290 : i32 to vector<16xi32>
        %mul3A_292 = arith.muli %and3A_289, %mul3A_291 : vector<16xi32>
        %add3A_293 = arith.addi %mul3A_292, %add3A_263 : vector<16xi32>
        %add3A_294 = arith.constant 3 : i32
        %add3A_295 = vector.broadcast %add3A_294 : i32 to vector<16xi32>
        %add3A_296 = arith.addi %iota3A, %add3A_295 : vector<16xi32>
        %and3A_297 = arith.constant 15 : i32
        %and3A_298 = vector.broadcast %and3A_297 : i32 to vector<16xi32>
        %and3A_299 = arith.andi %add3A_296, %and3A_298 : vector<16xi32>
        %mul3A_300 = arith.constant 32 : i32
        %mul3A_301 = vector.broadcast %mul3A_300 : i32 to vector<16xi32>
        %mul3A_302 = arith.muli %and3A_299, %mul3A_301 : vector<16xi32>
        %add3A_303 = arith.addi %mul3A_302, %add3A_263 : vector<16xi32>
        %add3A_304 = arith.constant 4 : i32
        %add3A_305 = vector.broadcast %add3A_304 : i32 to vector<16xi32>
        %add3A_306 = arith.addi %iota3A, %add3A_305 : vector<16xi32>
        %and3A_307 = arith.constant 15 : i32
        %and3A_308 = vector.broadcast %and3A_307 : i32 to vector<16xi32>
        %and3A_309 = arith.andi %add3A_306, %and3A_308 : vector<16xi32>
        %mul3A_310 = arith.constant 32 : i32
        %mul3A_311 = vector.broadcast %mul3A_310 : i32 to vector<16xi32>
        %mul3A_312 = arith.muli %and3A_309, %mul3A_311 : vector<16xi32>
        %add3A_313 = arith.addi %mul3A_312, %add3A_263 : vector<16xi32>
        %add3A_314 = arith.constant 5 : i32
        %add3A_315 = vector.broadcast %add3A_314 : i32 to vector<16xi32>
        %add3A_316 = arith.addi %iota3A, %add3A_315 : vector<16xi32>
        %and3A_317 = arith.constant 15 : i32
        %and3A_318 = vector.broadcast %and3A_317 : i32 to vector<16xi32>
        %and3A_319 = arith.andi %add3A_316, %and3A_318 : vector<16xi32>
        %mul3A_320 = arith.constant 32 : i32
        %mul3A_321 = vector.broadcast %mul3A_320 : i32 to vector<16xi32>
        %mul3A_322 = arith.muli %and3A_319, %mul3A_321 : vector<16xi32>
        %add3A_323 = arith.addi %mul3A_322, %add3A_263 : vector<16xi32>
        %add3A_324 = arith.constant 6 : i32
        %add3A_325 = vector.broadcast %add3A_324 : i32 to vector<16xi32>
        %add3A_326 = arith.addi %iota3A, %add3A_325 : vector<16xi32>
        %and3A_327 = arith.constant 15 : i32
        %and3A_328 = vector.broadcast %and3A_327 : i32 to vector<16xi32>
        %and3A_329 = arith.andi %add3A_326, %and3A_328 : vector<16xi32>
        %mul3A_330 = arith.constant 32 : i32
        %mul3A_331 = vector.broadcast %mul3A_330 : i32 to vector<16xi32>
        %mul3A_332 = arith.muli %and3A_329, %mul3A_331 : vector<16xi32>
        %add3A_333 = arith.addi %mul3A_332, %add3A_263 : vector<16xi32>
        %add3A_334 = arith.constant 7 : i32
        %add3A_335 = vector.broadcast %add3A_334 : i32 to vector<16xi32>
        %add3A_336 = arith.addi %iota3A, %add3A_335 : vector<16xi32>
        %and3A_337 = arith.constant 15 : i32
        %and3A_338 = vector.broadcast %and3A_337 : i32 to vector<16xi32>
        %and3A_339 = arith.andi %add3A_336, %and3A_338 : vector<16xi32>
        %mul3A_340 = arith.constant 32 : i32
        %mul3A_341 = vector.broadcast %mul3A_340 : i32 to vector<16xi32>
        %mul3A_342 = arith.muli %and3A_339, %mul3A_341 : vector<16xi32>
        %add3A_343 = arith.addi %mul3A_342, %add3A_263 : vector<16xi32>
        %add3A_344 = arith.constant 8 : i32
        %add3A_345 = vector.broadcast %add3A_344 : i32 to vector<16xi32>
        %add3A_346 = arith.addi %iota3A, %add3A_345 : vector<16xi32>
        %and3A_347 = arith.constant 15 : i32
        %and3A_348 = vector.broadcast %and3A_347 : i32 to vector<16xi32>
        %and3A_349 = arith.andi %add3A_346, %and3A_348 : vector<16xi32>
        %mul3A_350 = arith.constant 32 : i32
        %mul3A_351 = vector.broadcast %mul3A_350 : i32 to vector<16xi32>
        %mul3A_352 = arith.muli %and3A_349, %mul3A_351 : vector<16xi32>
        %add3A_353 = arith.addi %mul3A_352, %add3A_263 : vector<16xi32>
        %add3A_354 = arith.constant 9 : i32
        %add3A_355 = vector.broadcast %add3A_354 : i32 to vector<16xi32>
        %add3A_356 = arith.addi %iota3A, %add3A_355 : vector<16xi32>
        %and3A_357 = arith.constant 15 : i32
        %and3A_358 = vector.broadcast %and3A_357 : i32 to vector<16xi32>
        %and3A_359 = arith.andi %add3A_356, %and3A_358 : vector<16xi32>
        %mul3A_360 = arith.constant 32 : i32
        %mul3A_361 = vector.broadcast %mul3A_360 : i32 to vector<16xi32>
        %mul3A_362 = arith.muli %and3A_359, %mul3A_361 : vector<16xi32>
        %add3A_363 = arith.addi %mul3A_362, %add3A_263 : vector<16xi32>
        %add3A_364 = arith.constant 10 : i32
        %add3A_365 = vector.broadcast %add3A_364 : i32 to vector<16xi32>
        %add3A_366 = arith.addi %iota3A, %add3A_365 : vector<16xi32>
        %and3A_367 = arith.constant 15 : i32
        %and3A_368 = vector.broadcast %and3A_367 : i32 to vector<16xi32>
        %and3A_369 = arith.andi %add3A_366, %and3A_368 : vector<16xi32>
        %mul3A_370 = arith.constant 32 : i32
        %mul3A_371 = vector.broadcast %mul3A_370 : i32 to vector<16xi32>
        %mul3A_372 = arith.muli %and3A_369, %mul3A_371 : vector<16xi32>
        %add3A_373 = arith.addi %mul3A_372, %add3A_263 : vector<16xi32>
        %add3A_374 = arith.constant 11 : i32
        %add3A_375 = vector.broadcast %add3A_374 : i32 to vector<16xi32>
        %add3A_376 = arith.addi %iota3A, %add3A_375 : vector<16xi32>
        %and3A_377 = arith.constant 15 : i32
        %and3A_378 = vector.broadcast %and3A_377 : i32 to vector<16xi32>
        %and3A_379 = arith.andi %add3A_376, %and3A_378 : vector<16xi32>
        %mul3A_380 = arith.constant 32 : i32
        %mul3A_381 = vector.broadcast %mul3A_380 : i32 to vector<16xi32>
        %mul3A_382 = arith.muli %and3A_379, %mul3A_381 : vector<16xi32>
        %add3A_383 = arith.addi %mul3A_382, %add3A_263 : vector<16xi32>
        %add3A_384 = arith.constant 12 : i32
        %add3A_385 = vector.broadcast %add3A_384 : i32 to vector<16xi32>
        %add3A_386 = arith.addi %iota3A, %add3A_385 : vector<16xi32>
        %and3A_387 = arith.constant 15 : i32
        %and3A_388 = vector.broadcast %and3A_387 : i32 to vector<16xi32>
        %and3A_389 = arith.andi %add3A_386, %and3A_388 : vector<16xi32>
        %mul3A_390 = arith.constant 32 : i32
        %mul3A_391 = vector.broadcast %mul3A_390 : i32 to vector<16xi32>
        %mul3A_392 = arith.muli %and3A_389, %mul3A_391 : vector<16xi32>
        %add3A_393 = arith.addi %mul3A_392, %add3A_263 : vector<16xi32>
        %add3A_394 = arith.constant 13 : i32
        %add3A_395 = vector.broadcast %add3A_394 : i32 to vector<16xi32>
        %add3A_396 = arith.addi %iota3A, %add3A_395 : vector<16xi32>
        %and3A_397 = arith.constant 15 : i32
        %and3A_398 = vector.broadcast %and3A_397 : i32 to vector<16xi32>
        %and3A_399 = arith.andi %add3A_396, %and3A_398 : vector<16xi32>
        %mul3A_400 = arith.constant 32 : i32
        %mul3A_401 = vector.broadcast %mul3A_400 : i32 to vector<16xi32>
        %mul3A_402 = arith.muli %and3A_399, %mul3A_401 : vector<16xi32>
        %add3A_403 = arith.addi %mul3A_402, %add3A_263 : vector<16xi32>
        %add3A_404 = arith.constant 14 : i32
        %add3A_405 = vector.broadcast %add3A_404 : i32 to vector<16xi32>
        %add3A_406 = arith.addi %iota3A, %add3A_405 : vector<16xi32>
        %and3A_407 = arith.constant 15 : i32
        %and3A_408 = vector.broadcast %and3A_407 : i32 to vector<16xi32>
        %and3A_409 = arith.andi %add3A_406, %and3A_408 : vector<16xi32>
        %mul3A_410 = arith.constant 32 : i32
        %mul3A_411 = vector.broadcast %mul3A_410 : i32 to vector<16xi32>
        %mul3A_412 = arith.muli %and3A_409, %mul3A_411 : vector<16xi32>
        %add3A_413 = arith.addi %mul3A_412, %add3A_263 : vector<16xi32>
        %add3A_414 = arith.constant 15 : i32
        %add3A_415 = vector.broadcast %add3A_414 : i32 to vector<16xi32>
        %add3A_416 = arith.addi %iota3A, %add3A_415 : vector<16xi32>
        %and3A_417 = arith.constant 15 : i32
        %and3A_418 = vector.broadcast %and3A_417 : i32 to vector<16xi32>
        %and3A_419 = arith.andi %add3A_416, %and3A_418 : vector<16xi32>
        %mul3A_420 = arith.constant 32 : i32
        %mul3A_421 = vector.broadcast %mul3A_420 : i32 to vector<16xi32>
        %mul3A_422 = arith.muli %and3A_419, %mul3A_421 : vector<16xi32>
        %add3A_423 = arith.addi %mul3A_422, %add3A_263 : vector<16xi32>
        %scan3A_424 = arith.constant 0 : i32
        %scan3A_425 = arith.constant 0 : i32
        %scan3A_426 = arith.constant 0 : i32
        %scan3A_427 = arith.constant 8 : i32
        %scan3A_428 = arith.addi %scan3A_426, %scan3A_427 : i32
        %scan3A_429 = arith.constant 1 : i32
        scf.for %scan3A_435 = %scan3A_426 to %scan3A_428 step %scan3A_429  : i32 {
          %mul3A_436 = arith.constant 512 : i32
          %mul3A_437 = arith.muli %scan3A_435, %mul3A_436 : i32
          %add3A_438 = vector.broadcast %mul3A_437 : i32 to vector<16xi32>
          %add3A_439 = arith.addi %add3A_438, %add3A_273 : vector<16xi32>
          %shift_right_arithmetic3A = arith.constant 5 : i32
          %shift_right_arithmetic3A_440 = vector.broadcast %shift_right_arithmetic3A : i32 to vector<16xi32>
          %shift_right_arithmetic3A_441 = arith.shrsi %add3A_439, %shift_right_arithmetic3A_440 : vector<16xi32>
          %gather3A = arith.constant 0 : i32
          %gather3A_442 = arith.constant 0 : i32
          %gather3A_443 = tpu.memref_slice %arg5[%scan3A_425, %gather3A, %gather3A_442] : memref<2x32x128xf32, #tpu.memory_space<vmem>> -> memref<1x32x128xf32, #tpu.memory_space<vmem>>
          %gather3A_444 = tpu.memref_squeeze %gather3A_443 : memref<1x32x128xf32, #tpu.memory_space<vmem>> -> memref<32x128xf32, #tpu.memory_space<vmem>>
          %gather3A_445 = tpu.vector_load_idx %gather3A_444[%add3A_263, %shift_right_arithmetic3A_441] : memref<32x128xf32, #tpu.memory_space<vmem>>[vector<16xi32>, vector<16xi32>], vector<16xf32>,
          tpu.vector_store_idx %arg6[%add3A_439], %gather3A_445 : memref<4096xf32, #tpu.memory_space<vmem>>[vector<16xi32>], vector<16xf32>,
          %add3A_446 = vector.broadcast %mul3A_437 : i32 to vector<16xi32>
          %add3A_447 = arith.addi %add3A_446, %add3A_283 : vector<16xi32>
          %shift_right_arithmetic3A_448 = arith.constant 5 : i32
          %shift_right_arithmetic3A_449 = vector.broadcast %shift_right_arithmetic3A_448 : i32 to vector<16xi32>
          %shift_right_arithmetic3A_450 = arith.shrsi %add3A_447, %shift_right_arithmetic3A_449 : vector<16xi32>
          %gather3A_451 = arith.constant 0 : i32
          %gather3A_452 = arith.constant 0 : i32
          %gather3A_453 = tpu.memref_slice %arg5[%scan3A_425, %gather3A_451, %gather3A_452] : memref<2x32x128xf32, #tpu.memory_space<vmem>> -> memref<1x32x128xf32, #tpu.memory_space<vmem>>
          %gather3A_454 = tpu.memref_squeeze %gather3A_453 : memref<1x32x128xf32, #tpu.memory_space<vmem>> -> memref<32x128xf32, #tpu.memory_space<vmem>>
          %gather3A_455 = tpu.vector_load_idx %gather3A_454[%add3A_263, %shift_right_arithmetic3A_450] : memref<32x128xf32, #tpu.memory_space<vmem>>[vector<16xi32>, vector<16xi32>], vector<16xf32>,
          tpu.vector_store_idx %arg6[%add3A_447], %gather3A_455 : memref<4096xf32, #tpu.memory_space<vmem>>[vector<16xi32>], vector<16xf32>,
          %add3A_456 = vector.broadcast %mul3A_437 : i32 to vector<16xi32>
          %add3A_457 = arith.addi %add3A_456, %add3A_293 : vector<16xi32>
          %shift_right_arithmetic3A_458 = arith.constant 5 : i32
          %shift_right_arithmetic3A_459 = vector.broadcast %shift_right_arithmetic3A_458 : i32 to vector<16xi32>
          %shift_right_arithmetic3A_460 = arith.shrsi %add3A_457, %shift_right_arithmetic3A_459 : vector<16xi32>
          %gather3A_461 = arith.constant 0 : i32
          %gather3A_462 = arith.constant 0 : i32
          %gather3A_463 = tpu.memref_slice %arg5[%scan3A_425, %gather3A_461, %gather3A_462] : memref<2x32x128xf32, #tpu.memory_space<vmem>> -> memref<1x32x128xf32, #tpu.memory_space<vmem>>
          %gather3A_464 = tpu.memref_squeeze %gather3A_463 : memref<1x32x128xf32, #tpu.memory_space<vmem>> -> memref<32x128xf32, #tpu.memory_space<vmem>>
          %gather3A_465 = tpu.vector_load_idx %gather3A_464[%add3A_263, %shift_right_arithmetic3A_460] : memref<32x128xf32, #tpu.memory_space<vmem>>[vector<16xi32>, vector<16xi32>], vector<16xf32>,
          tpu.vector_store_idx %arg6[%add3A_457], %gather3A_465 : memref<4096xf32, #tpu.memory_space<vmem>>[vector<16xi32>], vector<16xf32>,
          %add3A_466 = vector.broadcast %mul3A_437 : i32 to vector<16xi32>
          %add3A_467 = arith.addi %add3A_466, %add3A_303 : vector<16xi32>
          %shift_right_arithmetic3A_468 = arith.constant 5 : i32
          %shift_right_arithmetic3A_469 = vector.broadcast %shift_right_arithmetic3A_468 : i32 to vector<16xi32>
          %shift_right_arithmetic3A_470 = arith.shrsi %add3A_467, %shift_right_arithmetic3A_469 : vector<16xi32>
          %gather3A_471 = arith.constant 0 : i32
          %gather3A_472 = arith.constant 0 : i32
          %gather3A_473 = tpu.memref_slice %arg5[%scan3A_425, %gather3A_471, %gather3A_472] : memref<2x32x128xf32, #tpu.memory_space<vmem>> -> memref<1x32x128xf32, #tpu.memory_space<vmem>>
          %gather3A_474 = tpu.memref_squeeze %gather3A_473 : memref<1x32x128xf32, #tpu.memory_space<vmem>> -> memref<32x128xf32, #tpu.memory_space<vmem>>
          %gather3A_475 = tpu.vector_load_idx %gather3A_474[%add3A_263, %shift_right_arithmetic3A_470] : memref<32x128xf32, #tpu.memory_space<vmem>>[vector<16xi32>, vector<16xi32>], vector<16xf32>,
          tpu.vector_store_idx %arg6[%add3A_467], %gather3A_475 : memref<4096xf32, #tpu.memory_space<vmem>>[vector<16xi32>], vector<16xf32>,
          %add3A_476 = vector.broadcast %mul3A_437 : i32 to vector<16xi32>
          %add3A_477 = arith.addi %add3A_476, %add3A_313 : vector<16xi32>
          %shift_right_arithmetic3A_478 = arith.constant 5 : i32
          %shift_right_arithmetic3A_479 = vector.broadcast %shift_right_arithmetic3A_478 : i32 to vector<16xi32>
          %shift_right_arithmetic3A_480 = arith.shrsi %add3A_477, %shift_right_arithmetic3A_479 : vector<16xi32>
          %gather3A_481 = arith.constant 0 : i32
          %gather3A_482 = arith.constant 0 : i32
          %gather3A_483 = tpu.memref_slice %arg5[%scan3A_425, %gather3A_481, %gather3A_482] : memref<2x32x128xf32, #tpu.memory_space<vmem>> -> memref<1x32x128xf32, #tpu.memory_space<vmem>>
          %gather3A_484 = tpu.memref_squeeze %gather3A_483 : memref<1x32x128xf32, #tpu.memory_space<vmem>> -> memref<32x128xf32, #tpu.memory_space<vmem>>
          %gather3A_485 = tpu.vector_load_idx %gather3A_484[%add3A_263, %shift_right_arithmetic3A_480] : memref<32x128xf32, #tpu.memory_space<vmem>>[vector<16xi32>, vector<16xi32>], vector<16xf32>,
          tpu.vector_store_idx %arg6[%add3A_477], %gather3A_485 : memref<4096xf32, #tpu.memory_space<vmem>>[vector<16xi32>], vector<16xf32>,
          %add3A_486 = vector.broadcast %mul3A_437 : i32 to vector<16xi32>
          %add3A_487 = arith.addi %add3A_486, %add3A_323 : vector<16xi32>
          %shift_right_arithmetic3A_488 = arith.constant 5 : i32
          %shift_right_arithmetic3A_489 = vector.broadcast %shift_right_arithmetic3A_488 : i32 to vector<16xi32>
          %shift_right_arithmetic3A_490 = arith.shrsi %add3A_487, %shift_right_arithmetic3A_489 : vector<16xi32>
          %gather3A_491 = arith.constant 0 : i32
          %gather3A_492 = arith.constant 0 : i32
          %gather3A_493 = tpu.memref_slice %arg5[%scan3A_425, %gather3A_491, %gather3A_492] : memref<2x32x128xf32, #tpu.memory_space<vmem>> -> memref<1x32x128xf32, #tpu.memory_space<vmem>>
          %gather3A_494 = tpu.memref_squeeze %gather3A_493 : memref<1x32x128xf32, #tpu.memory_space<vmem>> -> memref<32x128xf32, #tpu.memory_space<vmem>>
          %gather3A_495 = tpu.vector_load_idx %gather3A_494[%add3A_263, %shift_right_arithmetic3A_490] : memref<32x128xf32, #tpu.memory_space<vmem>>[vector<16xi32>, vector<16xi32>], vector<16xf32>,
          tpu.vector_store_idx %arg6[%add3A_487], %gather3A_495 : memref<4096xf32, #tpu.memory_space<vmem>>[vector<16xi32>], vector<16xf32>,
          %add3A_496 = vector.broadcast %mul3A_437 : i32 to vector<16xi32>
          %add3A_497 = arith.addi %add3A_496, %add3A_333 : vector<16xi32>
          %shift_right_arithmetic3A_498 = arith.constant 5 : i32
          %shift_right_arithmetic3A_499 = vector.broadcast %shift_right_arithmetic3A_498 : i32 to vector<16xi32>
          %shift_right_arithmetic3A_500 = arith.shrsi %add3A_497, %shift_right_arithmetic3A_499 : vector<16xi32>
          %gather3A_501 = arith.constant 0 : i32
          %gather3A_502 = arith.constant 0 : i32
          %gather3A_503 = tpu.memref_slice %arg5[%scan3A_425, %gather3A_501, %gather3A_502] : memref<2x32x128xf32, #tpu.memory_space<vmem>> -> memref<1x32x128xf32, #tpu.memory_space<vmem>>
          %gather3A_504 = tpu.memref_squeeze %gather3A_503 : memref<1x32x128xf32, #tpu.memory_space<vmem>> -> memref<32x128xf32, #tpu.memory_space<vmem>>
          %gather3A_505 = tpu.vector_load_idx %gather3A_504[%add3A_263, %shift_right_arithmetic3A_500] : memref<32x128xf32, #tpu.memory_space<vmem>>[vector<16xi32>, vector<16xi32>], vector<16xf32>,
          tpu.vector_store_idx %arg6[%add3A_497], %gather3A_505 : memref<4096xf32, #tpu.memory_space<vmem>>[vector<16xi32>], vector<16xf32>,
          %add3A_506 = vector.broadcast %mul3A_437 : i32 to vector<16xi32>
          %add3A_507 = arith.addi %add3A_506, %add3A_343 : vector<16xi32>
          %shift_right_arithmetic3A_508 = arith.constant 5 : i32
          %shift_right_arithmetic3A_509 = vector.broadcast %shift_right_arithmetic3A_508 : i32 to vector<16xi32>
          %shift_right_arithmetic3A_510 = arith.shrsi %add3A_507, %shift_right_arithmetic3A_509 : vector<16xi32>
          %gather3A_511 = arith.constant 0 : i32
          %gather3A_512 = arith.constant 0 : i32
          %gather3A_513 = tpu.memref_slice %arg5[%scan3A_425, %gather3A_511, %gather3A_512] : memref<2x32x128xf32, #tpu.memory_space<vmem>> -> memref<1x32x128xf32, #tpu.memory_space<vmem>>
          %gather3A_514 = tpu.memref_squeeze %gather3A_513 : memref<1x32x128xf32, #tpu.memory_space<vmem>> -> memref<32x128xf32, #tpu.memory_space<vmem>>
          %gather3A_515 = tpu.vector_load_idx %gather3A_514[%add3A_263, %shift_right_arithmetic3A_510] : memref<32x128xf32, #tpu.memory_space<vmem>>[vector<16xi32>, vector<16xi32>], vector<16xf32>,
          tpu.vector_store_idx %arg6[%add3A_507], %gather3A_515 : memref<4096xf32, #tpu.memory_space<vmem>>[vector<16xi32>], vector<16xf32>,
          %add3A_516 = vector.broadcast %mul3A_437 : i32 to vector<16xi32>
          %add3A_517 = arith.addi %add3A_516, %add3A_353 : vector<16xi32>
          %shift_right_arithmetic3A_518 = arith.constant 5 : i32
          %shift_right_arithmetic3A_519 = vector.broadcast %shift_right_arithmetic3A_518 : i32 to vector<16xi32>
          %shift_right_arithmetic3A_520 = arith.shrsi %add3A_517, %shift_right_arithmetic3A_519 : vector<16xi32>
          %gather3A_521 = arith.constant 0 : i32
          %gather3A_522 = arith.constant 0 : i32
          %gather3A_523 = tpu.memref_slice %arg5[%scan3A_425, %gather3A_521, %gather3A_522] : memref<2x32x128xf32, #tpu.memory_space<vmem>> -> memref<1x32x128xf32, #tpu.memory_space<vmem>>
          %gather3A_524 = tpu.memref_squeeze %gather3A_523 : memref<1x32x128xf32, #tpu.memory_space<vmem>> -> memref<32x128xf32, #tpu.memory_space<vmem>>
          %gather3A_525 = tpu.vector_load_idx %gather3A_524[%add3A_263, %shift_right_arithmetic3A_520] : memref<32x128xf32, #tpu.memory_space<vmem>>[vector<16xi32>, vector<16xi32>], vector<16xf32>,
          tpu.vector_store_idx %arg6[%add3A_517], %gather3A_525 : memref<4096xf32, #tpu.memory_space<vmem>>[vector<16xi32>], vector<16xf32>,
          %add3A_526 = vector.broadcast %mul3A_437 : i32 to vector<16xi32>
          %add3A_527 = arith.addi %add3A_526, %add3A_363 : vector<16xi32>
          %shift_right_arithmetic3A_528 = arith.constant 5 : i32
          %shift_right_arithmetic3A_529 = vector.broadcast %shift_right_arithmetic3A_528 : i32 to vector<16xi32>
          %shift_right_arithmetic3A_530 = arith.shrsi %add3A_527, %shift_right_arithmetic3A_529 : vector<16xi32>
          %gather3A_531 = arith.constant 0 : i32
          %gather3A_532 = arith.constant 0 : i32
          %gather3A_533 = tpu.memref_slice %arg5[%scan3A_425, %gather3A_531, %gather3A_532] : memref<2x32x128xf32, #tpu.memory_space<vmem>> -> memref<1x32x128xf32, #tpu.memory_space<vmem>>
          %gather3A_534 = tpu.memref_squeeze %gather3A_533 : memref<1x32x128xf32, #tpu.memory_space<vmem>> -> memref<32x128xf32, #tpu.memory_space<vmem>>
          %gather3A_535 = tpu.vector_load_idx %gather3A_534[%add3A_263, %shift_right_arithmetic3A_530] : memref<32x128xf32, #tpu.memory_space<vmem>>[vector<16xi32>, vector<16xi32>], vector<16xf32>,
          tpu.vector_store_idx %arg6[%add3A_527], %gather3A_535 : memref<4096xf32, #tpu.memory_space<vmem>>[vector<16xi32>], vector<16xf32>,
          %add3A_536 = vector.broadcast %mul3A_437 : i32 to vector<16xi32>
          %add3A_537 = arith.addi %add3A_536, %add3A_373 : vector<16xi32>
          %shift_right_arithmetic3A_538 = arith.constant 5 : i32
          %shift_right_arithmetic3A_539 = vector.broadcast %shift_right_arithmetic3A_538 : i32 to vector<16xi32>
          %shift_right_arithmetic3A_540 = arith.shrsi %add3A_537, %shift_right_arithmetic3A_539 : vector<16xi32>
          %gather3A_541 = arith.constant 0 : i32
          %gather3A_542 = arith.constant 0 : i32
          %gather3A_543 = tpu.memref_slice %arg5[%scan3A_425, %gather3A_541, %gather3A_542] : memref<2x32x128xf32, #tpu.memory_space<vmem>> -> memref<1x32x128xf32, #tpu.memory_space<vmem>>
          %gather3A_544 = tpu.memref_squeeze %gather3A_543 : memref<1x32x128xf32, #tpu.memory_space<vmem>> -> memref<32x128xf32, #tpu.memory_space<vmem>>
          %gather3A_545 = tpu.vector_load_idx %gather3A_544[%add3A_263, %shift_right_arithmetic3A_540] : memref<32x128xf32, #tpu.memory_space<vmem>>[vector<16xi32>, vector<16xi32>], vector<16xf32>,
          tpu.vector_store_idx %arg6[%add3A_537], %gather3A_545 : memref<4096xf32, #tpu.memory_space<vmem>>[vector<16xi32>], vector<16xf32>,
          %add3A_546 = vector.broadcast %mul3A_437 : i32 to vector<16xi32>
          %add3A_547 = arith.addi %add3A_546, %add3A_383 : vector<16xi32>
          %shift_right_arithmetic3A_548 = arith.constant 5 : i32
          %shift_right_arithmetic3A_549 = vector.broadcast %shift_right_arithmetic3A_548 : i32 to vector<16xi32>
          %shift_right_arithmetic3A_550 = arith.shrsi %add3A_547, %shift_right_arithmetic3A_549 : vector<16xi32>
          %gather3A_551 = arith.constant 0 : i32
          %gather3A_552 = arith.constant 0 : i32
          %gather3A_553 = tpu.memref_slice %arg5[%scan3A_425, %gather3A_551, %gather3A_552] : memref<2x32x128xf32, #tpu.memory_space<vmem>> -> memref<1x32x128xf32, #tpu.memory_space<vmem>>
          %gather3A_554 = tpu.memref_squeeze %gather3A_553 : memref<1x32x128xf32, #tpu.memory_space<vmem>> -> memref<32x128xf32, #tpu.memory_space<vmem>>
          %gather3A_555 = tpu.vector_load_idx %gather3A_554[%add3A_263, %shift_right_arithmetic3A_550] : memref<32x128xf32, #tpu.memory_space<vmem>>[vector<16xi32>, vector<16xi32>], vector<16xf32>,
          tpu.vector_store_idx %arg6[%add3A_547], %gather3A_555 : memref<4096xf32, #tpu.memory_space<vmem>>[vector<16xi32>], vector<16xf32>,
          %add3A_556 = vector.broadcast %mul3A_437 : i32 to vector<16xi32>
          %add3A_557 = arith.addi %add3A_556, %add3A_393 : vector<16xi32>
          %shift_right_arithmetic3A_558 = arith.constant 5 : i32
          %shift_right_arithmetic3A_559 = vector.broadcast %shift_right_arithmetic3A_558 : i32 to vector<16xi32>
          %shift_right_arithmetic3A_560 = arith.shrsi %add3A_557, %shift_right_arithmetic3A_559 : vector<16xi32>
          %gather3A_561 = arith.constant 0 : i32
          %gather3A_562 = arith.constant 0 : i32
          %gather3A_563 = tpu.memref_slice %arg5[%scan3A_425, %gather3A_561, %gather3A_562] : memref<2x32x128xf32, #tpu.memory_space<vmem>> -> memref<1x32x128xf32, #tpu.memory_space<vmem>>
          %gather3A_564 = tpu.memref_squeeze %gather3A_563 : memref<1x32x128xf32, #tpu.memory_space<vmem>> -> memref<32x128xf32, #tpu.memory_space<vmem>>
          %gather3A_565 = tpu.vector_load_idx %gather3A_564[%add3A_263, %shift_right_arithmetic3A_560] : memref<32x128xf32, #tpu.memory_space<vmem>>[vector<16xi32>, vector<16xi32>], vector<16xf32>,
          tpu.vector_store_idx %arg6[%add3A_557], %gather3A_565 : memref<4096xf32, #tpu.memory_space<vmem>>[vector<16xi32>], vector<16xf32>,
          %add3A_566 = vector.broadcast %mul3A_437 : i32 to vector<16xi32>
          %add3A_567 = arith.addi %add3A_566, %add3A_403 : vector<16xi32>
          %shift_right_arithmetic3A_568 = arith.constant 5 : i32
          %shift_right_arithmetic3A_569 = vector.broadcast %shift_right_arithmetic3A_568 : i32 to vector<16xi32>
          %shift_right_arithmetic3A_570 = arith.shrsi %add3A_567, %shift_right_arithmetic3A_569 : vector<16xi32>
          %gather3A_571 = arith.constant 0 : i32
          %gather3A_572 = arith.constant 0 : i32
          %gather3A_573 = tpu.memref_slice %arg5[%scan3A_425, %gather3A_571, %gather3A_572] : memref<2x32x128xf32, #tpu.memory_space<vmem>> -> memref<1x32x128xf32, #tpu.memory_space<vmem>>
          %gather3A_574 = tpu.memref_squeeze %gather3A_573 : memref<1x32x128xf32, #tpu.memory_space<vmem>> -> memref<32x128xf32, #tpu.memory_space<vmem>>
          %gather3A_575 = tpu.vector_load_idx %gather3A_574[%add3A_263, %shift_right_arithmetic3A_570] : memref<32x128xf32, #tpu.memory_space<vmem>>[vector<16xi32>, vector<16xi32>], vector<16xf32>,
          tpu.vector_store_idx %arg6[%add3A_567], %gather3A_575 : memref<4096xf32, #tpu.memory_space<vmem>>[vector<16xi32>], vector<16xf32>,
          %add3A_576 = vector.broadcast %mul3A_437 : i32 to vector<16xi32>
          %add3A_577 = arith.addi %add3A_576, %add3A_413 : vector<16xi32>
          %shift_right_arithmetic3A_578 = arith.constant 5 : i32
          %shift_right_arithmetic3A_579 = vector.broadcast %shift_right_arithmetic3A_578 : i32 to vector<16xi32>
          %shift_right_arithmetic3A_580 = arith.shrsi %add3A_577, %shift_right_arithmetic3A_579 : vector<16xi32>
          %gather3A_581 = arith.constant 0 : i32
          %gather3A_582 = arith.constant 0 : i32
          %gather3A_583 = tpu.memref_slice %arg5[%scan3A_425, %gather3A_581, %gather3A_582] : memref<2x32x128xf32, #tpu.memory_space<vmem>> -> memref<1x32x128xf32, #tpu.memory_space<vmem>>
          %gather3A_584 = tpu.memref_squeeze %gather3A_583 : memref<1x32x128xf32, #tpu.memory_space<vmem>> -> memref<32x128xf32, #tpu.memory_space<vmem>>
          %gather3A_585 = tpu.vector_load_idx %gather3A_584[%add3A_263, %shift_right_arithmetic3A_580] : memref<32x128xf32, #tpu.memory_space<vmem>>[vector<16xi32>, vector<16xi32>], vector<16xf32>,
          tpu.vector_store_idx %arg6[%add3A_577], %gather3A_585 : memref<4096xf32, #tpu.memory_space<vmem>>[vector<16xi32>], vector<16xf32>,
          %add3A_586 = vector.broadcast %mul3A_437 : i32 to vector<16xi32>
          %add3A_587 = arith.addi %add3A_586, %add3A_423 : vector<16xi32>
          %shift_right_arithmetic3A_588 = arith.constant 5 : i32
          %shift_right_arithmetic3A_589 = vector.broadcast %shift_right_arithmetic3A_588 : i32 to vector<16xi32>
          %shift_right_arithmetic3A_590 = arith.shrsi %add3A_587, %shift_right_arithmetic3A_589 : vector<16xi32>
          %gather3A_591 = arith.constant 0 : i32
          %gather3A_592 = arith.constant 0 : i32
          %gather3A_593 = tpu.memref_slice %arg5[%scan3A_425, %gather3A_591, %gather3A_592] : memref<2x32x128xf32, #tpu.memory_space<vmem>> -> memref<1x32x128xf32, #tpu.memory_space<vmem>>
          %gather3A_594 = tpu.memref_squeeze %gather3A_593 : memref<1x32x128xf32, #tpu.memory_space<vmem>> -> memref<32x128xf32, #tpu.memory_space<vmem>>
          %gather3A_595 = tpu.vector_load_idx %gather3A_594[%add3A_263, %shift_right_arithmetic3A_590] : memref<32x128xf32, #tpu.memory_space<vmem>>[vector<16xi32>, vector<16xi32>], vector<16xf32>,
          tpu.vector_store_idx %arg6[%add3A_587], %gather3A_595 : memref<4096xf32, #tpu.memory_space<vmem>>[vector<16xi32>], vector<16xf32>,
        }
        %scan3A_430 = arith.constant 8 : i32
        %mul3A_431 = arith.constant 4096 : i32
        %mul3A_432 = arith.muli %add3A_35, %mul3A_431 : i32
        %multiple_of3A_433 = tpu.assume_multiple %mul3A_432, 4096 : i32
        %dma_start3A = tpu.memref_slice %arg4[%multiple_of3A_433] : memref<32000000xf32, #tpu.memory_space<hbm>> -> memref<4096xf32, #tpu.memory_space<hbm>>
        %dma_start3A_434 = tpu.memref_slice %arg4[%multiple_of3A_433] : memref<32000000xf32, #tpu.memory_space<hbm>> -> memref<4096xf32, #tpu.memory_space<hbm>>
        tpu.enqueue_dma source(%arg6 : memref<4096xf32, #tpu.memory_space<vmem>>) target(%dma_start3A_434 : memref<4096xf32, #tpu.memory_space<hbm>>) target_semaphore(%arg11 : memref<!tpu.dma_semaphore, #tpu.memory_space<semaphore_mem>>)
      } else {
      }
      %add3A_41 = arith.constant 2 : i32
      %add3A_42 = arith.addi %add3A_32, %add3A_41 : i32
      %mul3A_43 = arith.constant 32 : i32
      %mul3A_44 = arith.muli %add3A_42, %mul3A_43 : i32
      %add3A_45 = arith.addi %mul3A_44, %add3A : i32
      %lt3A_46 = arith.constant 7812 : i32
      %lt3A_47 = arith.cmpi slt, %add3A_45, %lt3A_46 : i32
      %convert_element_type3A_48 = arith.extui %lt3A_47 : i1 to i32
      %cond3A_49 = arith.constant 0 : i32
      %cond3A_50 = arith.cmpi ne, %convert_element_type3A_48, %cond3A_49 : i32
      scf.if %cond3A_50 {
        %mul3A_73 = arith.constant 128 : i32
        %mul3A_74 = arith.muli %add3A_45, %mul3A_73 : i32
        %multiple_of3A = tpu.assume_multiple %mul3A_74, 128 : i32
        %dma_start3A = arith.constant 0 : i32
        %dma_start3A_75 = arith.constant 0 : i32
        %dma_start3A_76 = arith.constant 0 : i32
        %dma_start3A_77 = tpu.memref_slice %arg5[%dma_start3A, %dma_start3A_75, %dma_start3A_76] : memref<2x32x128xf32, #tpu.memory_space<vmem>> -> memref<1x32x128xf32, #tpu.memory_space<vmem>>
        %dma_start3A_78 = tpu.memref_squeeze %dma_start3A_77 : memref<1x32x128xf32, #tpu.memory_space<vmem>> -> memref<32x128xf32, #tpu.memory_space<vmem>>
        %dma_start3A_79 = arith.constant 0 : i32
        %dma_start3A_80 = tpu.memref_slice %arg2[%dma_start3A_79, %multiple_of3A] : memref<32x1000000xf32, #tpu.memory_space<hbm>> -> memref<32x128xf32, #tpu.memory_space<hbm>>
        %dma_start3A_81 = arith.constant 0 : i32
        %dma_start3A_82 = arith.constant 0 : i32
        %dma_start3A_83 = tpu.memref_slice %arg5[%dma_start3A, %dma_start3A_81, %dma_start3A_82] : memref<2x32x128xf32, #tpu.memory_space<vmem>> -> memref<1x32x128xf32, #tpu.memory_space<vmem>>
        %dma_start3A_84 = tpu.memref_squeeze %dma_start3A_83 : memref<1x32x128xf32, #tpu.memory_space<vmem>> -> memref<32x128xf32, #tpu.memory_space<vmem>>
        %dma_start3A_85 = arith.constant 0 : i32
        %dma_start3A_86 = tpu.memref_slice %arg2[%dma_start3A_85, %multiple_of3A] : memref<32x1000000xf32, #tpu.memory_space<hbm>> -> memref<32x128xf32, #tpu.memory_space<hbm>>
        tpu.enqueue_dma source(%dma_start3A_86 : memref<32x128xf32, #tpu.memory_space<hbm>>) target(%dma_start3A_84 : memref<32x128xf32, #tpu.memory_space<vmem>>) target_semaphore(%arg9 : memref<!tpu.dma_semaphore, #tpu.memory_space<semaphore_mem>>)
      } else {
      }
      %mul3A_51 = arith.constant 2 : i32
      %mul3A_52 = arith.muli %mul3A_51, %scan3A_28 : i32
      %add3A_53 = arith.constant 1 : i32
      %add3A_54 = arith.addi %mul3A_52, %add3A_53 : i32
      %mul3A_55 = arith.constant 32 : i32
      %mul3A_56 = arith.muli %add3A_54, %mul3A_55 : i32
      %add3A_57 = arith.addi %mul3A_56, %add3A : i32
      %lt3A_58 = arith.constant 7812 : i32
      %lt3A_59 = arith.cmpi slt, %add3A_57, %lt3A_58 : i32
      %convert_element_type3A_60 = arith.extui %lt3A_59 : i1 to i32
      %cond3A_61 = arith.constant 0 : i32
      %cond3A_62 = arith.cmpi ne, %convert_element_type3A_60, %cond3A_61 : i32
      scf.if %cond3A_62 {
        %mul3A_73 = arith.constant 128 : i32
        %mul3A_74 = arith.muli %add3A_57, %mul3A_73 : i32
        %multiple_of3A = tpu.assume_multiple %mul3A_74, 128 : i32
        %dma_wait3A_75 = arith.constant 1 : i32
        %dma_wait3A_76 = arith.constant 0 : i32
        %dma_wait3A_77 = arith.constant 0 : i32
        %dma_wait3A_78 = tpu.memref_slice %arg5[%dma_wait3A_75, %dma_wait3A_76, %dma_wait3A_77] : memref<2x32x128xf32, #tpu.memory_space<vmem>> -> memref<1x32x128xf32, #tpu.memory_space<vmem>>
        %dma_wait3A_79 = tpu.memref_squeeze %dma_wait3A_78 : memref<1x32x128xf32, #tpu.memory_space<vmem>> -> memref<32x128xf32, #tpu.memory_space<vmem>>
        %dma_wait3A_80 = arith.constant 0 : i32
        %dma_wait3A_81 = tpu.memref_slice %arg2[%dma_wait3A_80, %multiple_of3A] : memref<32x1000000xf32, #tpu.memory_space<hbm>> -> memref<32x128xf32, #tpu.memory_space<hbm>>
        %dma_wait3A_82 = arith.constant 0 : i32
        %dma_wait3A_83 = arith.constant 0 : i32
        %dma_wait3A_84 = tpu.memref_slice %arg5[%dma_wait3A_75, %dma_wait3A_82, %dma_wait3A_83] : memref<2x32x128xf32, #tpu.memory_space<vmem>> -> memref<1x32x128xf32, #tpu.memory_space<vmem>>
        %dma_wait3A_85 = tpu.memref_squeeze %dma_wait3A_84 : memref<1x32x128xf32, #tpu.memory_space<vmem>> -> memref<32x128xf32, #tpu.memory_space<vmem>>
        %dma_wait3A_86 = arith.constant 0 : i32
        %dma_wait3A_87 = tpu.memref_slice %arg2[%dma_wait3A_86, %multiple_of3A] : memref<32x1000000xf32, #tpu.memory_space<hbm>> -> memref<32x128xf32, #tpu.memory_space<hbm>>
        tpu.wait_dma2 semaphore(%arg10 : memref<!tpu.dma_semaphore, #tpu.memory_space<semaphore_mem>>) src(%dma_wait3A_87 : memref<32x128xf32, #tpu.memory_space<hbm>>) dst(%dma_wait3A_85 : memref<32x128xf32, #tpu.memory_space<vmem>>)
        %ge3A = arith.constant 2 : i32
        %ge3A_88 = arith.cmpi sge, %add3A_54, %ge3A : i32
        %convert_element_type3A_89 = arith.extui %ge3A_88 : i1 to i32
        %cond3A_90 = arith.constant 0 : i32
        %cond3A_91 = arith.cmpi ne, %convert_element_type3A_89, %cond3A_90 : i32
        scf.if %cond3A_91 {
          %dma_wait3A_435 = arith.constant 0 : i32
          %dma_wait3A_436 = tpu.memref_slice %arg4[%dma_wait3A_435] : memref<32000000xf32, #tpu.memory_space<hbm>> -> memref<4096xf32, #tpu.memory_space<hbm>>
          %dma_wait3A_437 = arith.constant 0 : i32
          %dma_wait3A_438 = tpu.memref_slice %arg4[%dma_wait3A_437] : memref<32000000xf32, #tpu.memory_space<hbm>> -> memref<4096xf32, #tpu.memory_space<hbm>>
          tpu.wait_dma2 semaphore(%arg12 : memref<!tpu.dma_semaphore, #tpu.memory_space<semaphore_mem>>) src(%arg7 : memref<4096xf32, #tpu.memory_space<vmem>>) dst(%dma_wait3A_438 : memref<4096xf32, #tpu.memory_space<hbm>>)
        } else {
        }
        %add3A_92 = arith.constant 0 : i32
        %add3A_93 = vector.broadcast %add3A_92 : i32 to vector<16xi32>
        %add3A_94 = arith.addi %add3A_93, %iota3A : vector<16xi32>
        %add3A_95 = arith.constant 0 : i32
        %add3A_96 = vector.broadcast %add3A_95 : i32 to vector<16xi32>
        %add3A_97 = arith.addi %iota3A, %add3A_96 : vector<16xi32>
        %and3A = arith.constant 15 : i32
        %and3A_98 = vector.broadcast %and3A : i32 to vector<16xi32>
        %and3A_99 = arith.andi %add3A_97, %and3A_98 : vector<16xi32>
        %mul3A_100 = arith.constant 32 : i32
        %mul3A_101 = vector.broadcast %mul3A_100 : i32 to vector<16xi32>
        %mul3A_102 = arith.muli %and3A_99, %mul3A_101 : vector<16xi32>
        %add3A_103 = arith.addi %mul3A_102, %add3A_94 : vector<16xi32>
        %add3A_104 = arith.constant 1 : i32
        %add3A_105 = vector.broadcast %add3A_104 : i32 to vector<16xi32>
        %add3A_106 = arith.addi %iota3A, %add3A_105 : vector<16xi32>
        %and3A_107 = arith.constant 15 : i32
        %and3A_108 = vector.broadcast %and3A_107 : i32 to vector<16xi32>
        %and3A_109 = arith.andi %add3A_106, %and3A_108 : vector<16xi32>
        %mul3A_110 = arith.constant 32 : i32
        %mul3A_111 = vector.broadcast %mul3A_110 : i32 to vector<16xi32>
        %mul3A_112 = arith.muli %and3A_109, %mul3A_111 : vector<16xi32>
        %add3A_113 = arith.addi %mul3A_112, %add3A_94 : vector<16xi32>
        %add3A_114 = arith.constant 2 : i32
        %add3A_115 = vector.broadcast %add3A_114 : i32 to vector<16xi32>
        %add3A_116 = arith.addi %iota3A, %add3A_115 : vector<16xi32>
        %and3A_117 = arith.constant 15 : i32
        %and3A_118 = vector.broadcast %and3A_117 : i32 to vector<16xi32>
        %and3A_119 = arith.andi %add3A_116, %and3A_118 : vector<16xi32>
        %mul3A_120 = arith.constant 32 : i32
        %mul3A_121 = vector.broadcast %mul3A_120 : i32 to vector<16xi32>
        %mul3A_122 = arith.muli %and3A_119, %mul3A_121 : vector<16xi32>
        %add3A_123 = arith.addi %mul3A_122, %add3A_94 : vector<16xi32>
        %add3A_124 = arith.constant 3 : i32
        %add3A_125 = vector.broadcast %add3A_124 : i32 to vector<16xi32>
        %add3A_126 = arith.addi %iota3A, %add3A_125 : vector<16xi32>
        %and3A_127 = arith.constant 15 : i32
        %and3A_128 = vector.broadcast %and3A_127 : i32 to vector<16xi32>
        %and3A_129 = arith.andi %add3A_126, %and3A_128 : vector<16xi32>
        %mul3A_130 = arith.constant 32 : i32
        %mul3A_131 = vector.broadcast %mul3A_130 : i32 to vector<16xi32>
        %mul3A_132 = arith.muli %and3A_129, %mul3A_131 : vector<16xi32>
        %add3A_133 = arith.addi %mul3A_132, %add3A_94 : vector<16xi32>
        %add3A_134 = arith.constant 4 : i32
        %add3A_135 = vector.broadcast %add3A_134 : i32 to vector<16xi32>
        %add3A_136 = arith.addi %iota3A, %add3A_135 : vector<16xi32>
        %and3A_137 = arith.constant 15 : i32
        %and3A_138 = vector.broadcast %and3A_137 : i32 to vector<16xi32>
        %and3A_139 = arith.andi %add3A_136, %and3A_138 : vector<16xi32>
        %mul3A_140 = arith.constant 32 : i32
        %mul3A_141 = vector.broadcast %mul3A_140 : i32 to vector<16xi32>
        %mul3A_142 = arith.muli %and3A_139, %mul3A_141 : vector<16xi32>
        %add3A_143 = arith.addi %mul3A_142, %add3A_94 : vector<16xi32>
        %add3A_144 = arith.constant 5 : i32
        %add3A_145 = vector.broadcast %add3A_144 : i32 to vector<16xi32>
        %add3A_146 = arith.addi %iota3A, %add3A_145 : vector<16xi32>
        %and3A_147 = arith.constant 15 : i32
        %and3A_148 = vector.broadcast %and3A_147 : i32 to vector<16xi32>
        %and3A_149 = arith.andi %add3A_146, %and3A_148 : vector<16xi32>
        %mul3A_150 = arith.constant 32 : i32
        %mul3A_151 = vector.broadcast %mul3A_150 : i32 to vector<16xi32>
        %mul3A_152 = arith.muli %and3A_149, %mul3A_151 : vector<16xi32>
        %add3A_153 = arith.addi %mul3A_152, %add3A_94 : vector<16xi32>
        %add3A_154 = arith.constant 6 : i32
        %add3A_155 = vector.broadcast %add3A_154 : i32 to vector<16xi32>
        %add3A_156 = arith.addi %iota3A, %add3A_155 : vector<16xi32>
        %and3A_157 = arith.constant 15 : i32
        %and3A_158 = vector.broadcast %and3A_157 : i32 to vector<16xi32>
        %and3A_159 = arith.andi %add3A_156, %and3A_158 : vector<16xi32>
        %mul3A_160 = arith.constant 32 : i32
        %mul3A_161 = vector.broadcast %mul3A_160 : i32 to vector<16xi32>
        %mul3A_162 = arith.muli %and3A_159, %mul3A_161 : vector<16xi32>
        %add3A_163 = arith.addi %mul3A_162, %add3A_94 : vector<16xi32>
        %add3A_164 = arith.constant 7 : i32
        %add3A_165 = vector.broadcast %add3A_164 : i32 to vector<16xi32>
        %add3A_166 = arith.addi %iota3A, %add3A_165 : vector<16xi32>
        %and3A_167 = arith.constant 15 : i32
        %and3A_168 = vector.broadcast %and3A_167 : i32 to vector<16xi32>
        %and3A_169 = arith.andi %add3A_166, %and3A_168 : vector<16xi32>
        %mul3A_170 = arith.constant 32 : i32
        %mul3A_171 = vector.broadcast %mul3A_170 : i32 to vector<16xi32>
        %mul3A_172 = arith.muli %and3A_169, %mul3A_171 : vector<16xi32>
        %add3A_173 = arith.addi %mul3A_172, %add3A_94 : vector<16xi32>
        %add3A_174 = arith.constant 8 : i32
        %add3A_175 = vector.broadcast %add3A_174 : i32 to vector<16xi32>
        %add3A_176 = arith.addi %iota3A, %add3A_175 : vector<16xi32>
        %and3A_177 = arith.constant 15 : i32
        %and3A_178 = vector.broadcast %and3A_177 : i32 to vector<16xi32>
        %and3A_179 = arith.andi %add3A_176, %and3A_178 : vector<16xi32>
        %mul3A_180 = arith.constant 32 : i32
        %mul3A_181 = vector.broadcast %mul3A_180 : i32 to vector<16xi32>
        %mul3A_182 = arith.muli %and3A_179, %mul3A_181 : vector<16xi32>
        %add3A_183 = arith.addi %mul3A_182, %add3A_94 : vector<16xi32>
        %add3A_184 = arith.constant 9 : i32
        %add3A_185 = vector.broadcast %add3A_184 : i32 to vector<16xi32>
        %add3A_186 = arith.addi %iota3A, %add3A_185 : vector<16xi32>
        %and3A_187 = arith.constant 15 : i32
        %and3A_188 = vector.broadcast %and3A_187 : i32 to vector<16xi32>
        %and3A_189 = arith.andi %add3A_186, %and3A_188 : vector<16xi32>
        %mul3A_190 = arith.constant 32 : i32
        %mul3A_191 = vector.broadcast %mul3A_190 : i32 to vector<16xi32>
        %mul3A_192 = arith.muli %and3A_189, %mul3A_191 : vector<16xi32>
        %add3A_193 = arith.addi %mul3A_192, %add3A_94 : vector<16xi32>
        %add3A_194 = arith.constant 10 : i32
        %add3A_195 = vector.broadcast %add3A_194 : i32 to vector<16xi32>
        %add3A_196 = arith.addi %iota3A, %add3A_195 : vector<16xi32>
        %and3A_197 = arith.constant 15 : i32
        %and3A_198 = vector.broadcast %and3A_197 : i32 to vector<16xi32>
        %and3A_199 = arith.andi %add3A_196, %and3A_198 : vector<16xi32>
        %mul3A_200 = arith.constant 32 : i32
        %mul3A_201 = vector.broadcast %mul3A_200 : i32 to vector<16xi32>
        %mul3A_202 = arith.muli %and3A_199, %mul3A_201 : vector<16xi32>
        %add3A_203 = arith.addi %mul3A_202, %add3A_94 : vector<16xi32>
        %add3A_204 = arith.constant 11 : i32
        %add3A_205 = vector.broadcast %add3A_204 : i32 to vector<16xi32>
        %add3A_206 = arith.addi %iota3A, %add3A_205 : vector<16xi32>
        %and3A_207 = arith.constant 15 : i32
        %and3A_208 = vector.broadcast %and3A_207 : i32 to vector<16xi32>
        %and3A_209 = arith.andi %add3A_206, %and3A_208 : vector<16xi32>
        %mul3A_210 = arith.constant 32 : i32
        %mul3A_211 = vector.broadcast %mul3A_210 : i32 to vector<16xi32>
        %mul3A_212 = arith.muli %and3A_209, %mul3A_211 : vector<16xi32>
        %add3A_213 = arith.addi %mul3A_212, %add3A_94 : vector<16xi32>
        %add3A_214 = arith.constant 12 : i32
        %add3A_215 = vector.broadcast %add3A_214 : i32 to vector<16xi32>
        %add3A_216 = arith.addi %iota3A, %add3A_215 : vector<16xi32>
        %and3A_217 = arith.constant 15 : i32
        %and3A_218 = vector.broadcast %and3A_217 : i32 to vector<16xi32>
        %and3A_219 = arith.andi %add3A_216, %and3A_218 : vector<16xi32>
        %mul3A_220 = arith.constant 32 : i32
        %mul3A_221 = vector.broadcast %mul3A_220 : i32 to vector<16xi32>
        %mul3A_222 = arith.muli %and3A_219, %mul3A_221 : vector<16xi32>
        %add3A_223 = arith.addi %mul3A_222, %add3A_94 : vector<16xi32>
        %add3A_224 = arith.constant 13 : i32
        %add3A_225 = vector.broadcast %add3A_224 : i32 to vector<16xi32>
        %add3A_226 = arith.addi %iota3A, %add3A_225 : vector<16xi32>
        %and3A_227 = arith.constant 15 : i32
        %and3A_228 = vector.broadcast %and3A_227 : i32 to vector<16xi32>
        %and3A_229 = arith.andi %add3A_226, %and3A_228 : vector<16xi32>
        %mul3A_230 = arith.constant 32 : i32
        %mul3A_231 = vector.broadcast %mul3A_230 : i32 to vector<16xi32>
        %mul3A_232 = arith.muli %and3A_229, %mul3A_231 : vector<16xi32>
        %add3A_233 = arith.addi %mul3A_232, %add3A_94 : vector<16xi32>
        %add3A_234 = arith.constant 14 : i32
        %add3A_235 = vector.broadcast %add3A_234 : i32 to vector<16xi32>
        %add3A_236 = arith.addi %iota3A, %add3A_235 : vector<16xi32>
        %and3A_237 = arith.constant 15 : i32
        %and3A_238 = vector.broadcast %and3A_237 : i32 to vector<16xi32>
        %and3A_239 = arith.andi %add3A_236, %and3A_238 : vector<16xi32>
        %mul3A_240 = arith.constant 32 : i32
        %mul3A_241 = vector.broadcast %mul3A_240 : i32 to vector<16xi32>
        %mul3A_242 = arith.muli %and3A_239, %mul3A_241 : vector<16xi32>
        %add3A_243 = arith.addi %mul3A_242, %add3A_94 : vector<16xi32>
        %add3A_244 = arith.constant 15 : i32
        %add3A_245 = vector.broadcast %add3A_244 : i32 to vector<16xi32>
        %add3A_246 = arith.addi %iota3A, %add3A_245 : vector<16xi32>
        %and3A_247 = arith.constant 15 : i32
        %and3A_248 = vector.broadcast %and3A_247 : i32 to vector<16xi32>
        %and3A_249 = arith.andi %add3A_246, %and3A_248 : vector<16xi32>
        %mul3A_250 = arith.constant 32 : i32
        %mul3A_251 = vector.broadcast %mul3A_250 : i32 to vector<16xi32>
        %mul3A_252 = arith.muli %and3A_249, %mul3A_251 : vector<16xi32>
        %add3A_253 = arith.addi %mul3A_252, %add3A_94 : vector<16xi32>
        %scan3A_254 = arith.constant 0 : i32
        %scan3A_255 = arith.constant 1 : i32
        %scan3A_256 = arith.constant 0 : i32
        %scan3A_257 = arith.constant 8 : i32
        %scan3A_258 = arith.addi %scan3A_256, %scan3A_257 : i32
        %scan3A_259 = arith.constant 1 : i32
        scf.for %scan3A_435 = %scan3A_256 to %scan3A_258 step %scan3A_259  : i32 {
          %mul3A_436 = arith.constant 512 : i32
          %mul3A_437 = arith.muli %scan3A_435, %mul3A_436 : i32
          %add3A_438 = vector.broadcast %mul3A_437 : i32 to vector<16xi32>
          %add3A_439 = arith.addi %add3A_438, %add3A_103 : vector<16xi32>
          %shift_right_arithmetic3A = arith.constant 5 : i32
          %shift_right_arithmetic3A_440 = vector.broadcast %shift_right_arithmetic3A : i32 to vector<16xi32>
          %shift_right_arithmetic3A_441 = arith.shrsi %add3A_439, %shift_right_arithmetic3A_440 : vector<16xi32>
          %gather3A = arith.constant 0 : i32
          %gather3A_442 = arith.constant 0 : i32
          %gather3A_443 = tpu.memref_slice %arg5[%scan3A_255, %gather3A, %gather3A_442] : memref<2x32x128xf32, #tpu.memory_space<vmem>> -> memref<1x32x128xf32, #tpu.memory_space<vmem>>
          %gather3A_444 = tpu.memref_squeeze %gather3A_443 : memref<1x32x128xf32, #tpu.memory_space<vmem>> -> memref<32x128xf32, #tpu.memory_space<vmem>>
          %gather3A_445 = tpu.vector_load_idx %gather3A_444[%add3A_94, %shift_right_arithmetic3A_441] : memref<32x128xf32, #tpu.memory_space<vmem>>[vector<16xi32>, vector<16xi32>], vector<16xf32>,
          tpu.vector_store_idx %arg7[%add3A_439], %gather3A_445 : memref<4096xf32, #tpu.memory_space<vmem>>[vector<16xi32>], vector<16xf32>,
          %add3A_446 = vector.broadcast %mul3A_437 : i32 to vector<16xi32>
          %add3A_447 = arith.addi %add3A_446, %add3A_113 : vector<16xi32>
          %shift_right_arithmetic3A_448 = arith.constant 5 : i32
          %shift_right_arithmetic3A_449 = vector.broadcast %shift_right_arithmetic3A_448 : i32 to vector<16xi32>
          %shift_right_arithmetic3A_450 = arith.shrsi %add3A_447, %shift_right_arithmetic3A_449 : vector<16xi32>
          %gather3A_451 = arith.constant 0 : i32
          %gather3A_452 = arith.constant 0 : i32
          %gather3A_453 = tpu.memref_slice %arg5[%scan3A_255, %gather3A_451, %gather3A_452] : memref<2x32x128xf32, #tpu.memory_space<vmem>> -> memref<1x32x128xf32, #tpu.memory_space<vmem>>
          %gather3A_454 = tpu.memref_squeeze %gather3A_453 : memref<1x32x128xf32, #tpu.memory_space<vmem>> -> memref<32x128xf32, #tpu.memory_space<vmem>>
          %gather3A_455 = tpu.vector_load_idx %gather3A_454[%add3A_94, %shift_right_arithmetic3A_450] : memref<32x128xf32, #tpu.memory_space<vmem>>[vector<16xi32>, vector<16xi32>], vector<16xf32>,
          tpu.vector_store_idx %arg7[%add3A_447], %gather3A_455 : memref<4096xf32, #tpu.memory_space<vmem>>[vector<16xi32>], vector<16xf32>,
          %add3A_456 = vector.broadcast %mul3A_437 : i32 to vector<16xi32>
          %add3A_457 = arith.addi %add3A_456, %add3A_123 : vector<16xi32>
          %shift_right_arithmetic3A_458 = arith.constant 5 : i32
          %shift_right_arithmetic3A_459 = vector.broadcast %shift_right_arithmetic3A_458 : i32 to vector<16xi32>
          %shift_right_arithmetic3A_460 = arith.shrsi %add3A_457, %shift_right_arithmetic3A_459 : vector<16xi32>
          %gather3A_461 = arith.constant 0 : i32
          %gather3A_462 = arith.constant 0 : i32
          %gather3A_463 = tpu.memref_slice %arg5[%scan3A_255, %gather3A_461, %gather3A_462] : memref<2x32x128xf32, #tpu.memory_space<vmem>> -> memref<1x32x128xf32, #tpu.memory_space<vmem>>
          %gather3A_464 = tpu.memref_squeeze %gather3A_463 : memref<1x32x128xf32, #tpu.memory_space<vmem>> -> memref<32x128xf32, #tpu.memory_space<vmem>>
          %gather3A_465 = tpu.vector_load_idx %gather3A_464[%add3A_94, %shift_right_arithmetic3A_460] : memref<32x128xf32, #tpu.memory_space<vmem>>[vector<16xi32>, vector<16xi32>], vector<16xf32>,
          tpu.vector_store_idx %arg7[%add3A_457], %gather3A_465 : memref<4096xf32, #tpu.memory_space<vmem>>[vector<16xi32>], vector<16xf32>,
          %add3A_466 = vector.broadcast %mul3A_437 : i32 to vector<16xi32>
          %add3A_467 = arith.addi %add3A_466, %add3A_133 : vector<16xi32>
          %shift_right_arithmetic3A_468 = arith.constant 5 : i32
          %shift_right_arithmetic3A_469 = vector.broadcast %shift_right_arithmetic3A_468 : i32 to vector<16xi32>
          %shift_right_arithmetic3A_470 = arith.shrsi %add3A_467, %shift_right_arithmetic3A_469 : vector<16xi32>
          %gather3A_471 = arith.constant 0 : i32
          %gather3A_472 = arith.constant 0 : i32
          %gather3A_473 = tpu.memref_slice %arg5[%scan3A_255, %gather3A_471, %gather3A_472] : memref<2x32x128xf32, #tpu.memory_space<vmem>> -> memref<1x32x128xf32, #tpu.memory_space<vmem>>
          %gather3A_474 = tpu.memref_squeeze %gather3A_473 : memref<1x32x128xf32, #tpu.memory_space<vmem>> -> memref<32x128xf32, #tpu.memory_space<vmem>>
          %gather3A_475 = tpu.vector_load_idx %gather3A_474[%add3A_94, %shift_right_arithmetic3A_470] : memref<32x128xf32, #tpu.memory_space<vmem>>[vector<16xi32>, vector<16xi32>], vector<16xf32>,
          tpu.vector_store_idx %arg7[%add3A_467], %gather3A_475 : memref<4096xf32, #tpu.memory_space<vmem>>[vector<16xi32>], vector<16xf32>,
          %add3A_476 = vector.broadcast %mul3A_437 : i32 to vector<16xi32>
          %add3A_477 = arith.addi %add3A_476, %add3A_143 : vector<16xi32>
          %shift_right_arithmetic3A_478 = arith.constant 5 : i32
          %shift_right_arithmetic3A_479 = vector.broadcast %shift_right_arithmetic3A_478 : i32 to vector<16xi32>
          %shift_right_arithmetic3A_480 = arith.shrsi %add3A_477, %shift_right_arithmetic3A_479 : vector<16xi32>
          %gather3A_481 = arith.constant 0 : i32
          %gather3A_482 = arith.constant 0 : i32
          %gather3A_483 = tpu.memref_slice %arg5[%scan3A_255, %gather3A_481, %gather3A_482] : memref<2x32x128xf32, #tpu.memory_space<vmem>> -> memref<1x32x128xf32, #tpu.memory_space<vmem>>
          %gather3A_484 = tpu.memref_squeeze %gather3A_483 : memref<1x32x128xf32, #tpu.memory_space<vmem>> -> memref<32x128xf32, #tpu.memory_space<vmem>>
          %gather3A_485 = tpu.vector_load_idx %gather3A_484[%add3A_94, %shift_right_arithmetic3A_480] : memref<32x128xf32, #tpu.memory_space<vmem>>[vector<16xi32>, vector<16xi32>], vector<16xf32>,
          tpu.vector_store_idx %arg7[%add3A_477], %gather3A_485 : memref<4096xf32, #tpu.memory_space<vmem>>[vector<16xi32>], vector<16xf32>,
          %add3A_486 = vector.broadcast %mul3A_437 : i32 to vector<16xi32>
          %add3A_487 = arith.addi %add3A_486, %add3A_153 : vector<16xi32>
          %shift_right_arithmetic3A_488 = arith.constant 5 : i32
          %shift_right_arithmetic3A_489 = vector.broadcast %shift_right_arithmetic3A_488 : i32 to vector<16xi32>
          %shift_right_arithmetic3A_490 = arith.shrsi %add3A_487, %shift_right_arithmetic3A_489 : vector<16xi32>
          %gather3A_491 = arith.constant 0 : i32
          %gather3A_492 = arith.constant 0 : i32
          %gather3A_493 = tpu.memref_slice %arg5[%scan3A_255, %gather3A_491, %gather3A_492] : memref<2x32x128xf32, #tpu.memory_space<vmem>> -> memref<1x32x128xf32, #tpu.memory_space<vmem>>
          %gather3A_494 = tpu.memref_squeeze %gather3A_493 : memref<1x32x128xf32, #tpu.memory_space<vmem>> -> memref<32x128xf32, #tpu.memory_space<vmem>>
          %gather3A_495 = tpu.vector_load_idx %gather3A_494[%add3A_94, %shift_right_arithmetic3A_490] : memref<32x128xf32, #tpu.memory_space<vmem>>[vector<16xi32>, vector<16xi32>], vector<16xf32>,
          tpu.vector_store_idx %arg7[%add3A_487], %gather3A_495 : memref<4096xf32, #tpu.memory_space<vmem>>[vector<16xi32>], vector<16xf32>,
          %add3A_496 = vector.broadcast %mul3A_437 : i32 to vector<16xi32>
          %add3A_497 = arith.addi %add3A_496, %add3A_163 : vector<16xi32>
          %shift_right_arithmetic3A_498 = arith.constant 5 : i32
          %shift_right_arithmetic3A_499 = vector.broadcast %shift_right_arithmetic3A_498 : i32 to vector<16xi32>
          %shift_right_arithmetic3A_500 = arith.shrsi %add3A_497, %shift_right_arithmetic3A_499 : vector<16xi32>
          %gather3A_501 = arith.constant 0 : i32
          %gather3A_502 = arith.constant 0 : i32
          %gather3A_503 = tpu.memref_slice %arg5[%scan3A_255, %gather3A_501, %gather3A_502] : memref<2x32x128xf32, #tpu.memory_space<vmem>> -> memref<1x32x128xf32, #tpu.memory_space<vmem>>
          %gather3A_504 = tpu.memref_squeeze %gather3A_503 : memref<1x32x128xf32, #tpu.memory_space<vmem>> -> memref<32x128xf32, #tpu.memory_space<vmem>>
          %gather3A_505 = tpu.vector_load_idx %gather3A_504[%add3A_94, %shift_right_arithmetic3A_500] : memref<32x128xf32, #tpu.memory_space<vmem>>[vector<16xi32>, vector<16xi32>], vector<16xf32>,
          tpu.vector_store_idx %arg7[%add3A_497], %gather3A_505 : memref<4096xf32, #tpu.memory_space<vmem>>[vector<16xi32>], vector<16xf32>,
          %add3A_506 = vector.broadcast %mul3A_437 : i32 to vector<16xi32>
          %add3A_507 = arith.addi %add3A_506, %add3A_173 : vector<16xi32>
          %shift_right_arithmetic3A_508 = arith.constant 5 : i32
          %shift_right_arithmetic3A_509 = vector.broadcast %shift_right_arithmetic3A_508 : i32 to vector<16xi32>
          %shift_right_arithmetic3A_510 = arith.shrsi %add3A_507, %shift_right_arithmetic3A_509 : vector<16xi32>
          %gather3A_511 = arith.constant 0 : i32
          %gather3A_512 = arith.constant 0 : i32
          %gather3A_513 = tpu.memref_slice %arg5[%scan3A_255, %gather3A_511, %gather3A_512] : memref<2x32x128xf32, #tpu.memory_space<vmem>> -> memref<1x32x128xf32, #tpu.memory_space<vmem>>
          %gather3A_514 = tpu.memref_squeeze %gather3A_513 : memref<1x32x128xf32, #tpu.memory_space<vmem>> -> memref<32x128xf32, #tpu.memory_space<vmem>>
          %gather3A_515 = tpu.vector_load_idx %gather3A_514[%add3A_94, %shift_right_arithmetic3A_510] : memref<32x128xf32, #tpu.memory_space<vmem>>[vector<16xi32>, vector<16xi32>], vector<16xf32>,
          tpu.vector_store_idx %arg7[%add3A_507], %gather3A_515 : memref<4096xf32, #tpu.memory_space<vmem>>[vector<16xi32>], vector<16xf32>,
          %add3A_516 = vector.broadcast %mul3A_437 : i32 to vector<16xi32>
          %add3A_517 = arith.addi %add3A_516, %add3A_183 : vector<16xi32>
          %shift_right_arithmetic3A_518 = arith.constant 5 : i32
          %shift_right_arithmetic3A_519 = vector.broadcast %shift_right_arithmetic3A_518 : i32 to vector<16xi32>
          %shift_right_arithmetic3A_520 = arith.shrsi %add3A_517, %shift_right_arithmetic3A_519 : vector<16xi32>
          %gather3A_521 = arith.constant 0 : i32
          %gather3A_522 = arith.constant 0 : i32
          %gather3A_523 = tpu.memref_slice %arg5[%scan3A_255, %gather3A_521, %gather3A_522] : memref<2x32x128xf32, #tpu.memory_space<vmem>> -> memref<1x32x128xf32, #tpu.memory_space<vmem>>
          %gather3A_524 = tpu.memref_squeeze %gather3A_523 : memref<1x32x128xf32, #tpu.memory_space<vmem>> -> memref<32x128xf32, #tpu.memory_space<vmem>>
          %gather3A_525 = tpu.vector_load_idx %gather3A_524[%add3A_94, %shift_right_arithmetic3A_520] : memref<32x128xf32, #tpu.memory_space<vmem>>[vector<16xi32>, vector<16xi32>], vector<16xf32>,
          tpu.vector_store_idx %arg7[%add3A_517], %gather3A_525 : memref<4096xf32, #tpu.memory_space<vmem>>[vector<16xi32>], vector<16xf32>,
          %add3A_526 = vector.broadcast %mul3A_437 : i32 to vector<16xi32>
          %add3A_527 = arith.addi %add3A_526, %add3A_193 : vector<16xi32>
          %shift_right_arithmetic3A_528 = arith.constant 5 : i32
          %shift_right_arithmetic3A_529 = vector.broadcast %shift_right_arithmetic3A_528 : i32 to vector<16xi32>
          %shift_right_arithmetic3A_530 = arith.shrsi %add3A_527, %shift_right_arithmetic3A_529 : vector<16xi32>
          %gather3A_531 = arith.constant 0 : i32
          %gather3A_532 = arith.constant 0 : i32
          %gather3A_533 = tpu.memref_slice %arg5[%scan3A_255, %gather3A_531, %gather3A_532] : memref<2x32x128xf32, #tpu.memory_space<vmem>> -> memref<1x32x128xf32, #tpu.memory_space<vmem>>
          %gather3A_534 = tpu.memref_squeeze %gather3A_533 : memref<1x32x128xf32, #tpu.memory_space<vmem>> -> memref<32x128xf32, #tpu.memory_space<vmem>>
          %gather3A_535 = tpu.vector_load_idx %gather3A_534[%add3A_94, %shift_right_arithmetic3A_530] : memref<32x128xf32, #tpu.memory_space<vmem>>[vector<16xi32>, vector<16xi32>], vector<16xf32>,
          tpu.vector_store_idx %arg7[%add3A_527], %gather3A_535 : memref<4096xf32, #tpu.memory_space<vmem>>[vector<16xi32>], vector<16xf32>,
          %add3A_536 = vector.broadcast %mul3A_437 : i32 to vector<16xi32>
          %add3A_537 = arith.addi %add3A_536, %add3A_203 : vector<16xi32>
          %shift_right_arithmetic3A_538 = arith.constant 5 : i32
          %shift_right_arithmetic3A_539 = vector.broadcast %shift_right_arithmetic3A_538 : i32 to vector<16xi32>
          %shift_right_arithmetic3A_540 = arith.shrsi %add3A_537, %shift_right_arithmetic3A_539 : vector<16xi32>
          %gather3A_541 = arith.constant 0 : i32
          %gather3A_542 = arith.constant 0 : i32
          %gather3A_543 = tpu.memref_slice %arg5[%scan3A_255, %gather3A_541, %gather3A_542] : memref<2x32x128xf32, #tpu.memory_space<vmem>> -> memref<1x32x128xf32, #tpu.memory_space<vmem>>
          %gather3A_544 = tpu.memref_squeeze %gather3A_543 : memref<1x32x128xf32, #tpu.memory_space<vmem>> -> memref<32x128xf32, #tpu.memory_space<vmem>>
          %gather3A_545 = tpu.vector_load_idx %gather3A_544[%add3A_94, %shift_right_arithmetic3A_540] : memref<32x128xf32, #tpu.memory_space<vmem>>[vector<16xi32>, vector<16xi32>], vector<16xf32>,
          tpu.vector_store_idx %arg7[%add3A_537], %gather3A_545 : memref<4096xf32, #tpu.memory_space<vmem>>[vector<16xi32>], vector<16xf32>,
          %add3A_546 = vector.broadcast %mul3A_437 : i32 to vector<16xi32>
          %add3A_547 = arith.addi %add3A_546, %add3A_213 : vector<16xi32>
          %shift_right_arithmetic3A_548 = arith.constant 5 : i32
          %shift_right_arithmetic3A_549 = vector.broadcast %shift_right_arithmetic3A_548 : i32 to vector<16xi32>
          %shift_right_arithmetic3A_550 = arith.shrsi %add3A_547, %shift_right_arithmetic3A_549 : vector<16xi32>
          %gather3A_551 = arith.constant 0 : i32
          %gather3A_552 = arith.constant 0 : i32
          %gather3A_553 = tpu.memref_slice %arg5[%scan3A_255, %gather3A_551, %gather3A_552] : memref<2x32x128xf32, #tpu.memory_space<vmem>> -> memref<1x32x128xf32, #tpu.memory_space<vmem>>
          %gather3A_554 = tpu.memref_squeeze %gather3A_553 : memref<1x32x128xf32, #tpu.memory_space<vmem>> -> memref<32x128xf32, #tpu.memory_space<vmem>>
          %gather3A_555 = tpu.vector_load_idx %gather3A_554[%add3A_94, %shift_right_arithmetic3A_550] : memref<32x128xf32, #tpu.memory_space<vmem>>[vector<16xi32>, vector<16xi32>], vector<16xf32>,
          tpu.vector_store_idx %arg7[%add3A_547], %gather3A_555 : memref<4096xf32, #tpu.memory_space<vmem>>[vector<16xi32>], vector<16xf32>,
          %add3A_556 = vector.broadcast %mul3A_437 : i32 to vector<16xi32>
          %add3A_557 = arith.addi %add3A_556, %add3A_223 : vector<16xi32>
          %shift_right_arithmetic3A_558 = arith.constant 5 : i32
          %shift_right_arithmetic3A_559 = vector.broadcast %shift_right_arithmetic3A_558 : i32 to vector<16xi32>
          %shift_right_arithmetic3A_560 = arith.shrsi %add3A_557, %shift_right_arithmetic3A_559 : vector<16xi32>
          %gather3A_561 = arith.constant 0 : i32
          %gather3A_562 = arith.constant 0 : i32
          %gather3A_563 = tpu.memref_slice %arg5[%scan3A_255, %gather3A_561, %gather3A_562] : memref<2x32x128xf32, #tpu.memory_space<vmem>> -> memref<1x32x128xf32, #tpu.memory_space<vmem>>
          %gather3A_564 = tpu.memref_squeeze %gather3A_563 : memref<1x32x128xf32, #tpu.memory_space<vmem>> -> memref<32x128xf32, #tpu.memory_space<vmem>>
          %gather3A_565 = tpu.vector_load_idx %gather3A_564[%add3A_94, %shift_right_arithmetic3A_560] : memref<32x128xf32, #tpu.memory_space<vmem>>[vector<16xi32>, vector<16xi32>], vector<16xf32>,
          tpu.vector_store_idx %arg7[%add3A_557], %gather3A_565 : memref<4096xf32, #tpu.memory_space<vmem>>[vector<16xi32>], vector<16xf32>,
          %add3A_566 = vector.broadcast %mul3A_437 : i32 to vector<16xi32>
          %add3A_567 = arith.addi %add3A_566, %add3A_233 : vector<16xi32>
          %shift_right_arithmetic3A_568 = arith.constant 5 : i32
          %shift_right_arithmetic3A_569 = vector.broadcast %shift_right_arithmetic3A_568 : i32 to vector<16xi32>
          %shift_right_arithmetic3A_570 = arith.shrsi %add3A_567, %shift_right_arithmetic3A_569 : vector<16xi32>
          %gather3A_571 = arith.constant 0 : i32
          %gather3A_572 = arith.constant 0 : i32
          %gather3A_573 = tpu.memref_slice %arg5[%scan3A_255, %gather3A_571, %gather3A_572] : memref<2x32x128xf32, #tpu.memory_space<vmem>> -> memref<1x32x128xf32, #tpu.memory_space<vmem>>
          %gather3A_574 = tpu.memref_squeeze %gather3A_573 : memref<1x32x128xf32, #tpu.memory_space<vmem>> -> memref<32x128xf32, #tpu.memory_space<vmem>>
          %gather3A_575 = tpu.vector_load_idx %gather3A_574[%add3A_94, %shift_right_arithmetic3A_570] : memref<32x128xf32, #tpu.memory_space<vmem>>[vector<16xi32>, vector<16xi32>], vector<16xf32>,
          tpu.vector_store_idx %arg7[%add3A_567], %gather3A_575 : memref<4096xf32, #tpu.memory_space<vmem>>[vector<16xi32>], vector<16xf32>,
          %add3A_576 = vector.broadcast %mul3A_437 : i32 to vector<16xi32>
          %add3A_577 = arith.addi %add3A_576, %add3A_243 : vector<16xi32>
          %shift_right_arithmetic3A_578 = arith.constant 5 : i32
          %shift_right_arithmetic3A_579 = vector.broadcast %shift_right_arithmetic3A_578 : i32 to vector<16xi32>
          %shift_right_arithmetic3A_580 = arith.shrsi %add3A_577, %shift_right_arithmetic3A_579 : vector<16xi32>
          %gather3A_581 = arith.constant 0 : i32
          %gather3A_582 = arith.constant 0 : i32
          %gather3A_583 = tpu.memref_slice %arg5[%scan3A_255, %gather3A_581, %gather3A_582] : memref<2x32x128xf32, #tpu.memory_space<vmem>> -> memref<1x32x128xf32, #tpu.memory_space<vmem>>
          %gather3A_584 = tpu.memref_squeeze %gather3A_583 : memref<1x32x128xf32, #tpu.memory_space<vmem>> -> memref<32x128xf32, #tpu.memory_space<vmem>>
          %gather3A_585 = tpu.vector_load_idx %gather3A_584[%add3A_94, %shift_right_arithmetic3A_580] : memref<32x128xf32, #tpu.memory_space<vmem>>[vector<16xi32>, vector<16xi32>], vector<16xf32>,
          tpu.vector_store_idx %arg7[%add3A_577], %gather3A_585 : memref<4096xf32, #tpu.memory_space<vmem>>[vector<16xi32>], vector<16xf32>,
          %add3A_586 = vector.broadcast %mul3A_437 : i32 to vector<16xi32>
          %add3A_587 = arith.addi %add3A_586, %add3A_253 : vector<16xi32>
          %shift_right_arithmetic3A_588 = arith.constant 5 : i32
          %shift_right_arithmetic3A_589 = vector.broadcast %shift_right_arithmetic3A_588 : i32 to vector<16xi32>
          %shift_right_arithmetic3A_590 = arith.shrsi %add3A_587, %shift_right_arithmetic3A_589 : vector<16xi32>
          %gather3A_591 = arith.constant 0 : i32
          %gather3A_592 = arith.constant 0 : i32
          %gather3A_593 = tpu.memref_slice %arg5[%scan3A_255, %gather3A_591, %gather3A_592] : memref<2x32x128xf32, #tpu.memory_space<vmem>> -> memref<1x32x128xf32, #tpu.memory_space<vmem>>
          %gather3A_594 = tpu.memref_squeeze %gather3A_593 : memref<1x32x128xf32, #tpu.memory_space<vmem>> -> memref<32x128xf32, #tpu.memory_space<vmem>>
          %gather3A_595 = tpu.vector_load_idx %gather3A_594[%add3A_94, %shift_right_arithmetic3A_590] : memref<32x128xf32, #tpu.memory_space<vmem>>[vector<16xi32>, vector<16xi32>], vector<16xf32>,
          tpu.vector_store_idx %arg7[%add3A_587], %gather3A_595 : memref<4096xf32, #tpu.memory_space<vmem>>[vector<16xi32>], vector<16xf32>,
        }
        %scan3A_260 = arith.constant 8 : i32
        %add3A_261 = arith.constant 16 : i32
        %add3A_262 = vector.broadcast %add3A_261 : i32 to vector<16xi32>
        %add3A_263 = arith.addi %add3A_262, %iota3A : vector<16xi32>
        %add3A_264 = arith.constant 0 : i32
        %add3A_265 = vector.broadcast %add3A_264 : i32 to vector<16xi32>
        %add3A_266 = arith.addi %iota3A, %add3A_265 : vector<16xi32>
        %and3A_267 = arith.constant 15 : i32
        %and3A_268 = vector.broadcast %and3A_267 : i32 to vector<16xi32>
        %and3A_269 = arith.andi %add3A_266, %and3A_268 : vector<16xi32>
        %mul3A_270 = arith.constant 32 : i32
        %mul3A_271 = vector.broadcast %mul3A_270 : i32 to vector<16xi32>
        %mul3A_272 = arith.muli %and3A_269, %mul3A_271 : vector<16xi32>
        %add3A_273 = arith.addi %mul3A_272, %add3A_263 : vector<16xi32>
        %add3A_274 = arith.constant 1 : i32
        %add3A_275 = vector.broadcast %add3A_274 : i32 to vector<16xi32>
        %add3A_276 = arith.addi %iota3A, %add3A_275 : vector<16xi32>
        %and3A_277 = arith.constant 15 : i32
        %and3A_278 = vector.broadcast %and3A_277 : i32 to vector<16xi32>
        %and3A_279 = arith.andi %add3A_276, %and3A_278 : vector<16xi32>
        %mul3A_280 = arith.constant 32 : i32
        %mul3A_281 = vector.broadcast %mul3A_280 : i32 to vector<16xi32>
        %mul3A_282 = arith.muli %and3A_279, %mul3A_281 : vector<16xi32>
        %add3A_283 = arith.addi %mul3A_282, %add3A_263 : vector<16xi32>
        %add3A_284 = arith.constant 2 : i32
        %add3A_285 = vector.broadcast %add3A_284 : i32 to vector<16xi32>
        %add3A_286 = arith.addi %iota3A, %add3A_285 : vector<16xi32>
        %and3A_287 = arith.constant 15 : i32
        %and3A_288 = vector.broadcast %and3A_287 : i32 to vector<16xi32>
        %and3A_289 = arith.andi %add3A_286, %and3A_288 : vector<16xi32>
        %mul3A_290 = arith.constant 32 : i32
        %mul3A_291 = vector.broadcast %mul3A_290 : i32 to vector<16xi32>
        %mul3A_292 = arith.muli %and3A_289, %mul3A_291 : vector<16xi32>
        %add3A_293 = arith.addi %mul3A_292, %add3A_263 : vector<16xi32>
        %add3A_294 = arith.constant 3 : i32
        %add3A_295 = vector.broadcast %add3A_294 : i32 to vector<16xi32>
        %add3A_296 = arith.addi %iota3A, %add3A_295 : vector<16xi32>
        %and3A_297 = arith.constant 15 : i32
        %and3A_298 = vector.broadcast %and3A_297 : i32 to vector<16xi32>
        %and3A_299 = arith.andi %add3A_296, %and3A_298 : vector<16xi32>
        %mul3A_300 = arith.constant 32 : i32
        %mul3A_301 = vector.broadcast %mul3A_300 : i32 to vector<16xi32>
        %mul3A_302 = arith.muli %and3A_299, %mul3A_301 : vector<16xi32>
        %add3A_303 = arith.addi %mul3A_302, %add3A_263 : vector<16xi32>
        %add3A_304 = arith.constant 4 : i32
        %add3A_305 = vector.broadcast %add3A_304 : i32 to vector<16xi32>
        %add3A_306 = arith.addi %iota3A, %add3A_305 : vector<16xi32>
        %and3A_307 = arith.constant 15 : i32
        %and3A_308 = vector.broadcast %and3A_307 : i32 to vector<16xi32>
        %and3A_309 = arith.andi %add3A_306, %and3A_308 : vector<16xi32>
        %mul3A_310 = arith.constant 32 : i32
        %mul3A_311 = vector.broadcast %mul3A_310 : i32 to vector<16xi32>
        %mul3A_312 = arith.muli %and3A_309, %mul3A_311 : vector<16xi32>
        %add3A_313 = arith.addi %mul3A_312, %add3A_263 : vector<16xi32>
        %add3A_314 = arith.constant 5 : i32
        %add3A_315 = vector.broadcast %add3A_314 : i32 to vector<16xi32>
        %add3A_316 = arith.addi %iota3A, %add3A_315 : vector<16xi32>
        %and3A_317 = arith.constant 15 : i32
        %and3A_318 = vector.broadcast %and3A_317 : i32 to vector<16xi32>
        %and3A_319 = arith.andi %add3A_316, %and3A_318 : vector<16xi32>
        %mul3A_320 = arith.constant 32 : i32
        %mul3A_321 = vector.broadcast %mul3A_320 : i32 to vector<16xi32>
        %mul3A_322 = arith.muli %and3A_319, %mul3A_321 : vector<16xi32>
        %add3A_323 = arith.addi %mul3A_322, %add3A_263 : vector<16xi32>
        %add3A_324 = arith.constant 6 : i32
        %add3A_325 = vector.broadcast %add3A_324 : i32 to vector<16xi32>
        %add3A_326 = arith.addi %iota3A, %add3A_325 : vector<16xi32>
        %and3A_327 = arith.constant 15 : i32
        %and3A_328 = vector.broadcast %and3A_327 : i32 to vector<16xi32>
        %and3A_329 = arith.andi %add3A_326, %and3A_328 : vector<16xi32>
        %mul3A_330 = arith.constant 32 : i32
        %mul3A_331 = vector.broadcast %mul3A_330 : i32 to vector<16xi32>
        %mul3A_332 = arith.muli %and3A_329, %mul3A_331 : vector<16xi32>
        %add3A_333 = arith.addi %mul3A_332, %add3A_263 : vector<16xi32>
        %add3A_334 = arith.constant 7 : i32
        %add3A_335 = vector.broadcast %add3A_334 : i32 to vector<16xi32>
        %add3A_336 = arith.addi %iota3A, %add3A_335 : vector<16xi32>
        %and3A_337 = arith.constant 15 : i32
        %and3A_338 = vector.broadcast %and3A_337 : i32 to vector<16xi32>
        %and3A_339 = arith.andi %add3A_336, %and3A_338 : vector<16xi32>
        %mul3A_340 = arith.constant 32 : i32
        %mul3A_341 = vector.broadcast %mul3A_340 : i32 to vector<16xi32>
        %mul3A_342 = arith.muli %and3A_339, %mul3A_341 : vector<16xi32>
        %add3A_343 = arith.addi %mul3A_342, %add3A_263 : vector<16xi32>
        %add3A_344 = arith.constant 8 : i32
        %add3A_345 = vector.broadcast %add3A_344 : i32 to vector<16xi32>
        %add3A_346 = arith.addi %iota3A, %add3A_345 : vector<16xi32>
        %and3A_347 = arith.constant 15 : i32
        %and3A_348 = vector.broadcast %and3A_347 : i32 to vector<16xi32>
        %and3A_349 = arith.andi %add3A_346, %and3A_348 : vector<16xi32>
        %mul3A_350 = arith.constant 32 : i32
        %mul3A_351 = vector.broadcast %mul3A_350 : i32 to vector<16xi32>
        %mul3A_352 = arith.muli %and3A_349, %mul3A_351 : vector<16xi32>
        %add3A_353 = arith.addi %mul3A_352, %add3A_263 : vector<16xi32>
        %add3A_354 = arith.constant 9 : i32
        %add3A_355 = vector.broadcast %add3A_354 : i32 to vector<16xi32>
        %add3A_356 = arith.addi %iota3A, %add3A_355 : vector<16xi32>
        %and3A_357 = arith.constant 15 : i32
        %and3A_358 = vector.broadcast %and3A_357 : i32 to vector<16xi32>
        %and3A_359 = arith.andi %add3A_356, %and3A_358 : vector<16xi32>
        %mul3A_360 = arith.constant 32 : i32
        %mul3A_361 = vector.broadcast %mul3A_360 : i32 to vector<16xi32>
        %mul3A_362 = arith.muli %and3A_359, %mul3A_361 : vector<16xi32>
        %add3A_363 = arith.addi %mul3A_362, %add3A_263 : vector<16xi32>
        %add3A_364 = arith.constant 10 : i32
        %add3A_365 = vector.broadcast %add3A_364 : i32 to vector<16xi32>
        %add3A_366 = arith.addi %iota3A, %add3A_365 : vector<16xi32>
        %and3A_367 = arith.constant 15 : i32
        %and3A_368 = vector.broadcast %and3A_367 : i32 to vector<16xi32>
        %and3A_369 = arith.andi %add3A_366, %and3A_368 : vector<16xi32>
        %mul3A_370 = arith.constant 32 : i32
        %mul3A_371 = vector.broadcast %mul3A_370 : i32 to vector<16xi32>
        %mul3A_372 = arith.muli %and3A_369, %mul3A_371 : vector<16xi32>
        %add3A_373 = arith.addi %mul3A_372, %add3A_263 : vector<16xi32>
        %add3A_374 = arith.constant 11 : i32
        %add3A_375 = vector.broadcast %add3A_374 : i32 to vector<16xi32>
        %add3A_376 = arith.addi %iota3A, %add3A_375 : vector<16xi32>
        %and3A_377 = arith.constant 15 : i32
        %and3A_378 = vector.broadcast %and3A_377 : i32 to vector<16xi32>
        %and3A_379 = arith.andi %add3A_376, %and3A_378 : vector<16xi32>
        %mul3A_380 = arith.constant 32 : i32
        %mul3A_381 = vector.broadcast %mul3A_380 : i32 to vector<16xi32>
        %mul3A_382 = arith.muli %and3A_379, %mul3A_381 : vector<16xi32>
        %add3A_383 = arith.addi %mul3A_382, %add3A_263 : vector<16xi32>
        %add3A_384 = arith.constant 12 : i32
        %add3A_385 = vector.broadcast %add3A_384 : i32 to vector<16xi32>
        %add3A_386 = arith.addi %iota3A, %add3A_385 : vector<16xi32>
        %and3A_387 = arith.constant 15 : i32
        %and3A_388 = vector.broadcast %and3A_387 : i32 to vector<16xi32>
        %and3A_389 = arith.andi %add3A_386, %and3A_388 : vector<16xi32>
        %mul3A_390 = arith.constant 32 : i32
        %mul3A_391 = vector.broadcast %mul3A_390 : i32 to vector<16xi32>
        %mul3A_392 = arith.muli %and3A_389, %mul3A_391 : vector<16xi32>
        %add3A_393 = arith.addi %mul3A_392, %add3A_263 : vector<16xi32>
        %add3A_394 = arith.constant 13 : i32
        %add3A_395 = vector.broadcast %add3A_394 : i32 to vector<16xi32>
        %add3A_396 = arith.addi %iota3A, %add3A_395 : vector<16xi32>
        %and3A_397 = arith.constant 15 : i32
        %and3A_398 = vector.broadcast %and3A_397 : i32 to vector<16xi32>
        %and3A_399 = arith.andi %add3A_396, %and3A_398 : vector<16xi32>
        %mul3A_400 = arith.constant 32 : i32
        %mul3A_401 = vector.broadcast %mul3A_400 : i32 to vector<16xi32>
        %mul3A_402 = arith.muli %and3A_399, %mul3A_401 : vector<16xi32>
        %add3A_403 = arith.addi %mul3A_402, %add3A_263 : vector<16xi32>
        %add3A_404 = arith.constant 14 : i32
        %add3A_405 = vector.broadcast %add3A_404 : i32 to vector<16xi32>
        %add3A_406 = arith.addi %iota3A, %add3A_405 : vector<16xi32>
        %and3A_407 = arith.constant 15 : i32
        %and3A_408 = vector.broadcast %and3A_407 : i32 to vector<16xi32>
        %and3A_409 = arith.andi %add3A_406, %and3A_408 : vector<16xi32>
        %mul3A_410 = arith.constant 32 : i32
        %mul3A_411 = vector.broadcast %mul3A_410 : i32 to vector<16xi32>
        %mul3A_412 = arith.muli %and3A_409, %mul3A_411 : vector<16xi32>
        %add3A_413 = arith.addi %mul3A_412, %add3A_263 : vector<16xi32>
        %add3A_414 = arith.constant 15 : i32
        %add3A_415 = vector.broadcast %add3A_414 : i32 to vector<16xi32>
        %add3A_416 = arith.addi %iota3A, %add3A_415 : vector<16xi32>
        %and3A_417 = arith.constant 15 : i32
        %and3A_418 = vector.broadcast %and3A_417 : i32 to vector<16xi32>
        %and3A_419 = arith.andi %add3A_416, %and3A_418 : vector<16xi32>
        %mul3A_420 = arith.constant 32 : i32
        %mul3A_421 = vector.broadcast %mul3A_420 : i32 to vector<16xi32>
        %mul3A_422 = arith.muli %and3A_419, %mul3A_421 : vector<16xi32>
        %add3A_423 = arith.addi %mul3A_422, %add3A_263 : vector<16xi32>
        %scan3A_424 = arith.constant 0 : i32
        %scan3A_425 = arith.constant 1 : i32
        %scan3A_426 = arith.constant 0 : i32
        %scan3A_427 = arith.constant 8 : i32
        %scan3A_428 = arith.addi %scan3A_426, %scan3A_427 : i32
        %scan3A_429 = arith.constant 1 : i32
        scf.for %scan3A_435 = %scan3A_426 to %scan3A_428 step %scan3A_429  : i32 {
          %mul3A_436 = arith.constant 512 : i32
          %mul3A_437 = arith.muli %scan3A_435, %mul3A_436 : i32
          %add3A_438 = vector.broadcast %mul3A_437 : i32 to vector<16xi32>
          %add3A_439 = arith.addi %add3A_438, %add3A_273 : vector<16xi32>
          %shift_right_arithmetic3A = arith.constant 5 : i32
          %shift_right_arithmetic3A_440 = vector.broadcast %shift_right_arithmetic3A : i32 to vector<16xi32>
          %shift_right_arithmetic3A_441 = arith.shrsi %add3A_439, %shift_right_arithmetic3A_440 : vector<16xi32>
          %gather3A = arith.constant 0 : i32
          %gather3A_442 = arith.constant 0 : i32
          %gather3A_443 = tpu.memref_slice %arg5[%scan3A_425, %gather3A, %gather3A_442] : memref<2x32x128xf32, #tpu.memory_space<vmem>> -> memref<1x32x128xf32, #tpu.memory_space<vmem>>
          %gather3A_444 = tpu.memref_squeeze %gather3A_443 : memref<1x32x128xf32, #tpu.memory_space<vmem>> -> memref<32x128xf32, #tpu.memory_space<vmem>>
          %gather3A_445 = tpu.vector_load_idx %gather3A_444[%add3A_263, %shift_right_arithmetic3A_441] : memref<32x128xf32, #tpu.memory_space<vmem>>[vector<16xi32>, vector<16xi32>], vector<16xf32>,
          tpu.vector_store_idx %arg7[%add3A_439], %gather3A_445 : memref<4096xf32, #tpu.memory_space<vmem>>[vector<16xi32>], vector<16xf32>,
          %add3A_446 = vector.broadcast %mul3A_437 : i32 to vector<16xi32>
          %add3A_447 = arith.addi %add3A_446, %add3A_283 : vector<16xi32>
          %shift_right_arithmetic3A_448 = arith.constant 5 : i32
          %shift_right_arithmetic3A_449 = vector.broadcast %shift_right_arithmetic3A_448 : i32 to vector<16xi32>
          %shift_right_arithmetic3A_450 = arith.shrsi %add3A_447, %shift_right_arithmetic3A_449 : vector<16xi32>
          %gather3A_451 = arith.constant 0 : i32
          %gather3A_452 = arith.constant 0 : i32
          %gather3A_453 = tpu.memref_slice %arg5[%scan3A_425, %gather3A_451, %gather3A_452] : memref<2x32x128xf32, #tpu.memory_space<vmem>> -> memref<1x32x128xf32, #tpu.memory_space<vmem>>
          %gather3A_454 = tpu.memref_squeeze %gather3A_453 : memref<1x32x128xf32, #tpu.memory_space<vmem>> -> memref<32x128xf32, #tpu.memory_space<vmem>>
          %gather3A_455 = tpu.vector_load_idx %gather3A_454[%add3A_263, %shift_right_arithmetic3A_450] : memref<32x128xf32, #tpu.memory_space<vmem>>[vector<16xi32>, vector<16xi32>], vector<16xf32>,
          tpu.vector_store_idx %arg7[%add3A_447], %gather3A_455 : memref<4096xf32, #tpu.memory_space<vmem>>[vector<16xi32>], vector<16xf32>,
          %add3A_456 = vector.broadcast %mul3A_437 : i32 to vector<16xi32>
          %add3A_457 = arith.addi %add3A_456, %add3A_293 : vector<16xi32>
          %shift_right_arithmetic3A_458 = arith.constant 5 : i32
          %shift_right_arithmetic3A_459 = vector.broadcast %shift_right_arithmetic3A_458 : i32 to vector<16xi32>
          %shift_right_arithmetic3A_460 = arith.shrsi %add3A_457, %shift_right_arithmetic3A_459 : vector<16xi32>
          %gather3A_461 = arith.constant 0 : i32
          %gather3A_462 = arith.constant 0 : i32
          %gather3A_463 = tpu.memref_slice %arg5[%scan3A_425, %gather3A_461, %gather3A_462] : memref<2x32x128xf32, #tpu.memory_space<vmem>> -> memref<1x32x128xf32, #tpu.memory_space<vmem>>
          %gather3A_464 = tpu.memref_squeeze %gather3A_463 : memref<1x32x128xf32, #tpu.memory_space<vmem>> -> memref<32x128xf32, #tpu.memory_space<vmem>>
          %gather3A_465 = tpu.vector_load_idx %gather3A_464[%add3A_263, %shift_right_arithmetic3A_460] : memref<32x128xf32, #tpu.memory_space<vmem>>[vector<16xi32>, vector<16xi32>], vector<16xf32>,
          tpu.vector_store_idx %arg7[%add3A_457], %gather3A_465 : memref<4096xf32, #tpu.memory_space<vmem>>[vector<16xi32>], vector<16xf32>,
          %add3A_466 = vector.broadcast %mul3A_437 : i32 to vector<16xi32>
          %add3A_467 = arith.addi %add3A_466, %add3A_303 : vector<16xi32>
          %shift_right_arithmetic3A_468 = arith.constant 5 : i32
          %shift_right_arithmetic3A_469 = vector.broadcast %shift_right_arithmetic3A_468 : i32 to vector<16xi32>
          %shift_right_arithmetic3A_470 = arith.shrsi %add3A_467, %shift_right_arithmetic3A_469 : vector<16xi32>
          %gather3A_471 = arith.constant 0 : i32
          %gather3A_472 = arith.constant 0 : i32
          %gather3A_473 = tpu.memref_slice %arg5[%scan3A_425, %gather3A_471, %gather3A_472] : memref<2x32x128xf32, #tpu.memory_space<vmem>> -> memref<1x32x128xf32, #tpu.memory_space<vmem>>
          %gather3A_474 = tpu.memref_squeeze %gather3A_473 : memref<1x32x128xf32, #tpu.memory_space<vmem>> -> memref<32x128xf32, #tpu.memory_space<vmem>>
          %gather3A_475 = tpu.vector_load_idx %gather3A_474[%add3A_263, %shift_right_arithmetic3A_470] : memref<32x128xf32, #tpu.memory_space<vmem>>[vector<16xi32>, vector<16xi32>], vector<16xf32>,
          tpu.vector_store_idx %arg7[%add3A_467], %gather3A_475 : memref<4096xf32, #tpu.memory_space<vmem>>[vector<16xi32>], vector<16xf32>,
          %add3A_476 = vector.broadcast %mul3A_437 : i32 to vector<16xi32>
          %add3A_477 = arith.addi %add3A_476, %add3A_313 : vector<16xi32>
          %shift_right_arithmetic3A_478 = arith.constant 5 : i32
          %shift_right_arithmetic3A_479 = vector.broadcast %shift_right_arithmetic3A_478 : i32 to vector<16xi32>
          %shift_right_arithmetic3A_480 = arith.shrsi %add3A_477, %shift_right_arithmetic3A_479 : vector<16xi32>
          %gather3A_481 = arith.constant 0 : i32
          %gather3A_482 = arith.constant 0 : i32
          %gather3A_483 = tpu.memref_slice %arg5[%scan3A_425, %gather3A_481, %gather3A_482] : memref<2x32x128xf32, #tpu.memory_space<vmem>> -> memref<1x32x128xf32, #tpu.memory_space<vmem>>
          %gather3A_484 = tpu.memref_squeeze %gather3A_483 : memref<1x32x128xf32, #tpu.memory_space<vmem>> -> memref<32x128xf32, #tpu.memory_space<vmem>>
          %gather3A_485 = tpu.vector_load_idx %gather3A_484[%add3A_263, %shift_right_arithmetic3A_480] : memref<32x128xf32, #tpu.memory_space<vmem>>[vector<16xi32>, vector<16xi32>], vector<16xf32>,
          tpu.vector_store_idx %arg7[%add3A_477], %gather3A_485 : memref<4096xf32, #tpu.memory_space<vmem>>[vector<16xi32>], vector<16xf32>,
          %add3A_486 = vector.broadcast %mul3A_437 : i32 to vector<16xi32>
          %add3A_487 = arith.addi %add3A_486, %add3A_323 : vector<16xi32>
          %shift_right_arithmetic3A_488 = arith.constant 5 : i32
          %shift_right_arithmetic3A_489 = vector.broadcast %shift_right_arithmetic3A_488 : i32 to vector<16xi32>
          %shift_right_arithmetic3A_490 = arith.shrsi %add3A_487, %shift_right_arithmetic3A_489 : vector<16xi32>
          %gather3A_491 = arith.constant 0 : i32
          %gather3A_492 = arith.constant 0 : i32
          %gather3A_493 = tpu.memref_slice %arg5[%scan3A_425, %gather3A_491, %gather3A_492] : memref<2x32x128xf32, #tpu.memory_space<vmem>> -> memref<1x32x128xf32, #tpu.memory_space<vmem>>
          %gather3A_494 = tpu.memref_squeeze %gather3A_493 : memref<1x32x128xf32, #tpu.memory_space<vmem>> -> memref<32x128xf32, #tpu.memory_space<vmem>>
          %gather3A_495 = tpu.vector_load_idx %gather3A_494[%add3A_263, %shift_right_arithmetic3A_490] : memref<32x128xf32, #tpu.memory_space<vmem>>[vector<16xi32>, vector<16xi32>], vector<16xf32>,
          tpu.vector_store_idx %arg7[%add3A_487], %gather3A_495 : memref<4096xf32, #tpu.memory_space<vmem>>[vector<16xi32>], vector<16xf32>,
          %add3A_496 = vector.broadcast %mul3A_437 : i32 to vector<16xi32>
          %add3A_497 = arith.addi %add3A_496, %add3A_333 : vector<16xi32>
          %shift_right_arithmetic3A_498 = arith.constant 5 : i32
          %shift_right_arithmetic3A_499 = vector.broadcast %shift_right_arithmetic3A_498 : i32 to vector<16xi32>
          %shift_right_arithmetic3A_500 = arith.shrsi %add3A_497, %shift_right_arithmetic3A_499 : vector<16xi32>
          %gather3A_501 = arith.constant 0 : i32
          %gather3A_502 = arith.constant 0 : i32
          %gather3A_503 = tpu.memref_slice %arg5[%scan3A_425, %gather3A_501, %gather3A_502] : memref<2x32x128xf32, #tpu.memory_space<vmem>> -> memref<1x32x128xf32, #tpu.memory_space<vmem>>
          %gather3A_504 = tpu.memref_squeeze %gather3A_503 : memref<1x32x128xf32, #tpu.memory_space<vmem>> -> memref<32x128xf32, #tpu.memory_space<vmem>>
          %gather3A_505 = tpu.vector_load_idx %gather3A_504[%add3A_263, %shift_right_arithmetic3A_500] : memref<32x128xf32, #tpu.memory_space<vmem>>[vector<16xi32>, vector<16xi32>], vector<16xf32>,
          tpu.vector_store_idx %arg7[%add3A_497], %gather3A_505 : memref<4096xf32, #tpu.memory_space<vmem>>[vector<16xi32>], vector<16xf32>,
          %add3A_506 = vector.broadcast %mul3A_437 : i32 to vector<16xi32>
          %add3A_507 = arith.addi %add3A_506, %add3A_343 : vector<16xi32>
          %shift_right_arithmetic3A_508 = arith.constant 5 : i32
          %shift_right_arithmetic3A_509 = vector.broadcast %shift_right_arithmetic3A_508 : i32 to vector<16xi32>
          %shift_right_arithmetic3A_510 = arith.shrsi %add3A_507, %shift_right_arithmetic3A_509 : vector<16xi32>
          %gather3A_511 = arith.constant 0 : i32
          %gather3A_512 = arith.constant 0 : i32
          %gather3A_513 = tpu.memref_slice %arg5[%scan3A_425, %gather3A_511, %gather3A_512] : memref<2x32x128xf32, #tpu.memory_space<vmem>> -> memref<1x32x128xf32, #tpu.memory_space<vmem>>
          %gather3A_514 = tpu.memref_squeeze %gather3A_513 : memref<1x32x128xf32, #tpu.memory_space<vmem>> -> memref<32x128xf32, #tpu.memory_space<vmem>>
          %gather3A_515 = tpu.vector_load_idx %gather3A_514[%add3A_263, %shift_right_arithmetic3A_510] : memref<32x128xf32, #tpu.memory_space<vmem>>[vector<16xi32>, vector<16xi32>], vector<16xf32>,
          tpu.vector_store_idx %arg7[%add3A_507], %gather3A_515 : memref<4096xf32, #tpu.memory_space<vmem>>[vector<16xi32>], vector<16xf32>,
          %add3A_516 = vector.broadcast %mul3A_437 : i32 to vector<16xi32>
          %add3A_517 = arith.addi %add3A_516, %add3A_353 : vector<16xi32>
          %shift_right_arithmetic3A_518 = arith.constant 5 : i32
          %shift_right_arithmetic3A_519 = vector.broadcast %shift_right_arithmetic3A_518 : i32 to vector<16xi32>
          %shift_right_arithmetic3A_520 = arith.shrsi %add3A_517, %shift_right_arithmetic3A_519 : vector<16xi32>
          %gather3A_521 = arith.constant 0 : i32
          %gather3A_522 = arith.constant 0 : i32
          %gather3A_523 = tpu.memref_slice %arg5[%scan3A_425, %gather3A_521, %gather3A_522] : memref<2x32x128xf32, #tpu.memory_space<vmem>> -> memref<1x32x128xf32, #tpu.memory_space<vmem>>
          %gather3A_524 = tpu.memref_squeeze %gather3A_523 : memref<1x32x128xf32, #tpu.memory_space<vmem>> -> memref<32x128xf32, #tpu.memory_space<vmem>>
          %gather3A_525 = tpu.vector_load_idx %gather3A_524[%add3A_263, %shift_right_arithmetic3A_520] : memref<32x128xf32, #tpu.memory_space<vmem>>[vector<16xi32>, vector<16xi32>], vector<16xf32>,
          tpu.vector_store_idx %arg7[%add3A_517], %gather3A_525 : memref<4096xf32, #tpu.memory_space<vmem>>[vector<16xi32>], vector<16xf32>,
          %add3A_526 = vector.broadcast %mul3A_437 : i32 to vector<16xi32>
          %add3A_527 = arith.addi %add3A_526, %add3A_363 : vector<16xi32>
          %shift_right_arithmetic3A_528 = arith.constant 5 : i32
          %shift_right_arithmetic3A_529 = vector.broadcast %shift_right_arithmetic3A_528 : i32 to vector<16xi32>
          %shift_right_arithmetic3A_530 = arith.shrsi %add3A_527, %shift_right_arithmetic3A_529 : vector<16xi32>
          %gather3A_531 = arith.constant 0 : i32
          %gather3A_532 = arith.constant 0 : i32
          %gather3A_533 = tpu.memref_slice %arg5[%scan3A_425, %gather3A_531, %gather3A_532] : memref<2x32x128xf32, #tpu.memory_space<vmem>> -> memref<1x32x128xf32, #tpu.memory_space<vmem>>
          %gather3A_534 = tpu.memref_squeeze %gather3A_533 : memref<1x32x128xf32, #tpu.memory_space<vmem>> -> memref<32x128xf32, #tpu.memory_space<vmem>>
          %gather3A_535 = tpu.vector_load_idx %gather3A_534[%add3A_263, %shift_right_arithmetic3A_530] : memref<32x128xf32, #tpu.memory_space<vmem>>[vector<16xi32>, vector<16xi32>], vector<16xf32>,
          tpu.vector_store_idx %arg7[%add3A_527], %gather3A_535 : memref<4096xf32, #tpu.memory_space<vmem>>[vector<16xi32>], vector<16xf32>,
          %add3A_536 = vector.broadcast %mul3A_437 : i32 to vector<16xi32>
          %add3A_537 = arith.addi %add3A_536, %add3A_373 : vector<16xi32>
          %shift_right_arithmetic3A_538 = arith.constant 5 : i32
          %shift_right_arithmetic3A_539 = vector.broadcast %shift_right_arithmetic3A_538 : i32 to vector<16xi32>
          %shift_right_arithmetic3A_540 = arith.shrsi %add3A_537, %shift_right_arithmetic3A_539 : vector<16xi32>
          %gather3A_541 = arith.constant 0 : i32
          %gather3A_542 = arith.constant 0 : i32
          %gather3A_543 = tpu.memref_slice %arg5[%scan3A_425, %gather3A_541, %gather3A_542] : memref<2x32x128xf32, #tpu.memory_space<vmem>> -> memref<1x32x128xf32, #tpu.memory_space<vmem>>
          %gather3A_544 = tpu.memref_squeeze %gather3A_543 : memref<1x32x128xf32, #tpu.memory_space<vmem>> -> memref<32x128xf32, #tpu.memory_space<vmem>>
          %gather3A_545 = tpu.vector_load_idx %gather3A_544[%add3A_263, %shift_right_arithmetic3A_540] : memref<32x128xf32, #tpu.memory_space<vmem>>[vector<16xi32>, vector<16xi32>], vector<16xf32>,
          tpu.vector_store_idx %arg7[%add3A_537], %gather3A_545 : memref<4096xf32, #tpu.memory_space<vmem>>[vector<16xi32>], vector<16xf32>,
          %add3A_546 = vector.broadcast %mul3A_437 : i32 to vector<16xi32>
          %add3A_547 = arith.addi %add3A_546, %add3A_383 : vector<16xi32>
          %shift_right_arithmetic3A_548 = arith.constant 5 : i32
          %shift_right_arithmetic3A_549 = vector.broadcast %shift_right_arithmetic3A_548 : i32 to vector<16xi32>
          %shift_right_arithmetic3A_550 = arith.shrsi %add3A_547, %shift_right_arithmetic3A_549 : vector<16xi32>
          %gather3A_551 = arith.constant 0 : i32
          %gather3A_552 = arith.constant 0 : i32
          %gather3A_553 = tpu.memref_slice %arg5[%scan3A_425, %gather3A_551, %gather3A_552] : memref<2x32x128xf32, #tpu.memory_space<vmem>> -> memref<1x32x128xf32, #tpu.memory_space<vmem>>
          %gather3A_554 = tpu.memref_squeeze %gather3A_553 : memref<1x32x128xf32, #tpu.memory_space<vmem>> -> memref<32x128xf32, #tpu.memory_space<vmem>>
          %gather3A_555 = tpu.vector_load_idx %gather3A_554[%add3A_263, %shift_right_arithmetic3A_550] : memref<32x128xf32, #tpu.memory_space<vmem>>[vector<16xi32>, vector<16xi32>], vector<16xf32>,
          tpu.vector_store_idx %arg7[%add3A_547], %gather3A_555 : memref<4096xf32, #tpu.memory_space<vmem>>[vector<16xi32>], vector<16xf32>,
          %add3A_556 = vector.broadcast %mul3A_437 : i32 to vector<16xi32>
          %add3A_557 = arith.addi %add3A_556, %add3A_393 : vector<16xi32>
          %shift_right_arithmetic3A_558 = arith.constant 5 : i32
          %shift_right_arithmetic3A_559 = vector.broadcast %shift_right_arithmetic3A_558 : i32 to vector<16xi32>
          %shift_right_arithmetic3A_560 = arith.shrsi %add3A_557, %shift_right_arithmetic3A_559 : vector<16xi32>
          %gather3A_561 = arith.constant 0 : i32
          %gather3A_562 = arith.constant 0 : i32
          %gather3A_563 = tpu.memref_slice %arg5[%scan3A_425, %gather3A_561, %gather3A_562] : memref<2x32x128xf32, #tpu.memory_space<vmem>> -> memref<1x32x128xf32, #tpu.memory_space<vmem>>
          %gather3A_564 = tpu.memref_squeeze %gather3A_563 : memref<1x32x128xf32, #tpu.memory_space<vmem>> -> memref<32x128xf32, #tpu.memory_space<vmem>>
          %gather3A_565 = tpu.vector_load_idx %gather3A_564[%add3A_263, %shift_right_arithmetic3A_560] : memref<32x128xf32, #tpu.memory_space<vmem>>[vector<16xi32>, vector<16xi32>], vector<16xf32>,
          tpu.vector_store_idx %arg7[%add3A_557], %gather3A_565 : memref<4096xf32, #tpu.memory_space<vmem>>[vector<16xi32>], vector<16xf32>,
          %add3A_566 = vector.broadcast %mul3A_437 : i32 to vector<16xi32>
          %add3A_567 = arith.addi %add3A_566, %add3A_403 : vector<16xi32>
          %shift_right_arithmetic3A_568 = arith.constant 5 : i32
          %shift_right_arithmetic3A_569 = vector.broadcast %shift_right_arithmetic3A_568 : i32 to vector<16xi32>
          %shift_right_arithmetic3A_570 = arith.shrsi %add3A_567, %shift_right_arithmetic3A_569 : vector<16xi32>
          %gather3A_571 = arith.constant 0 : i32
          %gather3A_572 = arith.constant 0 : i32
          %gather3A_573 = tpu.memref_slice %arg5[%scan3A_425, %gather3A_571, %gather3A_572] : memref<2x32x128xf32, #tpu.memory_space<vmem>> -> memref<1x32x128xf32, #tpu.memory_space<vmem>>
          %gather3A_574 = tpu.memref_squeeze %gather3A_573 : memref<1x32x128xf32, #tpu.memory_space<vmem>> -> memref<32x128xf32, #tpu.memory_space<vmem>>
          %gather3A_575 = tpu.vector_load_idx %gather3A_574[%add3A_263, %shift_right_arithmetic3A_570] : memref<32x128xf32, #tpu.memory_space<vmem>>[vector<16xi32>, vector<16xi32>], vector<16xf32>,
          tpu.vector_store_idx %arg7[%add3A_567], %gather3A_575 : memref<4096xf32, #tpu.memory_space<vmem>>[vector<16xi32>], vector<16xf32>,
          %add3A_576 = vector.broadcast %mul3A_437 : i32 to vector<16xi32>
          %add3A_577 = arith.addi %add3A_576, %add3A_413 : vector<16xi32>
          %shift_right_arithmetic3A_578 = arith.constant 5 : i32
          %shift_right_arithmetic3A_579 = vector.broadcast %shift_right_arithmetic3A_578 : i32 to vector<16xi32>
          %shift_right_arithmetic3A_580 = arith.shrsi %add3A_577, %shift_right_arithmetic3A_579 : vector<16xi32>
          %gather3A_581 = arith.constant 0 : i32
          %gather3A_582 = arith.constant 0 : i32
          %gather3A_583 = tpu.memref_slice %arg5[%scan3A_425, %gather3A_581, %gather3A_582] : memref<2x32x128xf32, #tpu.memory_space<vmem>> -> memref<1x32x128xf32, #tpu.memory_space<vmem>>
          %gather3A_584 = tpu.memref_squeeze %gather3A_583 : memref<1x32x128xf32, #tpu.memory_space<vmem>> -> memref<32x128xf32, #tpu.memory_space<vmem>>
          %gather3A_585 = tpu.vector_load_idx %gather3A_584[%add3A_263, %shift_right_arithmetic3A_580] : memref<32x128xf32, #tpu.memory_space<vmem>>[vector<16xi32>, vector<16xi32>], vector<16xf32>,
          tpu.vector_store_idx %arg7[%add3A_577], %gather3A_585 : memref<4096xf32, #tpu.memory_space<vmem>>[vector<16xi32>], vector<16xf32>,
          %add3A_586 = vector.broadcast %mul3A_437 : i32 to vector<16xi32>
          %add3A_587 = arith.addi %add3A_586, %add3A_423 : vector<16xi32>
          %shift_right_arithmetic3A_588 = arith.constant 5 : i32
          %shift_right_arithmetic3A_589 = vector.broadcast %shift_right_arithmetic3A_588 : i32 to vector<16xi32>
          %shift_right_arithmetic3A_590 = arith.shrsi %add3A_587, %shift_right_arithmetic3A_589 : vector<16xi32>
          %gather3A_591 = arith.constant 0 : i32
          %gather3A_592 = arith.constant 0 : i32
          %gather3A_593 = tpu.memref_slice %arg5[%scan3A_425, %gather3A_591, %gather3A_592] : memref<2x32x128xf32, #tpu.memory_space<vmem>> -> memref<1x32x128xf32, #tpu.memory_space<vmem>>
          %gather3A_594 = tpu.memref_squeeze %gather3A_593 : memref<1x32x128xf32, #tpu.memory_space<vmem>> -> memref<32x128xf32, #tpu.memory_space<vmem>>
          %gather3A_595 = tpu.vector_load_idx %gather3A_594[%add3A_263, %shift_right_arithmetic3A_590] : memref<32x128xf32, #tpu.memory_space<vmem>>[vector<16xi32>, vector<16xi32>], vector<16xf32>,
          tpu.vector_store_idx %arg7[%add3A_587], %gather3A_595 : memref<4096xf32, #tpu.memory_space<vmem>>[vector<16xi32>], vector<16xf32>,
        }
        %scan3A_430 = arith.constant 8 : i32
        %mul3A_431 = arith.constant 4096 : i32
        %mul3A_432 = arith.muli %add3A_57, %mul3A_431 : i32
        %multiple_of3A_433 = tpu.assume_multiple %mul3A_432, 4096 : i32
        %dma_start3A = tpu.memref_slice %arg4[%multiple_of3A_433] : memref<32000000xf32, #tpu.memory_space<hbm>> -> memref<4096xf32, #tpu.memory_space<hbm>>
        %dma_start3A_434 = tpu.memref_slice %arg4[%multiple_of3A_433] : memref<32000000xf32, #tpu.memory_space<hbm>> -> memref<4096xf32, #tpu.memory_space<hbm>>
        tpu.enqueue_dma source(%arg7 : memref<4096xf32, #tpu.memory_space<vmem>>) target(%dma_start3A_434 : memref<4096xf32, #tpu.memory_space<hbm>>) target_semaphore(%arg12 : memref<!tpu.dma_semaphore, #tpu.memory_space<semaphore_mem>>)
      } else {
      }
      %add3A_63 = arith.constant 2 : i32
      %add3A_64 = arith.addi %add3A_54, %add3A_63 : i32
      %mul3A_65 = arith.constant 32 : i32
      %mul3A_66 = arith.muli %add3A_64, %mul3A_65 : i32
      %add3A_67 = arith.addi %mul3A_66, %add3A : i32
      %lt3A_68 = arith.constant 7812 : i32
      %lt3A_69 = arith.cmpi slt, %add3A_67, %lt3A_68 : i32
      %convert_element_type3A_70 = arith.extui %lt3A_69 : i1 to i32
      %cond3A_71 = arith.constant 0 : i32
      %cond3A_72 = arith.cmpi ne, %convert_element_type3A_70, %cond3A_71 : i32
      scf.if %cond3A_72 {
        %mul3A_73 = arith.constant 128 : i32
        %mul3A_74 = arith.muli %add3A_67, %mul3A_73 : i32
        %multiple_of3A = tpu.assume_multiple %mul3A_74, 128 : i32
        %dma_start3A = arith.constant 1 : i32
        %dma_start3A_75 = arith.constant 0 : i32
        %dma_start3A_76 = arith.constant 0 : i32
        %dma_start3A_77 = tpu.memref_slice %arg5[%dma_start3A, %dma_start3A_75, %dma_start3A_76] : memref<2x32x128xf32, #tpu.memory_space<vmem>> -> memref<1x32x128xf32, #tpu.memory_space<vmem>>
        %dma_start3A_78 = tpu.memref_squeeze %dma_start3A_77 : memref<1x32x128xf32, #tpu.memory_space<vmem>> -> memref<32x128xf32, #tpu.memory_space<vmem>>
        %dma_start3A_79 = arith.constant 0 : i32
        %dma_start3A_80 = tpu.memref_slice %arg2[%dma_start3A_79, %multiple_of3A] : memref<32x1000000xf32, #tpu.memory_space<hbm>> -> memref<32x128xf32, #tpu.memory_space<hbm>>
        %dma_start3A_81 = arith.constant 0 : i32
        %dma_start3A_82 = arith.constant 0 : i32
        %dma_start3A_83 = tpu.memref_slice %arg5[%dma_start3A, %dma_start3A_81, %dma_start3A_82] : memref<2x32x128xf32, #tpu.memory_space<vmem>> -> memref<1x32x128xf32, #tpu.memory_space<vmem>>
        %dma_start3A_84 = tpu.memref_squeeze %dma_start3A_83 : memref<1x32x128xf32, #tpu.memory_space<vmem>> -> memref<32x128xf32, #tpu.memory_space<vmem>>
        %dma_start3A_85 = arith.constant 0 : i32
        %dma_start3A_86 = tpu.memref_slice %arg2[%dma_start3A_85, %multiple_of3A] : memref<32x1000000xf32, #tpu.memory_space<hbm>> -> memref<32x128xf32, #tpu.memory_space<hbm>>
        tpu.enqueue_dma source(%dma_start3A_86 : memref<32x128xf32, #tpu.memory_space<hbm>>) target(%dma_start3A_84 : memref<32x128xf32, #tpu.memory_space<vmem>>) target_semaphore(%arg10 : memref<!tpu.dma_semaphore, #tpu.memory_space<semaphore_mem>>)
      } else {
      }
    }
    %scan3A_16 = arith.constant 123 : i32
    %dma_wait3A = arith.constant 0 : i32
    %dma_wait3A_17 = tpu.memref_slice %arg4[%dma_wait3A] : memref<32000000xf32, #tpu.memory_space<hbm>> -> memref<4096xf32, #tpu.memory_space<hbm>>
    %dma_wait3A_18 = arith.constant 0 : i32
    %dma_wait3A_19 = tpu.memref_slice %arg4[%dma_wait3A_18] : memref<32000000xf32, #tpu.memory_space<hbm>> -> memref<4096xf32, #tpu.memory_space<hbm>>
    tpu.wait_dma2 semaphore(%arg11 : memref<!tpu.dma_semaphore, #tpu.memory_space<semaphore_mem>>) src(%arg6 : memref<4096xf32, #tpu.memory_space<vmem>>) dst(%dma_wait3A_19 : memref<4096xf32, #tpu.memory_space<hbm>>)
    %dma_wait3A_20 = arith.constant 0 : i32
    %dma_wait3A_21 = tpu.memref_slice %arg4[%dma_wait3A_20] : memref<32000000xf32, #tpu.memory_space<hbm>> -> memref<4096xf32, #tpu.memory_space<hbm>>
    %dma_wait3A_22 = arith.constant 0 : i32
    %dma_wait3A_23 = tpu.memref_slice %arg4[%dma_wait3A_22] : memref<32000000xf32, #tpu.memory_space<hbm>> -> memref<4096xf32, #tpu.memory_space<hbm>>
    tpu.wait_dma2 semaphore(%arg12 : memref<!tpu.dma_semaphore, #tpu.memory_space<semaphore_mem>>) src(%arg7 : memref<4096xf32, #tpu.memory_space<vmem>>) dst(%dma_wait3A_23 : memref<4096xf32, #tpu.memory_space<hbm>>)
    %eq3A = arith.constant 0 : i32
    %eq3A_24 = arith.cmpi eq, %add3A, %eq3A : i32
    %convert_element_type3A_25 = arith.extui %eq3A_24 : i1 to i32
    %cond3A_26 = arith.constant 0 : i32
    %cond3A_27 = arith.cmpi ne, %convert_element_type3A_25, %cond3A_26 : i32
    scf.if %cond3A_27 {
      "tpu.region"() ({
        %run_scoped3A = tpu.sem_alloc : memref<!tpu.dma_semaphore, #tpu.memory_space<semaphore_mem>>
        tpu.enqueue_dma source(%arg3 : memref<2048xf32, #tpu.memory_space<hbm>>) target(%arg8 : memref<2048xf32, #tpu.memory_space<vmem>>) target_semaphore(%run_scoped3A : memref<!tpu.dma_semaphore, #tpu.memory_space<semaphore_mem>>)
        tpu.wait_dma2 semaphore(%run_scoped3A : memref<!tpu.dma_semaphore, #tpu.memory_space<semaphore_mem>>) src(%arg3 : memref<2048xf32, #tpu.memory_space<hbm>>) dst(%arg8 : memref<2048xf32, #tpu.memory_space<vmem>>)
        tpu.yield
      }) : () -> ()
      "tpu.region"() ({
        %run_scoped3A = tpu.sem_alloc : memref<!tpu.dma_semaphore, #tpu.memory_space<semaphore_mem>>
        %dma_start3A = arith.constant 31997952 : i32
        %dma_start3A_28 = tpu.memref_slice %arg4[%dma_start3A] : memref<32000000xf32, #tpu.memory_space<hbm>> -> memref<2048xf32, #tpu.memory_space<hbm>>
        %dma_start3A_29 = arith.constant 31997952 : i32
        %dma_start3A_30 = tpu.memref_slice %arg4[%dma_start3A_29] : memref<32000000xf32, #tpu.memory_space<hbm>> -> memref<2048xf32, #tpu.memory_space<hbm>>
        tpu.enqueue_dma source(%arg8 : memref<2048xf32, #tpu.memory_space<vmem>>) target(%dma_start3A_30 : memref<2048xf32, #tpu.memory_space<hbm>>) target_semaphore(%run_scoped3A : memref<!tpu.dma_semaphore, #tpu.memory_space<semaphore_mem>>)
        %dma_wait3A_31 = arith.constant 31997952 : i32
        %dma_wait3A_32 = tpu.memref_slice %arg4[%dma_wait3A_31] : memref<32000000xf32, #tpu.memory_space<hbm>> -> memref<2048xf32, #tpu.memory_space<hbm>>
        %dma_wait3A_33 = arith.constant 31997952 : i32
        %dma_wait3A_34 = tpu.memref_slice %arg4[%dma_wait3A_33] : memref<32000000xf32, #tpu.memory_space<hbm>> -> memref<2048xf32, #tpu.memory_space<hbm>>
        tpu.wait_dma2 semaphore(%run_scoped3A : memref<!tpu.dma_semaphore, #tpu.memory_space<semaphore_mem>>) src(%arg8 : memref<2048xf32, #tpu.memory_space<vmem>>) dst(%dma_wait3A_34 : memref<2048xf32, #tpu.memory_space<hbm>>)
        tpu.yield
      }) : () -> ()
    } else {
    }
    return
  }
}

</mosaic_0001>

<sc_bundles>
// kernel: _sc_table_transpose.3.cloned.1.call-start
scs
__scs_entry_jumppad:
0x0: {  	(pc) =	sbr.rel $0x88, $3  }
0x1: {  	(tag) =	ssettag $0x0;
	lr =	simm.s32 $0x1  }
0x2: {  	[smem:$0x3F9F] =	sst lr;
	_ =	strace $0xD0000000  }
0x3: {  	_ = 	snop  }
0x4: {  	_ = 	snop  }
0x5: {  	_ = 	snop  }
0x6: {  	_ = 	snop  }
0x7: {  	_ = 	snop  }
__scs_overlays_trampoline_lowered:
0x8: {  	[smem:$0x3FAE] =	sst s0  }
0x9: {  	[smem:$0x3FAF] =	sst s1  }
0xa: {  	[smem:$0x3FB0] =	sst s2  }
0xb: {  	[smem:$0x3FB1] =	sst s3  }
0xc: {  	[smem:$0x3FB2] =	sst s4  }
0xd: {  	[smem:$0x3FB3] =	sst s5  }
0xe: {  	[smem:$0x3FB4] =	sst s6  }
0xf: {  	[smem:$0x3FB5] =	sst s7  }
0x10: {  	[smem:$0x3FB6] =	sst s8  }
0x11: {  	[smem:$0x3FB7] =	sst s9;
	s0 =	simm.s32 @!p0 $0x0  }
0x12: {  	s1 =	sld [smem:$0x3F9D];
	s0 =	simm.s32 @p0 $0x1  }
0x13: {  	[smem:$0x3FB8] =	sst s0;
	s0 =	simm.s32 @!p1 $0x0  }
0x14: {  	s2 =	sld [smem:$0x3F9C];
	s0 =	simm.s32 @p1 $0x1  }
0x15: {  	[smem:$0x3FB9] =	sst s0;
	s0 =	simm.s32 @!p2 $0x0  }
0x16: {  	s3 =	sld [smem:$0x3FDB];
	s0 =	simm.s32 @p2 $0x1  }
0x17: {  	s4 =	simm.s32 $0x1BF5;
	[smem:$0x3FBB] =	sst s0  }
0x18: {  	s0 =	sld [smem:$0x3F9E];
	_ =	swait.ge [sflag:s4], $0x0  }
0x19: {  	s7 =	sld [smem:$0x3F9F]  }
0x1a: {  	s8 =	sadd.s32 $0xFFFFE003, lr  }
0x1b: {  	s9 =	sadd.s32 $0xFFFFFEF7, lr;
	s5 =	simm.s32 $0xFFFFFFFF;
	p2 =	slt.u32 s8, $0xFFFFF086  }
0x1c: {  	p1 =	slt.u32 s9, $0xF7A;
	s5 =	simm.s32 @!p2 $0x0  }
0x1d: {  	s5 =	simm.s32 @p1 $0x1;
	p0 =	seq.s32 s7, s2  }
0x1e: {  	s7 =	smul.u32 @!p0 $0xF7A, s2;
	p2 =	seq.s32 @!p0 s5, $0x0  }
0x1f: {  	s9 =	smul.u32 $0xF7A, s1;
	s8 =	simm.s32 @!p0 $0x1BF5;
	p2 =	por !p2, p0  }
0x20: {  	[sflag:s8] =	ssyncset.s32 @!p0 $0xFFFFF086;
	s6 =	sadd.s32 @!p0 s3, s7;
	s7 =	simm.s32 @!p0 $0x108  }
0x21: {  	s3 =	sadd.s32 s3, s9;
	s6 =	sadd.s32 @!p0 $0x88, s6;
	s7 =	simm.s32 @p2 $0x1082  }
0x22: {  	[simem:s7], [sflag:s8] =	dma.local @!p0 [hbm:s6], $0xF7A  }
0x23: {  	s9 =	sor.u32 $0xD0000000, s2;
	s6 =	simm.s32 $0x108;
	_ =	swait.ge @!p0 [sflag:s8], $0x0  }
0x24: {  	s3 =	sadd.s32 $0x88, s3;
	s6 =	simm.s32 @!p1 $0x1082;
	[sflag:s4] =	ssyncset.s32 $0xFFFFF086  }
0x25: {  	[simem:s6], [sflag:s4] =	dma.local [hbm:s3], $0xF7A  }
0x26: {  	[smem:$0x3F9F] =	sst s1;
	(tag) =	ssettag s2;
	_ =	strace s9  }
0x27: {  	s1 =	sld [smem:$0x3FAF]  }
0x28: {  	s2 =	sld [smem:$0x3FB0]  }
0x29: {  	s4 =	sld [smem:$0x3FB2]  }
0x2a: {  	p0 =	seq.s32 s5, $0x0;
	s5 =	sld [smem:$0x3FB3]  }
0x2b: {  	s6 =	sld [smem:$0x3FB4]  }
0x2c: {  	s7 =	sld [smem:$0x3FB5]  }
0x2d: {  	s3 =	simm.s32 $0x108;
	s8 =	sld [smem:$0x3FB6]  }
0x2e: {  	s3 =	simm.s32 @!p0 $0x1082;
	s9 =	sld [smem:$0x3FB7]  }
0x2f: {  	lr =	sadd.s32 s0, s3;
	s0 =	sld [smem:$0x3FAE]  }
0x30: {  	s3 =	sld [smem:$0x3FB1]  }
0x31: {  	[smem:$0x3FBA] =	sst s10  }
0x32: {  	s10 =	sld [smem:$0x3FB8];
	_ =	sdelay $0x3  }
0x33: {  	p0 =	seq.s32 s10, $0x1;
	s10 =	sld [smem:$0x3FBA];
	_ =	sdelay $0x3  }
0x34: {  	[smem:$0x3FBA] =	sst s10  }
0x35: {  	s10 =	sld [smem:$0x3FB9];
	_ =	sdelay $0x3  }
0x36: {  	p1 =	seq.s32 s10, $0x1;
	s10 =	sld [smem:$0x3FBA];
	_ =	sdelay $0x3  }
0x37: {  	[smem:$0x3FBA] =	sst s10  }
0x38: {  	s10 =	sld [smem:$0x3FBB]  }
0x39: {  	_ = 	snop;
	(pc) =	sbr.ind lr, $3  }
0x3a: {  	_ = 	snop  }
0x3b: {  	_ = 	snop  }
0x3c: {  	p2 =	seq.s32 s10, $0x1;
	s10 =	sld [smem:$0x3FBA]  }
0x3d: {  	_ =	shalt  }
0x3e: {  	_ =	shalt  }
0x3f: {  	_ =	shalt  }
0x40: {  	_ =	shalt  }
0x41: {  	_ =	shalt  }
0x42: {  	_ =	shalt  }
0x43: {  	_ =	shalt  }
0x44: {  	_ =	shalt  }
0x45: {  	_ =	shalt  }
0x46: {  	_ =	shalt  }
0x47: {  	_ =	shalt  }
0x48: {  	_ =	shalt  }
0x49: {  	_ =	shalt  }
0x4a: {  	_ =	shalt  }
0x4b: {  	_ =	shalt  }
0x4c: {  	_ =	shalt  }
0x4d: {  	_ =	shalt  }
0x4e: {  	_ =	shalt  }
0x4f: {  	_ =	shalt  }
0x50: {  	_ =	shalt  }
0x51: {  	_ =	shalt  }
0x52: {  	_ =	shalt  }
0x53: {  	_ =	shalt  }
0x54: {  	_ =	shalt  }
0x55: {  	_ =	shalt  }
0x56: {  	_ =	shalt  }
0x57: {  	_ =	shalt  }
0x58: {  	_ =	shalt  }
0x59: {  	_ =	shalt  }
0x5a: {  	_ =	shalt  }
0x5b: {  	_ =	shalt  }
0x5c: {  	_ =	shalt  }
0x5d: {  	_ =	shalt  }
0x5e: {  	_ =	shalt  }
0x5f: {  	_ =	shalt  }
0x60: {  	_ =	shalt  }
0x61: {  	_ =	shalt  }
0x62: {  	_ =	shalt  }
0x63: {  	_ =	shalt  }
0x64: {  	_ =	shalt  }
0x65: {  	_ =	shalt  }
0x66: {  	_ =	shalt  }
0x67: {  	_ =	shalt  }
0x68: {  	_ =	shalt  }
0x69: {  	_ =	shalt  }
0x6a: {  	_ =	shalt  }
0x6b: {  	_ =	shalt  }
0x6c: {  	_ =	shalt  }
0x6d: {  	_ =	shalt  }
0x6e: {  	_ =	shalt  }
0x6f: {  	_ =	shalt  }
0x70: {  	_ =	shalt  }
0x71: {  	_ =	shalt  }
0x72: {  	_ =	shalt  }
0x73: {  	_ =	shalt  }
0x74: {  	_ =	shalt  }
0x75: {  	_ =	shalt  }
0x76: {  	_ =	shalt  }
0x77: {  	_ =	shalt  }
0x78: {  	_ =	shalt  }
0x79: {  	_ =	shalt  }
0x7a: {  	_ =	shalt  }
0x7b: {  	_ =	shalt  }
0x7c: {  	_ =	shalt  }
0x7d: {  	_ =	shalt  }
0x7e: {  	_ =	shalt  }
0x7f: {  	_ =	shalt  }
0x80: {  	_ =	shalt  }
0x81: {  	_ =	shalt  }
0x82: {  	_ =	shalt  }
0x83: {  	_ =	shalt  }
0x84: {  	_ =	shalt  }
0x85: {  	_ =	shalt  }
0x86: {  	_ =	shalt  }
0x87: {  	_ =	shalt  }
.Lfunc_end0:
.L_simem_size_0:
called_computation_lowered:
.L_overlay_start_0:
0x88: {  	s2 =	sld [smem:$0x3FD9]  }
0x89: {  	s3 =	sld [smem:$0x3FFE];
	_ =	sdelay $0x1  }
0x8a: {  	s1 =	srdreg.scid  }
0x8b: {  	s0 =	sand.u32 $0x1, s1  }
0x8c: {  	s18 =	sshll.u32 s0, $0xA;
	s2 =	sadd.s32 s3, s2  }
0x8d: {  	s2 =	sadd.s32 s2, s18  }
0x8e: {  	[smem:$0x3FC6] =	sst s2  }
0x8f: {  	_ = 	snop  }
0x90: {  	s2 =	sld [smem:$0x3FC9]  }
0x91: {  	s19 =	sld [smem:$0x3FC8]  }
0x92: {  	s4 =	sld [smem:$0x3FD0];
	(tm) =	ssettm $0x1  }
0x93: {  	s5 =	sld [smem:$0x3FFB];
	_ =	sdelay $0x3  }
0x94: {  	_ =	strace s5  }
0x95: {  	s5 =	sld [smem:$0x3FFC];
	_ =	sdelay $0x3  }
0x96: {  	_ =	strace s5  }
0x97: {  	s5 =	sld [smem:$0x3FFD];
	_ =	sdelay $0x3  }
0x98: {  	_ =	strace s5  }
0x99: {  	_ =	strace $0x8FFFFFFF  }
0x9a: {  	s20 =	sld [smem:$0x3FDB];
	_ =	sdelay $0x1  }
0x9b: {  	s6 =	simm.s32 $_scs_section_size  }
0x9c: {  	s7 =	simm.s32 $_size__tile_overlayer_lowered;
	s8 =	simm.s32 $_tile_overlayer_lowered  }
0x9d: {  	s23 =	simm.s32 $0x1BFF;
	s22 =	sshll.u32 s8, $0x1;
	s5 =	sadd.s32 s6, s20  }
0x9e: {  	s9 =	simm.s32 $0x0;
	s21 =	sshll.u32 s7, $0x1;
	s7 =	sadd.s32 s22, s5  }
0x9f: {  	[timem:s9], [sflag:s23] =	dma.local [hbm:s7], s21  }
0xa0: {  	_ =	swait.ge [sflag:s23], s21  }
0xa1: {  	s6 =	ssub.s32 $0x0, s21;
	[sflag:s23] =	ssyncset.done $0x0  }
0xa2: {  	[sflag:s23] =	ssyncadd.s32 s6;
	_ =	sdelay $0x1  }
0xa3: {  	s24 =	simm.s32 $0x1B8B  }
0xa4: {  	_ =	swait.ge [sflag:s24], $0x1  }
0xa5: {  	[sflag:s24] =	ssyncset.done $0x0  }
0xa6: {  	s25 =	simm.s32 $0x1B8E;
	[sflag:s24] =	ssyncadd.s32 $0xFFFFFFFF  }
0xa7: {  	s26 =	simm.s32 $execute0_lowered;
	[smem:$0x3FD2] =	sst s25  }
0xa8: {  	s6 =	sshll.u32 s26, $0x1;
	_ =	strace $0x80000046;
	[dreg:$0x1] =	wrdreg $0xFFFFFFFF  }
0xa9: {  	s28 =	simm.s32 $_size_execute0_lowered;
	s5 =	sadd.s32 s5, s6;
	[dreg:$0x0] =	wrdreg $0x0  }
0xaa: {  	s6 =	sshll.u32 s28, $0x1;
	[dreg:$0x2] =	wrdreg s5  }
0xab: {  	[dreg:$0x3] =	wrdreg s6  }
0xac: {  	[dreg:$0x4] =	wrdreg $0xC0  }
0xad: {  	_ =	task [dreg:s9], $0x5FFFF  }
0xae: {  	[dreg:$0x1] =	wrdreg $0xFFFFFFFF  }
0xaf: {  	[dreg:$0x0] =	wrdreg $0x60  }
0xb0: {  	[dreg:$0x2] =	wrdreg s2  }
0xb1: {  	[dreg:$0x3] =	wrdreg s19  }
0xb2: {  	[dreg:$0x4] =	wrdreg s4  }
0xb3: {  	[dreg:$0x5] =	wrdreg $0x9  }
0xb4: {  	_ =	task.clear_ibuf [dreg:s9], $0x6FFFF;
	_ =	strace $0x90000046  }
0xb5: {  	s29 =	simm.s32 $0x9;
	_ =	strace $0x80000048  }
0xb6: {  	_ =	swait.ge [sflag:s29], $0x1  }
0xb7: {  	[sflag:s29] =	ssyncadd.s32 $0xFFFFFFFF  }
0xb8: {  	_ =	strace $0x90000048  }
0xb9: {  	_ =	sfence  }
0xba: {  	s30 =	sld [smem:$0x0];
	_ =	sdelay $0x2  }
0xbb: {  	s31 =	sshll.u32 s1, $0xD;
	s1 =	sshrl.u32 s1, $0x2  }
0xbc: {  	s3 =	sand.u32 $0x4000, s31;
	s1 =	sadd.s32 s1, s30  }
0xbd: {  	s0 =	sor.u32 s3, s0;
	s1 =	sshll.u32 s1, $0x11  }
0xbe: {  	s0 =	sor.u32 s1, s0  }
0xbf: {  	s0 =	sadd.s32 $0x8F2B, s0  }
0xc0: {  	[sflag:s0] =	ssyncadd.remote.s32 $0x1  }
0xc1: {  	_ =	sfence.sel $0xFFFF  }
0xc2: {  	[dreg:$0x0] =	wrdreg $0xFFFFFFFF;
	(pc) =	sbr.abs _section_cstart, $3  }
0xc3: {  	[dreg:$0x1] =	wrdreg $0xFFFFFFFF  }
0xc4: {  	_ =	task.clear_ibuf [dreg:s9], $0x2FFFF;
	_ =	strace $0x9FFFFFFF  }
0xc5: {  	(tm) =	ssettm $0x7FFFFFFF  }
tec
execute0_lowered:
.L_overlay_start_1:
0x0: {  	(tag) =	ssettag $0x1  }
0x1: {  	vm9 =	vcmask $0x1F10;
	v0 =	vimm.s32 $0x83624120  }
0x2: {  	v1 =	vimm.s32 $0xEFCEAD8C;
	v2 =	vimm.s32 $0xEBCAA988;
	vm13 =	vcmask $0xF00  }
0x3: {  	v3 =	vimm.s32 $0xE3C2A180;
	vm14 =	vcmask $0x1B10;
	v4 =	vimm.s32 $0xA3826140  }
0x4: {  	vm0 =	vcmask $0x1F1C;
	vm12 =	vcmask $0x2320;
	vm5 =	vcmask $0x1310  }
0x5: {  	vm4 =	vcmask $0x1714;
	vm11 =	vcmask $0xB00;
	vm3 =	vcmask $0x1B18  }
0x6: {  	vm6 =	vcmask $0xF0C;
	vm2 =	vcmask $0x2724;
	vm1 =	vcmask $0x2B28  }
0x7: {  	vm8 =	vcmask $0x704;
	vm10 =	vcmask $0xB08;
	vm7 =	vcmask $0x300  }
0x8: {  	v7 =	vimm.s32 $0x93725130;
	v8 =	vimm.s32 $0xF6D5B4;
	v9 =	vimm.s32 $0xB6E4D2C  }
0x9: {  	v10 =	vimm.s32 $0xB3927150;
	vm15 =	vcmask $0x1F14;
	v13 =	vimm.s32 $0xF2D1B0  }
0xa: {  	v18 =	vimm.s32 $0xDF;
	v20 =	vimm.s32 $0x177A5938;
	v22 =	vimm.s32 $0x9BFEDDBC  }
0xb: {  	v23 =	vimm.s32 $0x14F;
	v24 =	vimm.s32 $0xBB9AFDDC;
	v25 =	vimm.s32 $0xAB8AE9C8  }
0xc: {  	v26 =	vimm.s32 $0xAF8EEDCC;
	v28 =	vimm.s32 $0xA382E1C0;
	v29 =	vimm.s32 $0xA786E5C4  }
0xd: {  	v30 =	vimm.s32 $0xCBAA89E8;
	v31 =	vimm.s32 $0xCFAE8DEC;
	v33 =	vimm.s32 $0x100  }
0xe: {  	v34 =	vimm.s32 $0xF3D2B190;
	v62 =	vimm.s32 $0x9BFAD9B8;
	v37 =	vimm.s32 $0x9FFEDDBC  }
0xf: {  	v38 =	vimm.s32 $0x93F2D1B0;
	v39 =	vimm.s32 $0x97F6D5B4;
	v40 =	vimm.s32 $0xBB9AF9D8  }
0x10: {  	v41 =	vimm.s32 $0xBF9EFDDC;
	v42 =	vimm.s32 $0xB392F1D0;
	v48 =	vimm.s32 $0xB796F5D4  }
0x11: {  	v49 =	vimm.s32 $0xDBBA99F8;
	v50 =	vimm.s32 $0xDFBE9DFC;
	v51 =	vimm.s32 $0xD3B291F0  }
0x12: {  	v45 =	vimm.s32 $0xD7B695F4;
	v46 =	vimm.s32 $0x198;
	v53 =	vimm.s32 $0x7F5E3D1C  }
0x13: {  	v54 =	vimm.s32 $0x7B5A3918;
	v55 =	vimm.s32 $0x17F;
	v56 =	vimm.s32 $0x77563514  }
0x14: {  	v61 =	vimm.s32 $0x18F;
	v0 =	vunpack.c.0.s8.s32 v0;
	v12 =	vunpack.c.0.s8.s32 v1  }
0x15: {  	v11 =	vunpack.c.0.s8.s32 v2;
	v1 =	vimm.s32 $0xE6C5A4;
	v2 =	vimm.s32 $0xE7C6A584  }
0x16: {  	v5 =	vunpack.c.0.s8.s32 v3;
	v3 =	vimm.s32 $0xAF;
	v7 =	vunpack.c.0.s8.s32 v7  }
0x17: {  	v8 =	vunpack.c.0.s8.s32 v8;
	v9 =	vunpack.c.0.s8.s32 v9;
	v13 =	vunpack.c.0.s8.s32 v13  }
0x18: {  	v18 =	vsel vm7, $0xF0, v18;
	v20 =	vunpack.c.0.s8.s32 v20;
	v22 =	vunpack.c.0.s8.s32 v22  }
0x19: {  	v24 =	vunpack.c.0.s8.s32 v24;
	v25 =	vunpack.c.0.s8.s32 v25;
	v26 =	vunpack.c.0.s8.s32 v26  }
0x1a: {  	v28 =	vunpack.c.0.s8.s32 v28;
	v29 =	vunpack.c.0.s8.s32 v29;
	v30 =	vunpack.c.0.s8.s32 v30  }
0x1b: {  	v31 =	vunpack.c.0.s8.s32 v31;
	v44 =	vsel vm8, $0x121, v33;
	v37 =	vunpack.c.0.s8.s32 v37  }
0x1c: {  	v38 =	vunpack.c.0.s8.s32 v38;
	v39 =	vunpack.c.0.s8.s32 v39;
	v40 =	vunpack.c.0.s8.s32 v40  }
0x1d: {  	v41 =	vunpack.c.0.s8.s32 v41;
	v63 =	vunpack.c.0.s8.s32 v42;
	v43 =	vunpack.c.0.s8.s32 v49  }
0x1e: {  	v42 =	vunpack.c.0.s8.s32 v50;
	v47 =	vunpack.c.0.s8.s32 v51;
	v45 =	vunpack.c.0.s8.s32 v45  }
0x1f: {  	v46 =	vsel vm8, $0x1B9, v46;
	v58 =	vunpack.c.0.s8.s32 v56;
	v51 =	vimm.s32 $0x110  }
0x20: {  	v49 =	vimm.s32 $0x97FAD9B8;
	v50 =	vimm.s32 $0xA786E9C8;
	v1 =	vunpack.c.0.s8.s32 v1  }
0x21: {  	v15 =	vunpack.c.0.s8.s32 v2;
	v2 =	vimm.s32 $0xE2C1A0;
	v3 =	vsel vm7, $0xC0, v3  }
0x22: {  	v18 =	vsel vm8, $0x111, v18;
	v52 =	vsel vm10, $0x1DA, v46;
	v46 =	vsel vm7, $0x190, v55  }
0x23: {  	v55 =	vunpack.c.0.s8.s32 v49;
	v50 =	vunpack.c.0.s8.s32 v50;
	v0 =	vand.u32 $0xFF, v0  }
0x24: {  	v2 =	vunpack.c.0.s8.s32 v2;
	v3 =	vsel vm8, $0xE1, v3;
	v7 =	vand.u32 $0xFF, v7  }
0x25: {  	v8 =	vand.u32 $0xFF, v8;
	v9 =	vand.u32 $0xFF, v9;
	v18 =	vsel vm10, $0x132, v18  }
0x26: {  	v20 =	vand.u32 $0xFF, v20;
	v22 =	vand.u32 $0xFF, v22;
	v26 =	vsel vm9, v26, v25  }
0x27: {  	v29 =	vsel vm9, v29, v28;
	v28 =	vsel vm9, v31, v30;
	v25 =	vimm.s32 $0x188  }
0x28: {  	v30 =	vimm.s32 $0x6F4E2D0C;
	v31 =	vimm.s32 $0x6B4A2908;
	v57 =	vsel vm8, $0x1B1, v46  }
0x29: {  	v60 =	vand.u32 $0xFF, v58;
	v58 =	vimm.s32 $0x23026544;
	v0 =	vnsel vm13, $0xF, v0  }
0x2a: {  	v1 =	vand.u32 $0xFF, v1;
	v3 =	vsel vm10, $0x102, v3;
	v7 =	vnsel vm13, $0x1F, v7  }
0x2b: {  	v18 =	vsel vm6, $0x153, v18;
	v15 =	vsel vm9, v15, v5;
	v25 =	vsel vm8, $0x1A9, v25  }
0x2c: {  	v30 =	vunpack.c.0.s8.s32 v30;
	v32 =	vunpack.c.0.s8.s32 v31;
	v59 =	vsel vm10, $0x1D2, v57  }
0x2d: {  	v57 =	vimm.s32 $0x1AF;
	v49 =	vunpack.c.0.s8.s32 v58;
	v5 =	vand.u32 $0xFF, v5  }
0x2e: {  	v26 =	vcombine.low v29, v26;
	v0 =	vsel vm14, v1, v0;
	v1 =	vunpack.c.0.s8.s32 v4  }
0x2f: {  	v3 =	vsel vm6, $0x123, v3;
	v7 =	vsel vm14, v8, v7;
	v8 =	vunpack.c.0.s8.s32 v10  }
0x30: {  	vm14 =	vcmask $0x3B2C;
	v18 =	vsel vm5, $0x174, v18;
	v25 =	vsel vm10, $0x1CA, v25  }
0x31: {  	v5 =	vsel vm5, $0x104, v5;
	v0 =	vsel vm0, $0x107, v0;
	v3 =	vsel vm5, $0x144, v3  }
0x32: {  	v7 =	vsel vm0, $0x117, v7;
	v18 =	vsel vm4, $0x195, v18;
	v5 =	vsel vm4, $0x125, v5  }
0x33: {  	v1 =	vand.u32 $0xFF, v1;
	v4 =	vsel vm12, $0x128, v0;
	v3 =	vsel vm4, $0x165, v3  }
0x34: {  	v8 =	vand.u32 $0xFF, v8;
	v7 =	vsel vm12, $0x138, v7;
	v18 =	vsel vm3, $0x1B6, v18  }
0x35: {  	v5 =	vsel vm3, $0x146, v5;
	v1 =	vnsel vm13, $0x2F, v1;
	v10 =	vnsel vm13, $0x3F, v8  }
0x36: {  	v3 =	vsel vm3, $0x186, v3;
	v8 =	vimm.s32 $0xCF;
	vm13 =	vcmask $0x3728  }
0x37: {  	v18 =	vsel vm0, $0x1D7, v18;
	v4 =	vsel vm2, $0x149, v4;
	v7 =	vsel vm2, $0x159, v7  }
0x38: {  	v0 =	vsel vm5, $0xC4, v1;
	v1 =	vand.u32 $0xFF, v2;
	v2 =	vimm.s32 $0x168  }
0x39: {  	v8 =	vsel vm7, $0xE0, v8;
	v21 =	vsel vm12, $0x1F8, v18;
	v1 =	vnsel vm11, $0x8F, v1  }
0x3a: {  	v18 =	vimm.s32 $0x1B7E5D3C;
	v0 =	vsel vm4, $0xE5, v0;
	v1 =	vsel vm6, $0x103, v1  }
0x3b: {  	v4 =	vsel vm1, $0x16A, v4;
	v0 =	vsel vm3, $0x106, v0;
	v1 =	vsel vm5, $0x124, v1  }
0x3c: {  	v7 =	vsel vm1, $0x17A, v7;
	v0 =	vsel vm0, $0x127, v0;
	v1 =	vsel vm4, $0x145, v1  }
0x3d: {  	v2 =	vsel vm8, $0x189, v2;
	v6 =	vsel vm12, $0x148, v0;
	v1 =	vsel vm3, $0x166, v1  }
0x3e: {  	v0 =	vsel vm10, $0x1AA, v2;
	v2 =	vimm.s32 $0x4F2E0D00;
	v1 =	vsel vm0, $0x187, v1  }
0x3f: {  	v0 =	vsel vm6, $0x1CB, v0;
	v2 =	vunpack.c.0.s8.s32 v2;
	v1 =	vsel vm12, $0x1A8, v1  }
0x40: {  	v8 =	vsel vm8, $0x101, v8;
	v0 =	vsel vm5, $0x1EC, v0;
	v1 =	vsel vm2, $0x1C9, v1  }
0x41: {  	v8 =	vsel vm10, $0x122, v8;
	v27 =	vsel vm15, v2, v0;
	v1 =	vsel vm1, $0x1EA, v1  }
0x42: {  	v0 =	vsel vm14, v9, v1;
	v1 =	vsel vm0, $0x1A7, v3;
	v3 =	vimm.s32 $0x178  }
0x43: {  	v18 =	vunpack.c.0.s8.s32 v18;
	v8 =	vsel vm6, $0x143, v8;
	v3 =	vsel vm8, $0x199, v3  }
0x44: {  	v2 =	vimm.s32 $0x2B0A6D4C;
	v9 =	vimm.s32 $0x5F3E1D00;
	v3 =	vsel vm10, $0x1BA, v3  }
0x45: {  	v2 =	vunpack.c.0.s8.s32 v2;
	v9 =	vunpack.c.0.s8.s32 v9;
	v3 =	vsel vm6, $0x1DB, v3  }
0x46: {  	v18 =	vand.u32 $0xFF, v18;
	v1 =	vsel vm12, $0x1C8, v1;
	v3 =	vsel vm5, $0x1FC, v3  }
0x47: {  	v2 =	vand.u32 $0xFF, v2;
	v1 =	vsel vm2, $0x1E9, v1;
	v36 =	vsel vm15, v9, v3  }
0x48: {  	v3 =	vsel vm5, $0x164, v8;
	v9 =	vimm.s32 $0x10F;
	v8 =	vsel vm13, v2, v1  }
0x49: {  	v1 =	vsel vm4, $0x185, v3;
	v2 =	vsel vm7, $0x120, v9;
	v3 =	vimm.s32 $0x4B2A096C  }
0x4a: {  	v9 =	vimm.s32 $0x76A4928;
	v1 =	vsel vm3, $0x1A6, v1;
	v2 =	vsel vm8, $0x141, v2  }
0x4b: {  	v3 =	vunpack.c.0.s8.s32 v3;
	v1 =	vsel vm0, $0x1C7, v1;
	v2 =	vsel vm10, $0x162, v2  }
0x4c: {  	v9 =	vunpack.c.0.s8.s32 v9;
	v2 =	vsel vm6, $0x183, v2;
	v14 =	vsel vm12, $0x1E8, v1  }
0x4d: {  	v16 =	vand.u32 $0xFF, v3;
	v3 =	vand.u32 $0xFF, v13;
	v2 =	vsel vm5, $0x1A4, v2  }
0x4e: {  	v1 =	vsel vm4, $0x1C5, v2;
	v2 =	vand.u32 $0xFF, v9;
	v9 =	vimm.s32 $0x8BEECDAC  }
0x4f: {  	v3 =	vnsel vm11, $0x9F, v3;
	v13 =	vunpack.c.0.s8.s32 v9;
	v9 =	vimm.s32 $0x12F  }
0x50: {  	v17 =	vsel vm7, $0x140, v9;
	v9 =	vsel vm5, $0xD4, v10;
	v10 =	vimm.s32 $0xBF  }
0x51: {  	vm15 =	vcmask $0x3324;
	v3 =	vsel vm6, $0x113, v3;
	v10 =	vsel vm7, $0xD0, v10  }
0x52: {  	vm11 =	vcmask $0x2B1C;
	v3 =	vsel vm5, $0x134, v3;
	v10 =	vsel vm8, $0xF1, v10  }
0x53: {  	v1 =	vsel vm3, $0x1E6, v1;
	v3 =	vsel vm4, $0x155, v3;
	v10 =	vsel vm10, $0x112, v10  }
0x54: {  	v1 =	vsel vm11, v2, v1;
	v9 =	vsel vm4, $0xF5, v9;
	v10 =	vsel vm6, $0x133, v10  }
0x55: {  	v3 =	vsel vm3, $0x176, v3;
	v2 =	vsel vm8, $0x161, v17;
	v10 =	vsel vm5, $0x154, v10  }
0x56: {  	v17 =	vimm.s32 $0x11F;
	v9 =	vsel vm3, $0x116, v9;
	v10 =	vsel vm4, $0x175, v10  }
0x57: {  	v3 =	vsel vm0, $0x197, v3;
	v2 =	vsel vm10, $0x182, v2;
	v10 =	vsel vm3, $0x196, v10  }
0x58: {  	v9 =	vsel vm0, $0x137, v9;
	v3 =	vsel vm12, $0x1B8, v3;
	v10 =	vsel vm0, $0x1B7, v10  }
0x59: {  	v2 =	vsel vm6, $0x1A3, v2;
	v19 =	vsel vm12, $0x1D8, v10;
	v10 =	vand.u32 $0xFF, v13  }
0x5a: {  	v2 =	vsel vm5, $0x1C4, v2;
	v1 =	vsel vm14, v10, v1;
	v10 =	vsel vm7, $0x130, v17  }
0x5b: {  	v9 =	vsel vm12, $0x158, v9;
	v17 =	vsel vm4, $0x1E5, v2;
	v2 =	vsel vm8, $0x151, v10  }
0x5c: {  	v3 =	vsel vm2, $0x1D9, v3;
	v13 =	vimm.s32 $0x27066948;
	v2 =	vsel vm10, $0x172, v2  }
0x5d: {  	v13 =	vunpack.c.0.s8.s32 v13;
	v10 =	vimm.s32 $0xAB8AEDCC;
	v2 =	vsel vm6, $0x193, v2  }
0x5e: {  	v3 =	vsel vm1, $0x1FA, v3;
	v10 =	vunpack.c.0.s8.s32 v10;
	v2 =	vsel vm5, $0x1B4, v2  }
0x5f: {  	vm12 =	vcmask $0x2718;
	v13 =	vand.u32 $0xFF, v13;
	v2 =	vsel vm4, $0x1D5, v2  }
0x60: {  	v13 =	vsel vm12, v13, v17;
	v10 =	vand.u32 $0xFF, v10;
	v2 =	vsel vm3, $0x1F6, v2  }
0x61: {  	v20 =	vsel vm11, v20, v2;
	v2 =	vsel vm14, v18, v3;
	v18 =	vsel vm7, $0x160, v23  }
0x62: {  	v10 =	vsel vm13, v10, v13;
	v3 =	vsel vm14, v22, v20;
	v17 =	vsel vm8, $0x181, v18  }
0x63: {  	v18 =	vimm.s32 $0x47260568;
	v20 =	vimm.s32 $0x37167958;
	v17 =	vsel vm10, $0x1A2, v17  }
0x64: {  	v18 =	vunpack.c.0.s8.s32 v18;
	v13 =	vsel vm6, $0x1C3, v17;
	v17 =	vimm.s32 $0x13F  }
0x65: {  	v20 =	vunpack.c.0.s8.s32 v20;
	v22 =	vsel vm5, $0x1E4, v13;
	v13 =	vsel vm7, $0x150, v17  }
0x66: {  	v23 =	vand.u32 $0xFF, v18;
	v18 =	vimm.s32 $0x3B1A7D5C;
	v13 =	vsel vm8, $0x171, v13  }
0x67: {  	v17 =	vimm.s32 $0xCBAA89EC;
	v18 =	vunpack.c.0.s8.s32 v18;
	v13 =	vsel vm10, $0x192, v13  }
0x68: {  	v19 =	vsel vm2, $0x1F9, v19;
	v17 =	vunpack.c.0.s8.s32 v17;
	v13 =	vsel vm6, $0x1B3, v13  }
0x69: {  	v20 =	vand.u32 $0xFF, v20;
	v18 =	vand.u32 $0xFF, v18;
	v13 =	vsel vm5, $0x1D4, v13  }
0x6a: {  	v17 =	vand.u32 $0xFF, v17;
	v18 =	vsel vm13, v18, v19;
	v13 =	vsel vm4, $0x1F5, v13  }
0x6b: {  	v19 =	vand.u32 $0xFF, v24;
	v24 =	vimm.s32 $0x87E6C5A4;
	v13 =	vsel vm12, v20, v13  }
0x6c: {  	v20 =	vsel vm13, v19, v13;
	vm13 =	vcmask $0x2314;
	v13 =	vsel vm15, v16, v14  }
0x6d: {  	v16 =	vimm.s32 $0x15F;
	v19 =	vimm.s32 $0x5B3A197C;
	v14 =	vsel vm13, v23, v22  }
0x6e: {  	v16 =	vsel vm7, $0x170, v16;
	v19 =	vunpack.c.0.s8.s32 v19;
	v22 =	vimm.s32 $0x57361578  }
0x6f: {  	v23 =	vimm.s32 $0xDBBA99FC;
	v16 =	vsel vm8, $0x191, v16;
	v22 =	vunpack.c.0.s8.s32 v22  }
0x70: {  	v17 =	vsel vm15, v17, v14;
	v23 =	vunpack.c.0.s8.s32 v23;
	v16 =	vsel vm10, $0x1B2, v16  }
0x71: {  	v14 =	vsel vm6, $0x1D3, v16;
	v16 =	vand.u32 $0xFF, v19;
	v19 =	vand.u32 $0xFF, v22  }
0x72: {  	v22 =	vimm.s32 $0x8FEECDAC;
	v14 =	vsel vm5, $0x1F4, v14;
	v16 =	vsel vm15, v16, v21  }
0x73: {  	v21 =	vimm.s32 $0x8BEAC9A8;
	v22 =	vunpack.c.0.s8.s32 v22;
	v14 =	vsel vm13, v19, v14  }
0x74: {  	v19 =	vand.u32 $0xFF, v23;
	v21 =	vunpack.c.0.s8.s32 v21;
	v23 =	vimm.s32 $0x83E2C1A0  }
0x75: {  	v9 =	vsel vm2, $0x179, v9;
	v24 =	vunpack.c.0.s8.s32 v24;
	v23 =	vunpack.c.0.s8.s32 v23  }
0x76: {  	v9 =	vsel vm1, $0x19A, v9;
	vm14 =	vcmask $0x1B0C;
	v21 =	vsel vm9, v22, v21  }
0x77: {  	v22 =	vsel vm9, v24, v23;
	v23 =	vimm.s32 $0xC3A281E0;
	v24 =	vimm.s32 $0xC7A685E4  }
0x78: {  	v19 =	vsel vm15, v19, v14;
	v23 =	vunpack.c.0.s8.s32 v23;
	v24 =	vunpack.c.0.s8.s32 v24  }
0x79: {  	v14 =	vsel vm9, v12, v11;
	v12 =	vand.u32 $0xFF, v12;
	vm15 =	vcmask $0x2F20  }
0x7a: {  	v31 =	vsel vm9, v24, v23;
	v23 =	vsel vm6, $0x1EB, v25;
	v24 =	vimm.s32 $0x16F  }
0x7b: {  	v25 =	vimm.s32 $0x67462504;
	v30 =	vsel vm9, v30, v23;
	v24 =	vsel vm7, $0x180, v24  }
0x7c: {  	v23 =	vand.u32 $0xFF, v32;
	v25 =	vunpack.c.0.s8.s32 v25;
	v24 =	vsel vm8, $0x1A1, v24  }
0x7d: {  	v28 =	vcombine.low v31, v28;
	v32 =	vsel vm9, v12, v23;
	v24 =	vsel vm10, $0x1C2, v24  }
0x7e: {  	v23 =	vand.u32 $0xFF, v25;
	v12 =	vsel vm6, $0x1E3, v24;
	v24 =	vimm.s32 $0xFFDEBD9C  }
0x7f: {  	v25 =	vimm.s32 $0xFBDAB998;
	v12 =	vsel vm9, v23, v12;
	v23 =	vunpack.c.0.s8.s32 v24  }
0x80: {  	v24 =	vunpack.c.0.s8.s32 v25;
	v25 =	vand.u32 $0xFF, v11;
	v11 =	vimm.s32 $0xF7D6B594  }
0x81: {  	v35 =	vunpack.c.0.s8.s32 v11;
	v11 =	vunpack.c.0.s8.s32 v34;
	v34 =	vunpack.c.0.s8.s32 v62  }
0x82: {  	v12 =	vsel vm15, v25, v12;
	v25 =	vsel vm7, $0x1A0, v61;
	v62 =	vimm.s32 $0x3664524  }
0x83: {  	v61 =	vimm.s32 $0x1BF;
	v33 =	vsel vm9, v23, v24;
	v23 =	vand.u32 $0xFF, v23  }
0x84: {  	v25 =	vsel vm8, $0x1C1, v25;
	v24 =	vand.u32 $0xFF, v24;
	v35 =	vsel vm9, v35, v11  }
0x85: {  	v34 =	vsel vm9, v37, v34;
	v37 =	vsel vm9, v39, v38;
	v38 =	vsel vm9, v41, v40  }
0x86: {  	v40 =	vunpack.c.0.s8.s32 v48;
	v39 =	vsel vm9, v42, v43;
	v42 =	vsel vm6, $0x1FB, v52  }
0x87: {  	v43 =	vunpack.c.0.s8.s32 v53;
	v25 =	vsel vm10, $0x1E2, v25;
	v52 =	vimm.s32 $0x19F  }
0x88: {  	v53 =	vimm.s32 $0x13765534;
	v48 =	vimm.s32 $0x87EAC9A8;
	v11 =	vand.u32 $0xFF, v11  }
0x89: {  	v46 =	vsel vm7, $0x1B0, v52;
	v48 =	vunpack.c.0.s8.s32 v48;
	v52 =	vand.u32 $0xFF, v50  }
0x8a: {  	v11 =	vsel vm5, $0x114, v11;
	v31 =	vcombine.low v35, v33;
	v33 =	vcombine.low v37, v34  }
0x8b: {  	v41 =	vsel vm9, v40, v63;
	v40 =	vsel vm9, v45, v47;
	v45 =	vunpack.c.0.s8.s32 v54  }
0x8c: {  	v42 =	vsel vm9, v43, v42;
	v46 =	vsel vm8, $0x1D1, v46;
	v47 =	vunpack.c.0.s8.s32 v53  }
0x8d: {  	v53 =	vimm.s32 $0x43220164;
	v11 =	vsel vm4, $0x135, v11;
	v46 =	vsel vm10, $0x1F2, v46  }
0x8e: {  	v56 =	vand.u32 $0xFF, v48;
	v48 =	vsel vm7, $0x1C0, v57;
	v57 =	vimm.s32 $0x53321174  }
0x8f: {  	v11 =	vsel vm3, $0x156, v11;
	v34 =	vcombine.low v41, v38;
	v45 =	vand.u32 $0xFF, v45  }
0x90: {  	v37 =	vcombine.low v40, v39;
	v47 =	vand.u32 $0xFF, v47;
	v43 =	vsel vm9, v23, v45  }
0x91: {  	v23 =	vsel vm6, $0x1F3, v59;
	v45 =	vunpack.c.0.s8.s32 v62;
	v54 =	vsel vm14, v47, v46  }
0x92: {  	v46 =	vand.u32 $0xFF, v55;
	v59 =	vsel vm8, $0x1E1, v48;
	v62 =	vimm.s32 $0x33127554  }
0x93: {  	v48 =	vsel vm7, $0x1D0, v61;
	v55 =	vimm.s32 $0x1CF;
	v23 =	vsel vm9, v60, v23  }
0x94: {  	v60 =	vand.u32 $0xFF, v49;
	v49 =	vunpack.c.0.s8.s32 v62;
	v48 =	vsel vm8, $0x1F1, v48  }
0x95: {  	v62 =	vimm.s32 $0xD3B29170;
	v23 =	vsel vm15, v24, v23;
	v24 =	vsel vm10, $0x142, v44  }
0x96: {  	v63 =	vand.u32 $0xFF, v45;
	v45 =	vsel vm8, $0x131, v51;
	v44 =	vsel vm11, v46, v54  }
0x97: {  	v51 =	vimm.s32 $0xB796F9D8;
	vm15 =	vcmask $0x1708;
	v45 =	vsel vm10, $0x152, v45  }
0x98: {  	v25 =	vsel vm14, v63, v25;
	v49 =	vand.u32 $0xFF, v49;
	v51 =	vunpack.c.0.s8.s32 v51  }
0x99: {  	v46 =	vsel vm15, v60, v59;
	v59 =	vimm.s32 $0xC3A28160;
	v24 =	vsel vm6, $0x163, v24  }
0x9a: {  	vm14 =	vcmask $0x3734;
	v25 =	vsel vm11, v56, v25;
	v63 =	vsel vm15, v49, v48  }
0x9b: {  	v46 =	vsel vm12, v52, v46;
	v48 =	vunpack.c.0.s8.s32 v53;
	v49 =	vsel vm7, $0x1E0, v55  }
0x9c: {  	v56 =	vimm.s32 $0x1DF;
	vm11 =	vcmask $0x1304;
	v52 =	vimm.s32 $0xC7A685E8  }
0x9d: {  	v53 =	vimm.s32 $0xD7B695F8;
	v45 =	vsel vm6, $0x173, v45;
	v24 =	vsel vm5, $0x184, v24  }
0x9e: {  	v13 =	vsel vm14, $0x8D, v13;
	v17 =	vsel vm14, $0x10D, v17;
	vm15 =	vcmask $0x3B38  }
0x9f: {  	v54 =	vand.u32 $0xFF, v51;
	v50 =	vsel vm7, $0x1F0, v56;
	v51 =	vunpack.c.0.s8.s32 v57  }
0xa0: {  	v52 =	vunpack.c.0.s8.s32 v52;
	v53 =	vunpack.c.0.s8.s32 v53;
	v45 =	vsel vm5, $0x194, v45  }
0xa1: {  	v24 =	vsel vm4, $0x1A5, v24;
	v57 =	vsel vm14, $0x9D, v16;
	v8 =	vsel vm15, $0x8E, v8  }
0xa2: {  	v10 =	vsel vm15, $0x10E, v10;
	v18 =	vsel vm15, $0x9E, v18;
	v20 =	vsel vm15, $0x11E, v20  }
0xa3: {  	v47 =	vsel vm12, v54, v63;
	v48 =	vand.u32 $0xFF, v48;
	v45 =	vsel vm4, $0x1B5, v45  }
0xa4: {  	v24 =	vsel vm3, $0x1C6, v24;
	v63 =	vsel vm0, $0x167, v5;
	v54 =	vsel vm0, $0x177, v11  }
0xa5: {  	v5 =	vsel vm2, $0x169, v6;
	vm12 =	vcmask $0x2F2C;
	v51 =	vand.u32 $0xFF, v51  }
0xa6: {  	v48 =	vsel vm11, v48, v49;
	v60 =	vand.u32 $0xFF, v52;
	v61 =	vand.u32 $0xFF, v53  }
0xa7: {  	v45 =	vsel vm3, $0x1D6, v45;
	v53 =	vsel vm0, $0x1E7, v24;
	v4 =	vsel vm12, $0x18B, v4  }
0xa8: {  	v5 =	vsel vm1, $0x18A, v5;
	v24 =	vsel vm1, $0x10A, v46;
	v25 =	vsel vm12, $0x10B, v25  }
0xa9: {  	v7 =	vsel vm12, $0x19B, v7;
	v9 =	vsel vm12, $0x1BB, v9;
	v44 =	vsel vm12, $0x11B, v44  }
0xaa: {  	v29 =	vcombine.low v63, v30;
	v63 =	vlaneseq.u32;
	v39 =	vcombine.low v54, v42  }
0xab: {  	v58 =	vsel vm11, v51, v50;
	v50 =	vunpack.c.0.s8.s32 v59;
	v48 =	vsel vm13, v60, v48  }
0xac: {  	v51 =	vunpack.c.0.s8.s32 v62;
	v45 =	vsel vm0, $0x1F7, v45;
	v59 =	vsel vm1, $0x11A, v47  }
0xad: {  	v5 =	vsel vm12, $0x1AB, v5;
	v24 =	vsel vm12, $0x12B, v24;
	v30 =	vcombine.low v53, v32  }
0xae: {  	v32 =	vmul.u32 $0x21, v63;
	v35 =	vmul.u32 $0x80, v63;
	v49 =	vsel vm13, v61, v58  }
0xaf: {  	v6 =	vsel vm2, $0x109, v48;
	vm13 =	vcmask $0x3330;
	v46 =	vsel vm12, $0x13B, v59  }
0xb0: {  	v58 =	vsel vm14, $0x11D, v19;
	v19 =	vsel vm15, $0xBE, v57;
	v41 =	vcombine.low v45, v43  }
0xb1: {  	v50 =	vand.u32 $0xFF, v50;
	v51 =	vand.u32 $0xFF, v51;
	v11 =	vsel vm2, $0x119, v49  }
0xb2: {  	v6 =	vsel vm1, $0x12A, v6;
	v4 =	vsel vm13, $0x1AC, v4;
	v5 =	vsel vm13, $0x1CC, v5  }
0xb3: {  	v12 =	vsel vm13, $0x10C, v12;
	v25 =	vsel vm13, $0x12C, v25;
	v24 =	vsel vm13, $0x14C, v24  }
0xb4: {  	v7 =	vsel vm13, $0x1BC, v7;
	v9 =	vsel vm13, $0x1DC, v9;
	v23 =	vsel vm13, $0x11C, v23  }
0xb5: {  	v44 =	vsel vm13, $0x13C, v44;
	v46 =	vsel vm13, $0x15C, v46;
	v38 =	vadd.s32 $0x10, v32  }
0xb6: {  	v40 =	vor.u32 $0x800, v35;
	v50 =	vsel vm5, $0xE4, v50;
	v51 =	vsel vm5, $0xF4, v51  }
0xb7: {  	v11 =	vsel vm1, $0x13A, v11;
	v6 =	vsel vm12, $0x14B, v6;
	v60 =	vsel vm14, $0x1CD, v4  }
0xb8: {  	s0 =	rddreg [dreg:$0x0];
	v61 =	vsel vm14, $0x1ED, v5;
	v12 =	vsel vm14, $0x12D, v12;
	v25 =	vsel vm14, $0x14D, v25  }
0xb9: {  	s1 =	rddreg [dreg:$0x1];
	v24 =	vsel vm14, $0x16D, v24;
	v55 =	vsel vm14, $0x1DD, v7;
	v56 =	vsel vm14, $0x1FD, v9  }
0xba: {  	s3 =	srdreg.scid;
	s2 =	stileid.u32;
	v23 =	vsel vm14, $0x13D, v23;
	v44 =	vsel vm14, $0x15D, v44;
	v46 =	vsel vm14, $0x17D, v46  }
0xbb: {  	s4 =	rddreg [dreg:$0x2];
	s6 =	simm.s32 $0x0;
	s13 =	simm.s32 $0x400;
	v4 =	vcombine.low v15, v14;
	v5 =	vcombine.low v22, v21;
	v9 =	vsel vm15, $0xAE, v13  }
0xbc: {  	s14 =	simm.s32 $0x7A1400;
	s15 =	simm.s32 $0x1000;
	s16 =	simm.s32 $0x1;
	v21 =	vsel vm15, $0x13E, v58;
	v50 =	vsel vm4, $0x105, v50;
	v51 =	vsel vm4, $0x115, v51  }
0xbd: {  	s17 =	simm.s32 $0x2000;
	s18 =	simm.s32 $0x2;
	s19 =	simm.s32 $0x3000;
	v11 =	vsel vm12, $0x15B, v11;
	v6 =	vsel vm13, $0x16C, v6;
	v7 =	vsel vm15, $0xE, v61  }
0xbe: {  	s20 =	simm.s32 $0x3;
	s21 =	simm.s32 $0x4;
	s22 =	simm.s32 $0x0;
	v12 =	vsel vm15, $0x14E, v12;
	v13 =	vsel vm15, $0x16E, v25;
	v14 =	vsel vm15, $0x18E, v24  }
0xbf: {  	s7 =	sand.u32 $0x1, s3;
	s5 =	sshll.u32 s2, $0x1;
	[smem:$0x7FF] =	sst s6;
	v16 =	vsel vm15, $0x1FE, v55;
	v22 =	vsel vm15, $0x15E, v23;
	v23 =	vsel vm15, $0x17E, v44  }
.Ltmp0:
0xc0: {  	s3 =	rddreg [dreg:$0x3];
	s11 =	sadd.s32 $0x3D0800, s4;
	v24 =	vsel vm15, $0x19E, v46;
	v50 =	vsel vm3, $0x126, v50;
	v51 =	vsel vm3, $0x136, v51;
	(pc) =	sbr.rel .LBB2_1-.Ltmp0, $4  }
0xc1: {  	s5 =	sor.u32 s7, s5;
	s8 =	ssub.s32 $0x2, s7;
	_ =	strace $0x80000047;
	v11 =	vsel vm13, $0x17C, v11;
	v62 =	vsel vm14, $0x18D, v6;
	v6 =	vsel vm15, $0x1EE, v60  }
0xc2: {  	s31 =	sshll.u32 s5, $0x7;
	s9 =	sshrl.u32 s8, $0x1;
	s10 =	sor.u32 $0x60, s5;
	v50 =	vsel vm0, $0x147, v50;
	v51 =	vsel vm0, $0x157, v51;
	v59 =	vsel vm14, $0x19D, v11  }
0xc3: {  	p0 =	sne.s32 s5, $0x0;
	s7 =	sadd.s32 s0, s31;
	s12 =	ssub.s32 s8, s9;
	v11 =	vsel vm15, $0x12E, v17;
	v15 =	vsel vm15, $0x1AE, v62;
	v17 =	vsel vm15, $0x1E, v56  }
0xc4: {  	s9 =	sor.u32 $0x40, s5;
	s8 =	sadd.s32 $0x1000, s7;
	s12 =	smax.u32 s12, $0x1;
	v25 =	vsel vm15, $0x1BE, v59;
	v27 =	vcombine.low v50, v27;
	v36 =	vcombine.low v51, v36  }
.LBB2_15:
0xc5: {  	_ =	swait.ge [sflag:s20], $0x1000  }
0xc6: {  	[sflag:s20] =	ssyncset.done $0x0  }
0xc7: {  	[sflag:s20] =	ssyncadd.s32 $0xFFFFF000  }
0xc8: {  	_ =	swait.ge [sflag:s21], $0x1000  }
0xc9: {  	s23 =	simm.s32 @!p0 $0x0;
	[sflag:s21] =	ssyncset.done $0x0  }
0xca: {  	s24 =	simm.s32 @!p0 $0x4000;
	s25 =	simm.s32 @!p0 $0x5;
	[sflag:s21] =	ssyncadd.s32 $0xFFFFF000  }
0xcb: {  	[tilespmem:s24], [sflag:$0x5] =	stream.linear.gather @!p0 [hbm4b:s1+s23], $0x800, $0x38;
	[tilespmem:$0x4800] =	vst v63  }
0xcc: {  	s22 =	sadd.s32 $0x1, s22;
	_ =	swait.ge @!p0 [sflag:s25], $0x800  }
0xcd: {  	p1 =	sne.s32 s22, s12;
	[sflag:s25] =	ssyncset.done @!p0 $0x0  }
.Ltmp1:
0xce: {  	[sflag:s25] =	ssyncadd.s32 @!p0 $0xFFFFF800;
	(pc) =	sbr.rel @!p1 .LBB2_16-.Ltmp1, $4  }
0xcf: {  	[hbm4b:s11+s23] =	stream.linear.scatter @!p0 [tilespmem:s24], [sflag:$0x5], $0x800, $0x38;
	[tilespmem:$0x4800] =	vst v63  }
0xd0: {  	_ =	swait.ge @!p0 [sflag:s25], $0x800  }
0xd1: {  	[sflag:s25] =	ssyncset.done @!p0 $0x0  }
0xd2: {  	[sflag:s25] =	ssyncadd.s32 @!p0 $0xFFFFF800  }
.LBB2_1:
.Ltmp2:
0xd3: {  	(pc) =	sbr.rel .LBB2_2-.Ltmp2, $4  }
0xd4: {  	_ = 	snop  }
0xd5: {  	[tilespmem:s6], [sflag:$0x1] =	stream.strided.gather [hbm4b:s7+s13], $0x1000, s14, s13, $0x38;
	[tilespmem:$0x4800] =	vst v63  }
0xd6: {  	s23 =	simm.s32 $0x0  }
0xd7: {  	[tilespmem:s15], [sflag:$0x2] =	stream.strided.gather [hbm4b:s8+s13], $0x1000, s14, s13, $0x38;
	[tilespmem:$0x4800] =	vst v63  }
.LBB2_14:
0xd8: {  	s24 =	sadd.s32 s10, s24  }
0xd9: {  	p1 =	sgt.u32 s24, $0x1E83  }
0xda: {  	s23 =	sadd.s32 $0x1, s23;
	s24 =	sshll.u32 @!p1 s24, $0x7;
	s25 =	simm.s32 @!p1 $0x400  }
0xdb: {  	s26 =	simm.s32 @!p1 $0x7A1400;
	s28 =	simm.s32 @!p1 $0x1000;
	s24 =	sadd.s32 @!p1 s0, s24  }
0xdc: {  	[tilespmem:s28], [sflag:$0x2] =	stream.strided.gather @!p1 [hbm4b:s24+s25], $0x1000, s26, s25, $0x38;
	[tilespmem:$0x4800] =	vst v63  }
0xdd: {  	p1 =	sne.s32 s23, $0x7B  }
.Ltmp3:
0xde: {  	_ = 	snop;
	(pc) =	sbr.rel @!p1 .LBB2_15-.Ltmp3, $1  }
0xdf: {  	_ =	sdelay $0x3  }
.LBB2_2:
0xe0: {  	s24 =	sshll.u32 s23, $0x6  }
0xe1: {  	s25 =	sor.u32 s5, s24  }
0xe2: {  	p2 =	sgt.u32 s25, $0x1E83  }
.Ltmp4:
0xe3: {  	_ = 	snop;
	(pc) =	sbr.rel @p2 .LBB2_8-.Ltmp4, $2  }
0xe4: {  	_ =	sdelay $0x2  }
0xe5: {  	p1 =	seq.s32 s23, $0x0  }
0xe6: {  	s28 =	simm.s32 $0x0  }
0xe7: {  	v42 =	vor.u32 s28, v32  }
0xe8: {  	_ =	swait.ge [sflag:s16], $0x1000;
	v43 =	vshrl.u32 v42, $0x5  }
0xe9: {  	[sflag:s16] =	ssyncset.done $0x0;
	v43 =	vor.u32 v35, v43  }
0xea: {  	s26 =	simm.s32 @!p1 $0x3;
	[sflag:s16] =	ssyncadd.s32 $0xFFFFF000  }
0xeb: {  	_ =	swait.ge @!p1 [sflag:s26], $0x1000  }
0xec: {  	[sflag:s26] =	ssyncset.done @!p1 $0x0  }
0xed: {  	v44 =	vor.u32 s28, v6;
	[sflag:s26] =	ssyncadd.s32 @!p1 $0xFFFFF000  }
0xee: {  	v42 =	vand.u32 v4, v42;
	v45 =	vshrl.u32 v44, $0x5;
	v43 =	vld.idx.msk [tilespmem:v43+s28+$0x0], $0xffff  }
0xef: {  	v45 =	vor.u32 v35, v45;
	_ =	sdelay $0x3  }
0xf0: {  	v53 =	vor.u32 s28, v7;
	[tilespmem:v42+s17+$0x0] =	vst.idx.msk $0xffff, v43  }
0xf1: {  	v44 =	vand.u32 v5, v44;
	v54 =	vshrl.u32 v53, $0x5;
	v43 =	vld.idx.msk [tilespmem:v45+s28+$0x0], $0xffff  }
0xf2: {  	v45 =	vor.u32 v35, v54;
	_ =	sdelay $0x3  }
0xf3: {  	v55 =	vor.u32 s28, v27;
	[tilespmem:v44+s17+$0x0] =	vst.idx.msk $0xffff, v43  }
0xf4: {  	v56 =	vshrl.u32 v55, $0x5;
	v42 =	vand.u32 v26, v53;
	v44 =	vld.idx.msk [tilespmem:v45+s28+$0x0], $0xffff  }
0xf5: {  	v45 =	vor.u32 v35, v56;
	_ =	sdelay $0x3  }
0xf6: {  	v57 =	vor.u32 s28, v29;
	[tilespmem:v42+s17+$0x0] =	vst.idx.msk $0xffff, v44  }
0xf7: {  	v58 =	vshrl.u32 v57, $0x5;
	v43 =	vand.u32 v28, v55;
	v44 =	vld.idx.msk [tilespmem:v45+s28+$0x0], $0xffff  }
0xf8: {  	v45 =	vor.u32 v35, v58;
	_ =	sdelay $0x3  }
0xf9: {  	v59 =	vor.u32 s28, v0;
	[tilespmem:v43+s17+$0x0] =	vst.idx.msk $0xffff, v44  }
0xfa: {  	v60 =	vshrl.u32 v59, $0x5;
	v42 =	vand.u32 v4, v57;
	v44 =	vld.idx.msk [tilespmem:v45+s28+$0x0], $0xffff  }
0xfb: {  	v45 =	vor.u32 v35, v60;
	_ =	sdelay $0x3  }
0xfc: {  	v61 =	vor.u32 s28, v8;
	[tilespmem:v42+s17+$0x0] =	vst.idx.msk $0xffff, v44  }
0xfd: {  	v62 =	vshrl.u32 v61, $0x5;
	v43 =	vand.u32 v5, v59;
	v44 =	vld.idx.msk [tilespmem:v45+s28+$0x0], $0xffff  }
0xfe: {  	v45 =	vor.u32 v35, v62;
	_ =	sdelay $0x3  }
0xff: {  	v63 =	vor.u32 s28, v9;
	[tilespmem:v43+s17+$0x0] =	vst.idx.msk $0xffff, v44  }
0x100: {  	v48 =	vshrl.u32 v63, $0x5;
	v42 =	vand.u32 v26, v61;
	v44 =	vld.idx.msk [tilespmem:v45+s28+$0x0], $0xffff  }
0x101: {  	v45 =	vor.u32 v35, v48;
	_ =	sdelay $0x3  }
0x102: {  	v49 =	vor.u32 s28, v30;
	[tilespmem:v42+s17+$0x0] =	vst.idx.msk $0xffff, v44  }
0x103: {  	v50 =	vshrl.u32 v49, $0x5;
	v43 =	vand.u32 v28, v63;
	v44 =	vld.idx.msk [tilespmem:v45+s28+$0x0], $0xffff  }
0x104: {  	v45 =	vor.u32 v35, v50;
	_ =	sdelay $0x3  }
0x105: {  	v51 =	vor.u32 s28, v1;
	[tilespmem:v43+s17+$0x0] =	vst.idx.msk $0xffff, v44  }
0x106: {  	v52 =	vshrl.u32 v51, $0x5;
	v42 =	vand.u32 v4, v49;
	v44 =	vld.idx.msk [tilespmem:v45+s28+$0x0], $0xffff  }
0x107: {  	v45 =	vor.u32 v35, v52;
	_ =	sdelay $0x3  }
0x108: {  	v53 =	vor.u32 s28, v10;
	[tilespmem:v42+s17+$0x0] =	vst.idx.msk $0xffff, v44  }
0x109: {  	v54 =	vshrl.u32 v53, $0x5;
	v43 =	vand.u32 v5, v51;
	v44 =	vld.idx.msk [tilespmem:v45+s28+$0x0], $0xffff  }
0x10a: {  	v45 =	vor.u32 v35, v54;
	_ =	sdelay $0x3  }
0x10b: {  	v55 =	vor.u32 s28, v11;
	[tilespmem:v43+s17+$0x0] =	vst.idx.msk $0xffff, v44  }
0x10c: {  	v56 =	vshrl.u32 v55, $0x5;
	v42 =	vand.u32 v26, v53;
	v44 =	vld.idx.msk [tilespmem:v45+s28+$0x0], $0xffff  }
0x10d: {  	v45 =	vor.u32 v35, v56;
	_ =	sdelay $0x3  }
0x10e: {  	v57 =	vor.u32 s28, v12;
	[tilespmem:v42+s17+$0x0] =	vst.idx.msk $0xffff, v44  }
0x10f: {  	v58 =	vshrl.u32 v57, $0x5;
	v43 =	vand.u32 v28, v55;
	v44 =	vld.idx.msk [tilespmem:v45+s28+$0x0], $0xffff  }
0x110: {  	v45 =	vor.u32 v35, v58;
	_ =	sdelay $0x3  }
0x111: {  	v59 =	vor.u32 s28, v13;
	[tilespmem:v43+s17+$0x0] =	vst.idx.msk $0xffff, v44  }
0x112: {  	v60 =	vshrl.u32 v59, $0x5;
	v42 =	vand.u32 v4, v57;
	v44 =	vld.idx.msk [tilespmem:v45+s28+$0x0], $0xffff  }
0x113: {  	v45 =	vor.u32 v35, v60;
	_ =	sdelay $0x3  }
0x114: {  	v61 =	vor.u32 s28, v14;
	[tilespmem:v42+s17+$0x0] =	vst.idx.msk $0xffff, v44  }
0x115: {  	v62 =	vshrl.u32 v61, $0x5;
	v43 =	vand.u32 v5, v59;
	v42 =	vld.idx.msk [tilespmem:v45+s28+$0x0], $0xffff  }
0x116: {  	v45 =	vor.u32 v35, v62;
	_ =	sdelay $0x3  }
0x117: {  	[tilespmem:v43+s17+$0x0] =	vst.idx.msk $0xffff, v42;
	v42 =	vor.u32 s28, v15  }
0x118: {  	v44 =	vand.u32 v26, v61;
	v43 =	vld.idx.msk [tilespmem:v45+s28+$0x0], $0xffff;
	v63 =	vshrl.u32 v42, $0x5  }
0x119: {  	v45 =	vor.u32 v35, v63;
	_ =	sdelay $0x3  }
0x11a: {  	s26 =	simm.s32 $0x200;
	[tilespmem:v44+s17+$0x0] =	vst.idx.msk $0xffff, v43  }
0x11b: {  	s30 =	simm.s32 $0x400;
	s29 =	simm.s32 $0x200;
	v43 =	vor.u32 s26, v32;
	v44 =	vld.idx.msk [tilespmem:v45+s28+$0x0], $0xffff  }
.LBB2_4:
0x11c: {  	p2 =	sne.s32 s30, $0xE00;
	v45 =	vshrl.u32 v43, $0x5;
	v42 =	vand.u32 v28, v42  }
0x11d: {  	v45 =	vor.u32 v35, v45;
	_ =	sdelay $0x3  }
0x11e: {  	[tilespmem:v42+s17+$0x0] =	vst.idx.msk $0xffff, v44  }
0x11f: {  	v44 =	vor.u32 s29, v6;
	v42 =	vld.idx.msk [tilespmem:v45+s28+$0x0], $0xffff  }
0x120: {  	v43 =	vand.u32 v4, v43;
	v45 =	vshrl.u32 v44, $0x5  }
0x121: {  	v45 =	vor.u32 v35, v45;
	_ =	sdelay $0x3  }
0x122: {  	[tilespmem:v43+s17+$0x0] =	vst.idx.msk $0xffff, v42  }
0x123: {  	v43 =	vor.u32 s29, v7;
	v42 =	vld.idx.msk [tilespmem:v45+s28+$0x0], $0xffff  }
0x124: {  	v44 =	vand.u32 v5, v44;
	v45 =	vshrl.u32 v43, $0x5  }
0x125: {  	v45 =	vor.u32 v35, v45;
	_ =	sdelay $0x3  }
0x126: {  	[tilespmem:v44+s17+$0x0] =	vst.idx.msk $0xffff, v42  }
0x127: {  	v44 =	vor.u32 s29, v27;
	v42 =	vld.idx.msk [tilespmem:v45+s28+$0x0], $0xffff  }
0x128: {  	v43 =	vand.u32 v26, v43;
	v45 =	vshrl.u32 v44, $0x5  }
0x129: {  	v45 =	vor.u32 v35, v45;
	_ =	sdelay $0x3  }
0x12a: {  	[tilespmem:v43+s17+$0x0] =	vst.idx.msk $0xffff, v42  }
0x12b: {  	v43 =	vor.u32 s29, v29;
	v42 =	vld.idx.msk [tilespmem:v45+s28+$0x0], $0xffff  }
0x12c: {  	v44 =	vand.u32 v28, v44;
	v45 =	vshrl.u32 v43, $0x5  }
0x12d: {  	v45 =	vor.u32 v35, v45;
	_ =	sdelay $0x3  }
0x12e: {  	[tilespmem:v44+s17+$0x0] =	vst.idx.msk $0xffff, v42  }
0x12f: {  	v44 =	vor.u32 s29, v0;
	v42 =	vld.idx.msk [tilespmem:v45+s28+$0x0], $0xffff  }
0x130: {  	v43 =	vand.u32 v4, v43;
	v45 =	vshrl.u32 v44, $0x5  }
0x131: {  	v45 =	vor.u32 v35, v45;
	_ =	sdelay $0x3  }
0x132: {  	[tilespmem:v43+s17+$0x0] =	vst.idx.msk $0xffff, v42  }
0x133: {  	v43 =	vor.u32 s29, v8;
	v42 =	vld.idx.msk [tilespmem:v45+s28+$0x0], $0xffff  }
0x134: {  	v44 =	vand.u32 v5, v44;
	v45 =	vshrl.u32 v43, $0x5  }
0x135: {  	v45 =	vor.u32 v35, v45;
	_ =	sdelay $0x3  }
0x136: {  	[tilespmem:v44+s17+$0x0] =	vst.idx.msk $0xffff, v42  }
0x137: {  	v44 =	vor.u32 s29, v9;
	v42 =	vld.idx.msk [tilespmem:v45+s28+$0x0], $0xffff  }
0x138: {  	v43 =	vand.u32 v26, v43;
	v45 =	vshrl.u32 v44, $0x5  }
0x139: {  	v45 =	vor.u32 v35, v45;
	_ =	sdelay $0x3  }
0x13a: {  	[tilespmem:v43+s17+$0x0] =	vst.idx.msk $0xffff, v42  }
0x13b: {  	v43 =	vor.u32 s29, v30;
	v42 =	vld.idx.msk [tilespmem:v45+s28+$0x0], $0xffff  }
0x13c: {  	v44 =	vand.u32 v28, v44;
	v45 =	vshrl.u32 v43, $0x5  }
0x13d: {  	v45 =	vor.u32 v35, v45;
	_ =	sdelay $0x3  }
0x13e: {  	[tilespmem:v44+s17+$0x0] =	vst.idx.msk $0xffff, v42  }
0x13f: {  	v44 =	vor.u32 s29, v1;
	v42 =	vld.idx.msk [tilespmem:v45+s28+$0x0], $0xffff  }
0x140: {  	v43 =	vand.u32 v4, v43;
	v45 =	vshrl.u32 v44, $0x5  }
0x141: {  	v45 =	vor.u32 v35, v45;
	_ =	sdelay $0x3  }
0x142: {  	[tilespmem:v43+s17+$0x0] =	vst.idx.msk $0xffff, v42  }
0x143: {  	v43 =	vor.u32 s29, v10;
	v42 =	vld.idx.msk [tilespmem:v45+s28+$0x0], $0xffff  }
0x144: {  	v44 =	vand.u32 v5, v44;
	v45 =	vshrl.u32 v43, $0x5  }
0x145: {  	v45 =	vor.u32 v35, v45;
	_ =	sdelay $0x3  }
0x146: {  	[tilespmem:v44+s17+$0x0] =	vst.idx.msk $0xffff, v42  }
0x147: {  	v44 =	vor.u32 s29, v11;
	v42 =	vld.idx.msk [tilespmem:v45+s28+$0x0], $0xffff  }
0x148: {  	v43 =	vand.u32 v26, v43;
	v45 =	vshrl.u32 v44, $0x5  }
0x149: {  	v45 =	vor.u32 v35, v45;
	_ =	sdelay $0x3  }
0x14a: {  	[tilespmem:v43+s17+$0x0] =	vst.idx.msk $0xffff, v42  }
0x14b: {  	v43 =	vor.u32 s29, v12;
	v42 =	vld.idx.msk [tilespmem:v45+s28+$0x0], $0xffff  }
0x14c: {  	v44 =	vand.u32 v28, v44;
	v45 =	vshrl.u32 v43, $0x5  }
0x14d: {  	v45 =	vor.u32 v35, v45;
	_ =	sdelay $0x3  }
0x14e: {  	[tilespmem:v44+s17+$0x0] =	vst.idx.msk $0xffff, v42  }
0x14f: {  	v44 =	vor.u32 s29, v13;
	v42 =	vld.idx.msk [tilespmem:v45+s28+$0x0], $0xffff  }
0x150: {  	v43 =	vand.u32 v4, v43;
	v45 =	vshrl.u32 v44, $0x5  }
0x151: {  	v45 =	vor.u32 v35, v45;
	_ =	sdelay $0x3  }
0x152: {  	[tilespmem:v43+s17+$0x0] =	vst.idx.msk $0xffff, v42  }
0x153: {  	v43 =	vor.u32 s29, v14;
	v42 =	vld.idx.msk [tilespmem:v45+s28+$0x0], $0xffff  }
0x154: {  	v44 =	vand.u32 v5, v44;
	v45 =	vshrl.u32 v43, $0x5  }
0x155: {  	v45 =	vor.u32 v35, v45;
	_ =	sdelay $0x3  }
0x156: {  	[tilespmem:v44+s17+$0x0] =	vst.idx.msk $0xffff, v42  }
0x157: {  	v42 =	vor.u32 s29, v15;
	s29 =	smov.u32 s30;
	v44 =	vld.idx.msk [tilespmem:v45+s28+$0x0], $0xffff  }
0x158: {  	v43 =	vand.u32 v26, v43;
	v45 =	vshrl.u32 v42, $0x5  }
0x159: {  	v45 =	vor.u32 v35, v45  }
.Ltmp5:
0x15a: {  	(pc) =	sbr.rel @p2 .LBB2_4-.Ltmp5, $3  }
0x15b: {  	_ =	sdelay $0x1  }
0x15c: {  	[tilespmem:v43+s17+$0x0] =	vst.idx.msk $0xffff, v44  }
0x15d: {  	s30 =	sadd.s32 $0x200, s30;
	v43 =	vor.u32 s29, v32;
	v44 =	vld.idx.msk [tilespmem:v45+s28+$0x0], $0xffff  }
0x15e: {  	v45 =	vshrl.u32 v43, $0x5;
	v42 =	vand.u32 v28, v42  }
0x15f: {  	v45 =	vor.u32 v35, v45;
	_ =	sdelay $0x3  }
0x160: {  	v50 =	vor.u32 s29, v6;
	[tilespmem:v42+s17+$0x0] =	vst.idx.msk $0xffff, v44  }
0x161: {  	v51 =	vand.u32 v4, v43;
	v52 =	vshrl.u32 v50, $0x5;
	v44 =	vld.idx.msk [tilespmem:v45+s28+$0x0], $0xffff  }
0x162: {  	v45 =	vor.u32 v35, v52;
	_ =	sdelay $0x3  }
0x163: {  	v53 =	vor.u32 s29, v7;
	[tilespmem:v51+s17+$0x0] =	vst.idx.msk $0xffff, v44  }
0x164: {  	v54 =	vshrl.u32 v53, $0x5;
	v42 =	vand.u32 v5, v50;
	v44 =	vld.idx.msk [tilespmem:v45+s28+$0x0], $0xffff  }
0x165: {  	v45 =	vor.u32 v35, v54;
	_ =	sdelay $0x3  }
0x166: {  	v55 =	vor.u32 s29, v27;
	[tilespmem:v42+s17+$0x0] =	vst.idx.msk $0xffff, v44  }
0x167: {  	v43 =	vand.u32 v26, v53;
	v56 =	vshrl.u32 v55, $0x5;
	v44 =	vld.idx.msk [tilespmem:v45+s28+$0x0], $0xffff  }
0x168: {  	v45 =	vor.u32 v35, v56;
	_ =	sdelay $0x3  }
0x169: {  	v57 =	vor.u32 s29, v29;
	[tilespmem:v43+s17+$0x0] =	vst.idx.msk $0xffff, v44  }
0x16a: {  	v58 =	vshrl.u32 v57, $0x5;
	v42 =	vand.u32 v28, v55;
	v44 =	vld.idx.msk [tilespmem:v45+s28+$0x0], $0xffff  }
0x16b: {  	v45 =	vor.u32 v35, v58;
	_ =	sdelay $0x3  }
0x16c: {  	v59 =	vor.u32 s29, v0;
	[tilespmem:v42+s17+$0x0] =	vst.idx.msk $0xffff, v44  }
0x16d: {  	v60 =	vshrl.u32 v59, $0x5;
	v43 =	vand.u32 v4, v57;
	v44 =	vld.idx.msk [tilespmem:v45+s28+$0x0], $0xffff  }
0x16e: {  	v45 =	vor.u32 v35, v60;
	_ =	sdelay $0x3  }
0x16f: {  	v61 =	vor.u32 s29, v8;
	[tilespmem:v43+s17+$0x0] =	vst.idx.msk $0xffff, v44  }
0x170: {  	v62 =	vshrl.u32 v61, $0x5;
	v42 =	vand.u32 v5, v59;
	v44 =	vld.idx.msk [tilespmem:v45+s28+$0x0], $0xffff  }
0x171: {  	v45 =	vor.u32 v35, v62;
	_ =	sdelay $0x3  }
0x172: {  	v63 =	vor.u32 s29, v9;
	[tilespmem:v42+s17+$0x0] =	vst.idx.msk $0xffff, v44  }
0x173: {  	v48 =	vshrl.u32 v63, $0x5;
	v43 =	vand.u32 v26, v61;
	v44 =	vld.idx.msk [tilespmem:v45+s28+$0x0], $0xffff  }
0x174: {  	v45 =	vor.u32 v35, v48;
	_ =	sdelay $0x3  }
0x175: {  	v49 =	vor.u32 s29, v30;
	[tilespmem:v43+s17+$0x0] =	vst.idx.msk $0xffff, v44  }
0x176: {  	v50 =	vshrl.u32 v49, $0x5;
	v42 =	vand.u32 v28, v63;
	v44 =	vld.idx.msk [tilespmem:v45+s28+$0x0], $0xffff  }
0x177: {  	v45 =	vor.u32 v35, v50;
	_ =	sdelay $0x3  }
0x178: {  	v51 =	vor.u32 s29, v1;
	[tilespmem:v42+s17+$0x0] =	vst.idx.msk $0xffff, v44  }
0x179: {  	v52 =	vshrl.u32 v51, $0x5;
	v43 =	vand.u32 v4, v49;
	v44 =	vld.idx.msk [tilespmem:v45+s28+$0x0], $0xffff  }
0x17a: {  	v45 =	vor.u32 v35, v52;
	_ =	sdelay $0x3  }
0x17b: {  	v53 =	vor.u32 s29, v10;
	[tilespmem:v43+s17+$0x0] =	vst.idx.msk $0xffff, v44  }
0x17c: {  	v54 =	vshrl.u32 v53, $0x5;
	v42 =	vand.u32 v5, v51;
	v44 =	vld.idx.msk [tilespmem:v45+s28+$0x0], $0xffff  }
0x17d: {  	v45 =	vor.u32 v35, v54;
	_ =	sdelay $0x3  }
0x17e: {  	v55 =	vor.u32 s29, v11;
	[tilespmem:v42+s17+$0x0] =	vst.idx.msk $0xffff, v44  }
0x17f: {  	v56 =	vshrl.u32 v55, $0x5;
	v43 =	vand.u32 v26, v53;
	v44 =	vld.idx.msk [tilespmem:v45+s28+$0x0], $0xffff  }
0x180: {  	v45 =	vor.u32 v35, v56;
	_ =	sdelay $0x3  }
0x181: {  	v57 =	vor.u32 s29, v12;
	[tilespmem:v43+s17+$0x0] =	vst.idx.msk $0xffff, v44  }
0x182: {  	v58 =	vshrl.u32 v57, $0x5;
	v42 =	vand.u32 v28, v55;
	v44 =	vld.idx.msk [tilespmem:v45+s28+$0x0], $0xffff  }
0x183: {  	v45 =	vor.u32 v35, v58;
	_ =	sdelay $0x3  }
0x184: {  	v59 =	vor.u32 s29, v13;
	[tilespmem:v42+s17+$0x0] =	vst.idx.msk $0xffff, v44  }
0x185: {  	v60 =	vshrl.u32 v59, $0x5;
	v43 =	vand.u32 v4, v57;
	v44 =	vld.idx.msk [tilespmem:v45+s28+$0x0], $0xffff  }
0x186: {  	v45 =	vor.u32 v35, v60;
	_ =	sdelay $0x3  }
0x187: {  	v61 =	vor.u32 s29, v14;
	[tilespmem:v43+s17+$0x0] =	vst.idx.msk $0xffff, v44  }
0x188: {  	v62 =	vshrl.u32 v61, $0x5;
	v42 =	vand.u32 v5, v59;
	v44 =	vld.idx.msk [tilespmem:v45+s28+$0x0], $0xffff  }
0x189: {  	v45 =	vor.u32 v35, v62;
	_ =	sdelay $0x3  }
0x18a: {  	v63 =	vor.u32 s29, v15;
	[tilespmem:v42+s17+$0x0] =	vst.idx.msk $0xffff, v44  }
0x18b: {  	v48 =	vshrl.u32 v63, $0x5;
	v43 =	vand.u32 v26, v61;
	v44 =	vld.idx.msk [tilespmem:v45+s28+$0x0], $0xffff  }
0x18c: {  	v45 =	vor.u32 v35, v48;
	_ =	sdelay $0x3  }
0x18d: {  	v49 =	vor.u32 s28, v38;
	[tilespmem:v43+s17+$0x0] =	vst.idx.msk $0xffff, v44  }
0x18e: {  	v50 =	vshrl.u32 v49, $0x5;
	v42 =	vand.u32 v28, v63;
	v44 =	vld.idx.msk [tilespmem:v45+s28+$0x0], $0xffff  }
0x18f: {  	v45 =	vor.u32 v40, v50;
	_ =	sdelay $0x3  }
0x190: {  	v51 =	vor.u32 s28, v16;
	[tilespmem:v42+s17+$0x0] =	vst.idx.msk $0xffff, v44  }
0x191: {  	v52 =	vshrl.u32 v51, $0x5;
	v43 =	vand.u32 v31, v49;
	v44 =	vld.idx.msk [tilespmem:v45+s6+$0x0], $0xffff  }
0x192: {  	v45 =	vor.u32 v40, v52;
	_ =	sdelay $0x3  }
0x193: {  	v53 =	vor.u32 s28, v17;
	[tilespmem:v43+s17+$0x0] =	vst.idx.msk $0xffff, v44  }
0x194: {  	v54 =	vshrl.u32 v53, $0x5;
	v42 =	vand.u32 v33, v51;
	v44 =	vld.idx.msk [tilespmem:v45+s6+$0x0], $0xffff  }
0x195: {  	v45 =	vor.u32 v40, v54;
	_ =	sdelay $0x3  }
0x196: {  	v55 =	vor.u32 s28, v36;
	[tilespmem:v42+s17+$0x0] =	vst.idx.msk $0xffff, v44  }
0x197: {  	v56 =	vshrl.u32 v55, $0x5;
	v43 =	vand.u32 v34, v53;
	v44 =	vld.idx.msk [tilespmem:v45+s6+$0x0], $0xffff  }
0x198: {  	v45 =	vor.u32 v40, v56;
	_ =	sdelay $0x3  }
0x199: {  	v57 =	vor.u32 s28, v39;
	[tilespmem:v43+s17+$0x0] =	vst.idx.msk $0xffff, v44  }
0x19a: {  	v58 =	vshrl.u32 v57, $0x5;
	v42 =	vand.u32 v37, v55;
	v44 =	vld.idx.msk [tilespmem:v45+s6+$0x0], $0xffff  }
0x19b: {  	v45 =	vor.u32 v40, v58;
	_ =	sdelay $0x3  }
0x19c: {  	v59 =	vor.u32 s28, v2;
	[tilespmem:v42+s17+$0x0] =	vst.idx.msk $0xffff, v44  }
0x19d: {  	v60 =	vshrl.u32 v59, $0x5;
	v43 =	vand.u32 v31, v57;
	v44 =	vld.idx.msk [tilespmem:v45+s6+$0x0], $0xffff  }
0x19e: {  	v45 =	vor.u32 v40, v60;
	_ =	sdelay $0x3  }
0x19f: {  	v61 =	vor.u32 s28, v18;
	[tilespmem:v43+s17+$0x0] =	vst.idx.msk $0xffff, v44  }
0x1a0: {  	v62 =	vshrl.u32 v61, $0x5;
	v42 =	vand.u32 v33, v59;
	v44 =	vld.idx.msk [tilespmem:v45+s6+$0x0], $0xffff  }
0x1a1: {  	v45 =	vor.u32 v40, v62;
	_ =	sdelay $0x3  }
0x1a2: {  	v63 =	vor.u32 s28, v19;
	[tilespmem:v42+s17+$0x0] =	vst.idx.msk $0xffff, v44  }
0x1a3: {  	v48 =	vshrl.u32 v63, $0x5;
	v43 =	vand.u32 v34, v61;
	v44 =	vld.idx.msk [tilespmem:v45+s6+$0x0], $0xffff  }
0x1a4: {  	v45 =	vor.u32 v40, v48;
	_ =	sdelay $0x3  }
0x1a5: {  	v49 =	vor.u32 s28, v41;
	[tilespmem:v43+s17+$0x0] =	vst.idx.msk $0xffff, v44  }
0x1a6: {  	v50 =	vshrl.u32 v49, $0x5;
	v42 =	vand.u32 v37, v63;
	v44 =	vld.idx.msk [tilespmem:v45+s6+$0x0], $0xffff  }
0x1a7: {  	v45 =	vor.u32 v40, v50;
	_ =	sdelay $0x3  }
0x1a8: {  	v51 =	vor.u32 s28, v3;
	[tilespmem:v42+s17+$0x0] =	vst.idx.msk $0xffff, v44  }
0x1a9: {  	v52 =	vshrl.u32 v51, $0x5;
	v43 =	vand.u32 v31, v49;
	v44 =	vld.idx.msk [tilespmem:v45+s6+$0x0], $0xffff  }
0x1aa: {  	v45 =	vor.u32 v40, v52;
	_ =	sdelay $0x3  }
0x1ab: {  	v53 =	vor.u32 s28, v20;
	[tilespmem:v43+s17+$0x0] =	vst.idx.msk $0xffff, v44  }
0x1ac: {  	v54 =	vshrl.u32 v53, $0x5;
	v42 =	vand.u32 v33, v51;
	v44 =	vld.idx.msk [tilespmem:v45+s6+$0x0], $0xffff  }
0x1ad: {  	v45 =	vor.u32 v40, v54;
	_ =	sdelay $0x3  }
0x1ae: {  	v55 =	vor.u32 s28, v21;
	[tilespmem:v42+s17+$0x0] =	vst.idx.msk $0xffff, v44  }
0x1af: {  	v56 =	vshrl.u32 v55, $0x5;
	v43 =	vand.u32 v34, v53;
	v44 =	vld.idx.msk [tilespmem:v45+s6+$0x0], $0xffff  }
0x1b0: {  	v45 =	vor.u32 v40, v56;
	_ =	sdelay $0x3  }
0x1b1: {  	v57 =	vor.u32 s28, v22;
	[tilespmem:v43+s17+$0x0] =	vst.idx.msk $0xffff, v44  }
0x1b2: {  	v58 =	vshrl.u32 v57, $0x5;
	v42 =	vand.u32 v37, v55;
	v44 =	vld.idx.msk [tilespmem:v45+s6+$0x0], $0xffff  }
0x1b3: {  	v45 =	vor.u32 v40, v58;
	_ =	sdelay $0x3  }
0x1b4: {  	v59 =	vor.u32 s28, v23;
	[tilespmem:v42+s17+$0x0] =	vst.idx.msk $0xffff, v44  }
0x1b5: {  	v60 =	vshrl.u32 v59, $0x5;
	v43 =	vand.u32 v31, v57;
	v44 =	vld.idx.msk [tilespmem:v45+s6+$0x0], $0xffff  }
0x1b6: {  	v45 =	vor.u32 v40, v60;
	_ =	sdelay $0x3  }
0x1b7: {  	v61 =	vor.u32 s28, v24;
	[tilespmem:v43+s17+$0x0] =	vst.idx.msk $0xffff, v44  }
0x1b8: {  	v62 =	vshrl.u32 v61, $0x5;
	v42 =	vand.u32 v33, v59;
	v44 =	vld.idx.msk [tilespmem:v45+s6+$0x0], $0xffff  }
0x1b9: {  	v45 =	vor.u32 v40, v62;
	_ =	sdelay $0x3  }
0x1ba: {  	[tilespmem:v42+s17+$0x0] =	vst.idx.msk $0xffff, v44;
	v42 =	vor.u32 s28, v25  }
0x1bb: {  	v43 =	vand.u32 v34, v61;
	v44 =	vld.idx.msk [tilespmem:v45+s6+$0x0], $0xffff;
	v63 =	vshrl.u32 v42, $0x5  }
0x1bc: {  	v45 =	vor.u32 v40, v63;
	_ =	sdelay $0x3  }
0x1bd: {  	[tilespmem:v43+s17+$0x0] =	vst.idx.msk $0xffff, v44  }
0x1be: {  	s28 =	simm.s32 $0x400;
	v43 =	vor.u32 s26, v38;
	v44 =	vld.idx.msk [tilespmem:v45+s6+$0x0], $0xffff  }
.LBB2_6:
0x1bf: {  	p2 =	sne.s32 s28, $0xE00;
	v45 =	vshrl.u32 v43, $0x5;
	v42 =	vand.u32 v37, v42  }
0x1c0: {  	v45 =	vor.u32 v40, v45;
	_ =	sdelay $0x3  }
0x1c1: {  	[tilespmem:v42+s17+$0x0] =	vst.idx.msk $0xffff, v44  }
0x1c2: {  	v44 =	vor.u32 s26, v16;
	v42 =	vld.idx.msk [tilespmem:v45+s6+$0x0], $0xffff  }
0x1c3: {  	v43 =	vand.u32 v31, v43;
	v45 =	vshrl.u32 v44, $0x5  }
0x1c4: {  	v45 =	vor.u32 v40, v45;
	_ =	sdelay $0x3  }
0x1c5: {  	[tilespmem:v43+s17+$0x0] =	vst.idx.msk $0xffff, v42  }
0x1c6: {  	v43 =	vor.u32 s26, v17;
	v42 =	vld.idx.msk [tilespmem:v45+s6+$0x0], $0xffff  }
0x1c7: {  	v44 =	vand.u32 v33, v44;
	v45 =	vshrl.u32 v43, $0x5  }
0x1c8: {  	v45 =	vor.u32 v40, v45;
	_ =	sdelay $0x3  }
0x1c9: {  	[tilespmem:v44+s17+$0x0] =	vst.idx.msk $0xffff, v42  }
0x1ca: {  	v44 =	vor.u32 s26, v36;
	v42 =	vld.idx.msk [tilespmem:v45+s6+$0x0], $0xffff  }
0x1cb: {  	v43 =	vand.u32 v34, v43;
	v45 =	vshrl.u32 v44, $0x5  }
0x1cc: {  	v45 =	vor.u32 v40, v45;
	_ =	sdelay $0x3  }
0x1cd: {  	[tilespmem:v43+s17+$0x0] =	vst.idx.msk $0xffff, v42  }
0x1ce: {  	v43 =	vor.u32 s26, v39;
	v42 =	vld.idx.msk [tilespmem:v45+s6+$0x0], $0xffff  }
0x1cf: {  	v44 =	vand.u32 v37, v44;
	v45 =	vshrl.u32 v43, $0x5  }
0x1d0: {  	v45 =	vor.u32 v40, v45;
	_ =	sdelay $0x3  }
0x1d1: {  	[tilespmem:v44+s17+$0x0] =	vst.idx.msk $0xffff, v42  }
0x1d2: {  	v44 =	vor.u32 s26, v2;
	v42 =	vld.idx.msk [tilespmem:v45+s6+$0x0], $0xffff  }
0x1d3: {  	v43 =	vand.u32 v31, v43;
	v45 =	vshrl.u32 v44, $0x5  }
0x1d4: {  	v45 =	vor.u32 v40, v45;
	_ =	sdelay $0x3  }
0x1d5: {  	[tilespmem:v43+s17+$0x0] =	vst.idx.msk $0xffff, v42  }
0x1d6: {  	v43 =	vor.u32 s26, v18;
	v42 =	vld.idx.msk [tilespmem:v45+s6+$0x0], $0xffff  }
0x1d7: {  	v44 =	vand.u32 v33, v44;
	v45 =	vshrl.u32 v43, $0x5  }
0x1d8: {  	v45 =	vor.u32 v40, v45;
	_ =	sdelay $0x3  }
0x1d9: {  	[tilespmem:v44+s17+$0x0] =	vst.idx.msk $0xffff, v42  }
0x1da: {  	v44 =	vor.u32 s26, v19;
	v42 =	vld.idx.msk [tilespmem:v45+s6+$0x0], $0xffff  }
0x1db: {  	v43 =	vand.u32 v34, v43;
	v45 =	vshrl.u32 v44, $0x5  }
0x1dc: {  	v45 =	vor.u32 v40, v45;
	_ =	sdelay $0x3  }
0x1dd: {  	[tilespmem:v43+s17+$0x0] =	vst.idx.msk $0xffff, v42  }
0x1de: {  	v43 =	vor.u32 s26, v41;
	v42 =	vld.idx.msk [tilespmem:v45+s6+$0x0], $0xffff  }
0x1df: {  	v44 =	vand.u32 v37, v44;
	v45 =	vshrl.u32 v43, $0x5  }
0x1e0: {  	v45 =	vor.u32 v40, v45;
	_ =	sdelay $0x3  }
0x1e1: {  	[tilespmem:v44+s17+$0x0] =	vst.idx.msk $0xffff, v42  }
0x1e2: {  	v44 =	vor.u32 s26, v3;
	v42 =	vld.idx.msk [tilespmem:v45+s6+$0x0], $0xffff  }
0x1e3: {  	v43 =	vand.u32 v31, v43;
	v45 =	vshrl.u32 v44, $0x5  }
0x1e4: {  	v45 =	vor.u32 v40, v45;
	_ =	sdelay $0x3  }
0x1e5: {  	[tilespmem:v43+s17+$0x0] =	vst.idx.msk $0xffff, v42  }
0x1e6: {  	v43 =	vor.u32 s26, v20;
	v42 =	vld.idx.msk [tilespmem:v45+s6+$0x0], $0xffff  }
0x1e7: {  	v44 =	vand.u32 v33, v44;
	v45 =	vshrl.u32 v43, $0x5  }
0x1e8: {  	v45 =	vor.u32 v40, v45;
	_ =	sdelay $0x3  }
0x1e9: {  	[tilespmem:v44+s17+$0x0] =	vst.idx.msk $0xffff, v42  }
0x1ea: {  	v44 =	vor.u32 s26, v21;
	v42 =	vld.idx.msk [tilespmem:v45+s6+$0x0], $0xffff  }
0x1eb: {  	v43 =	vand.u32 v34, v43;
	v45 =	vshrl.u32 v44, $0x5  }
0x1ec: {  	v45 =	vor.u32 v40, v45;
	_ =	sdelay $0x3  }
0x1ed: {  	[tilespmem:v43+s17+$0x0] =	vst.idx.msk $0xffff, v42  }
0x1ee: {  	v43 =	vor.u32 s26, v22;
	v42 =	vld.idx.msk [tilespmem:v45+s6+$0x0], $0xffff  }
0x1ef: {  	v44 =	vand.u32 v37, v44;
	v45 =	vshrl.u32 v43, $0x5  }
0x1f0: {  	v45 =	vor.u32 v40, v45;
	_ =	sdelay $0x3  }
0x1f1: {  	[tilespmem:v44+s17+$0x0] =	vst.idx.msk $0xffff, v42  }
0x1f2: {  	v44 =	vor.u32 s26, v23;
	v42 =	vld.idx.msk [tilespmem:v45+s6+$0x0], $0xffff  }
0x1f3: {  	v43 =	vand.u32 v31, v43;
	v45 =	vshrl.u32 v44, $0x5  }
0x1f4: {  	v45 =	vor.u32 v40, v45;
	_ =	sdelay $0x3  }
0x1f5: {  	[tilespmem:v43+s17+$0x0] =	vst.idx.msk $0xffff, v42  }
0x1f6: {  	v43 =	vor.u32 s26, v24;
	v42 =	vld.idx.msk [tilespmem:v45+s6+$0x0], $0xffff  }
0x1f7: {  	v44 =	vand.u32 v33, v44;
	v45 =	vshrl.u32 v43, $0x5  }
0x1f8: {  	v45 =	vor.u32 v40, v45;
	_ =	sdelay $0x3  }
0x1f9: {  	[tilespmem:v44+s17+$0x0] =	vst.idx.msk $0xffff, v42  }
0x1fa: {  	v42 =	vor.u32 s26, v25;
	s26 =	smov.u32 s28;
	v44 =	vld.idx.msk [tilespmem:v45+s6+$0x0], $0xffff  }
0x1fb: {  	v43 =	vand.u32 v34, v43;
	v45 =	vshrl.u32 v42, $0x5  }
0x1fc: {  	v45 =	vor.u32 v40, v45  }
.Ltmp6:
0x1fd: {  	(pc) =	sbr.rel @p2 .LBB2_6-.Ltmp6, $3  }
0x1fe: {  	_ =	sdelay $0x1  }
0x1ff: {  	[tilespmem:v43+s17+$0x0] =	vst.idx.msk $0xffff, v44  }
0x200: {  	s28 =	sadd.s32 $0x200, s28;
	v43 =	vor.u32 s26, v38;
	v44 =	vld.idx.msk [tilespmem:v45+s6+$0x0], $0xffff  }
0x201: {  	v45 =	vshrl.u32 v43, $0x5;
	v42 =	vand.u32 v37, v42  }
0x202: {  	v45 =	vor.u32 v40, v45;
	_ =	sdelay $0x3  }
0x203: {  	v49 =	vor.u32 s26, v16;
	[tilespmem:v42+s17+$0x0] =	vst.idx.msk $0xffff, v44  }
0x204: {  	v50 =	vand.u32 v31, v43;
	v51 =	vshrl.u32 v49, $0x5;
	v44 =	vld.idx.msk [tilespmem:v45+s6+$0x0], $0xffff  }
0x205: {  	v45 =	vor.u32 v40, v51;
	_ =	sdelay $0x3  }
0x206: {  	v52 =	vor.u32 s26, v17;
	[tilespmem:v50+s17+$0x0] =	vst.idx.msk $0xffff, v44  }
0x207: {  	v53 =	vshrl.u32 v52, $0x5;
	v42 =	vand.u32 v33, v49;
	v44 =	vld.idx.msk [tilespmem:v45+s6+$0x0], $0xffff  }
0x208: {  	v45 =	vor.u32 v40, v53;
	_ =	sdelay $0x3  }
0x209: {  	v54 =	vor.u32 s26, v36;
	[tilespmem:v42+s17+$0x0] =	vst.idx.msk $0xffff, v44  }
0x20a: {  	v43 =	vand.u32 v34, v52;
	v55 =	vshrl.u32 v54, $0x5;
	v44 =	vld.idx.msk [tilespmem:v45+s6+$0x0], $0xffff  }
0x20b: {  	v45 =	vor.u32 v40, v55;
	_ =	sdelay $0x3  }
0x20c: {  	v56 =	vor.u32 s26, v39;
	[tilespmem:v43+s17+$0x0] =	vst.idx.msk $0xffff, v44  }
0x20d: {  	v57 =	vshrl.u32 v56, $0x5;
	v42 =	vand.u32 v37, v54;
	v44 =	vld.idx.msk [tilespmem:v45+s6+$0x0], $0xffff  }
0x20e: {  	v45 =	vor.u32 v40, v57;
	_ =	sdelay $0x3  }
0x20f: {  	v58 =	vor.u32 s26, v2;
	[tilespmem:v42+s17+$0x0] =	vst.idx.msk $0xffff, v44  }
0x210: {  	v59 =	vshrl.u32 v58, $0x5;
	v43 =	vand.u32 v31, v56;
	v44 =	vld.idx.msk [tilespmem:v45+s6+$0x0], $0xffff  }
0x211: {  	v45 =	vor.u32 v40, v59;
	_ =	sdelay $0x3  }
0x212: {  	v60 =	vor.u32 s26, v18;
	[tilespmem:v43+s17+$0x0] =	vst.idx.msk $0xffff, v44  }
0x213: {  	v61 =	vshrl.u32 v60, $0x5;
	v42 =	vand.u32 v33, v58;
	v44 =	vld.idx.msk [tilespmem:v45+s6+$0x0], $0xffff  }
0x214: {  	v45 =	vor.u32 v40, v61;
	_ =	sdelay $0x3  }
0x215: {  	v62 =	vor.u32 s26, v19;
	[tilespmem:v42+s17+$0x0] =	vst.idx.msk $0xffff, v44  }
0x216: {  	v63 =	vshrl.u32 v62, $0x5;
	v43 =	vand.u32 v34, v60;
	v44 =	vld.idx.msk [tilespmem:v45+s6+$0x0], $0xffff  }
0x217: {  	v45 =	vor.u32 v40, v63;
	_ =	sdelay $0x3  }
0x218: {  	v48 =	vor.u32 s26, v41;
	[tilespmem:v43+s17+$0x0] =	vst.idx.msk $0xffff, v44  }
0x219: {  	v49 =	vshrl.u32 v48, $0x5;
	v42 =	vand.u32 v37, v62;
	v44 =	vld.idx.msk [tilespmem:v45+s6+$0x0], $0xffff  }
0x21a: {  	v45 =	vor.u32 v40, v49;
	_ =	sdelay $0x3  }
0x21b: {  	v50 =	vor.u32 s26, v3;
	[tilespmem:v42+s17+$0x0] =	vst.idx.msk $0xffff, v44  }
0x21c: {  	v51 =	vshrl.u32 v50, $0x5;
	v43 =	vand.u32 v31, v48;
	v44 =	vld.idx.msk [tilespmem:v45+s6+$0x0], $0xffff  }
0x21d: {  	v45 =	vor.u32 v40, v51;
	_ =	sdelay $0x3  }
0x21e: {  	v52 =	vor.u32 s26, v20;
	[tilespmem:v43+s17+$0x0] =	vst.idx.msk $0xffff, v44  }
0x21f: {  	v53 =	vshrl.u32 v52, $0x5;
	v42 =	vand.u32 v33, v50;
	v44 =	vld.idx.msk [tilespmem:v45+s6+$0x0], $0xffff  }
0x220: {  	v45 =	vor.u32 v40, v53;
	_ =	sdelay $0x3  }
0x221: {  	v54 =	vor.u32 s26, v21;
	[tilespmem:v42+s17+$0x0] =	vst.idx.msk $0xffff, v44  }
0x222: {  	v55 =	vshrl.u32 v54, $0x5;
	v43 =	vand.u32 v34, v52;
	v44 =	vld.idx.msk [tilespmem:v45+s6+$0x0], $0xffff  }
0x223: {  	v45 =	vor.u32 v40, v55;
	_ =	sdelay $0x3  }
0x224: {  	v56 =	vor.u32 s26, v22;
	[tilespmem:v43+s17+$0x0] =	vst.idx.msk $0xffff, v44  }
0x225: {  	v57 =	vshrl.u32 v56, $0x5;
	v42 =	vand.u32 v37, v54;
	v44 =	vld.idx.msk [tilespmem:v45+s6+$0x0], $0xffff  }
0x226: {  	v45 =	vor.u32 v40, v57;
	_ =	sdelay $0x3  }
0x227: {  	v58 =	vor.u32 s26, v23;
	[tilespmem:v42+s17+$0x0] =	vst.idx.msk $0xffff, v44  }
0x228: {  	v59 =	vshrl.u32 v58, $0x5;
	v43 =	vand.u32 v31, v56;
	v44 =	vld.idx.msk [tilespmem:v45+s6+$0x0], $0xffff  }
0x229: {  	v45 =	vor.u32 v40, v59;
	_ =	sdelay $0x3  }
0x22a: {  	v60 =	vor.u32 s26, v24;
	[tilespmem:v43+s17+$0x0] =	vst.idx.msk $0xffff, v44  }
0x22b: {  	v61 =	vshrl.u32 v60, $0x5;
	v42 =	vand.u32 v33, v58;
	v44 =	vld.idx.msk [tilespmem:v45+s6+$0x0], $0xffff  }
0x22c: {  	v45 =	vor.u32 v40, v61;
	_ =	sdelay $0x3  }
0x22d: {  	v62 =	vor.u32 s26, v25;
	[tilespmem:v42+s17+$0x0] =	vst.idx.msk $0xffff, v44  }
0x22e: {  	v63 =	vshrl.u32 v62, $0x5;
	v43 =	vand.u32 v34, v60;
	v44 =	vld.idx.msk [tilespmem:v45+s6+$0x0], $0xffff  }
0x22f: {  	v45 =	vor.u32 v40, v63;
	_ =	sdelay $0x3  }
0x230: {  	[tilespmem:v43+s17+$0x0] =	vst.idx.msk $0xffff, v44  }
0x231: {  	v42 =	vand.u32 v37, v62;
	v43 =	vld.idx.msk [tilespmem:v45+s6+$0x0], $0xffff;
	_ =	sdelay $0x3  }
0x232: {  	s31 =	sshll.u32 s25, $0x9  }
0x233: {  	s26 =	sadd.s32 s4, s31;
	[tilespmem:v42+s17+$0x0] =	vst.idx.msk $0xffff, v43  }
0x234: {  	[hbm4b:s26+s6] =	stream.linear.scatter [tilespmem:s17], [sflag:$0x3], $0x1000, $0x38;
	[tilespmem:$0x4800] =	vst v63  }
.LBB2_8:
0x235: {  	s26 =	sadd.s32 s9, s24  }
0x236: {  	p2 =	sgt.u32 s26, $0x1E83  }
0x237: {  	s25 =	sor.u32 $0x20, s25;
	s26 =	sshll.u32 @!p2 s26, $0x7;
	s28 =	simm.s32 @!p2 $0x400  }
0x238: {  	s29 =	simm.s32 @!p2 $0x7A1400;
	s30 =	simm.s32 @!p2 $0x0;
	s26 =	sadd.s32 @!p2 s0, s26  }
0x239: {  	[tilespmem:s30], [sflag:$0x1] =	stream.strided.gather @!p2 [hbm4b:s26+s28], $0x1000, s29, s28, $0x38;
	[tilespmem:$0x4800] =	vst v63  }
0x23a: {  	p2 =	sgt.u32 s25, $0x1E83  }
.Ltmp7:
0x23b: {  	_ = 	snop;
	(pc) =	sbr.rel @p2 .LBB2_14-.Ltmp7, $1  }
0x23c: {  	_ =	sdelay $0x3  }
0x23d: {  	s28 =	simm.s32 $0x0  }
0x23e: {  	v42 =	vor.u32 s28, v32  }
0x23f: {  	_ =	swait.ge [sflag:s18], $0x1000;
	v43 =	vshrl.u32 v42, $0x5  }
0x240: {  	[sflag:s18] =	ssyncset.done $0x0;
	v43 =	vor.u32 v35, v43  }
0x241: {  	s26 =	simm.s32 @!p1 $0x4;
	[sflag:s18] =	ssyncadd.s32 $0xFFFFF000  }
0x242: {  	_ =	swait.ge @!p1 [sflag:s26], $0x1000  }
0x243: {  	[sflag:s26] =	ssyncset.done @!p1 $0x0  }
0x244: {  	v44 =	vor.u32 s28, v6;
	[sflag:s26] =	ssyncadd.s32 @!p1 $0xFFFFF000  }
0x245: {  	v42 =	vand.u32 v4, v42;
	v45 =	vshrl.u32 v44, $0x5;
	v43 =	vld.idx.msk [tilespmem:v43+s15+$0x0], $0xffff  }
0x246: {  	v45 =	vor.u32 v35, v45;
	_ =	sdelay $0x3  }
0x247: {  	v53 =	vor.u32 s28, v7;
	[tilespmem:v42+s19+$0x0] =	vst.idx.msk $0xffff, v43  }
0x248: {  	v44 =	vand.u32 v5, v44;
	v54 =	vshrl.u32 v53, $0x5;
	v43 =	vld.idx.msk [tilespmem:v45+s15+$0x0], $0xffff  }
0x249: {  	v45 =	vor.u32 v35, v54;
	_ =	sdelay $0x3  }
0x24a: {  	v55 =	vor.u32 s28, v27;
	[tilespmem:v44+s19+$0x0] =	vst.idx.msk $0xffff, v43  }
0x24b: {  	v56 =	vshrl.u32 v55, $0x5;
	v42 =	vand.u32 v26, v53;
	v44 =	vld.idx.msk [tilespmem:v45+s15+$0x0], $0xffff  }
0x24c: {  	v45 =	vor.u32 v35, v56;
	_ =	sdelay $0x3  }
0x24d: {  	v57 =	vor.u32 s28, v29;
	[tilespmem:v42+s19+$0x0] =	vst.idx.msk $0xffff, v44  }
0x24e: {  	v58 =	vshrl.u32 v57, $0x5;
	v43 =	vand.u32 v28, v55;
	v44 =	vld.idx.msk [tilespmem:v45+s15+$0x0], $0xffff  }
0x24f: {  	v45 =	vor.u32 v35, v58;
	_ =	sdelay $0x3  }
0x250: {  	v59 =	vor.u32 s28, v0;
	[tilespmem:v43+s19+$0x0] =	vst.idx.msk $0xffff, v44  }
0x251: {  	v60 =	vshrl.u32 v59, $0x5;
	v42 =	vand.u32 v4, v57;
	v44 =	vld.idx.msk [tilespmem:v45+s15+$0x0], $0xffff  }
0x252: {  	v45 =	vor.u32 v35, v60;
	_ =	sdelay $0x3  }
0x253: {  	v61 =	vor.u32 s28, v8;
	[tilespmem:v42+s19+$0x0] =	vst.idx.msk $0xffff, v44  }
0x254: {  	v62 =	vshrl.u32 v61, $0x5;
	v43 =	vand.u32 v5, v59;
	v44 =	vld.idx.msk [tilespmem:v45+s15+$0x0], $0xffff  }
0x255: {  	v45 =	vor.u32 v35, v62;
	_ =	sdelay $0x3  }
0x256: {  	v63 =	vor.u32 s28, v9;
	[tilespmem:v43+s19+$0x0] =	vst.idx.msk $0xffff, v44  }
0x257: {  	v48 =	vshrl.u32 v63, $0x5;
	v42 =	vand.u32 v26, v61;
	v44 =	vld.idx.msk [tilespmem:v45+s15+$0x0], $0xffff  }
0x258: {  	v45 =	vor.u32 v35, v48;
	_ =	sdelay $0x3  }
0x259: {  	v49 =	vor.u32 s28, v30;
	[tilespmem:v42+s19+$0x0] =	vst.idx.msk $0xffff, v44  }
0x25a: {  	v50 =	vshrl.u32 v49, $0x5;
	v43 =	vand.u32 v28, v63;
	v44 =	vld.idx.msk [tilespmem:v45+s15+$0x0], $0xffff  }
0x25b: {  	v45 =	vor.u32 v35, v50;
	_ =	sdelay $0x3  }
0x25c: {  	v51 =	vor.u32 s28, v1;
	[tilespmem:v43+s19+$0x0] =	vst.idx.msk $0xffff, v44  }
0x25d: {  	v52 =	vshrl.u32 v51, $0x5;
	v42 =	vand.u32 v4, v49;
	v44 =	vld.idx.msk [tilespmem:v45+s15+$0x0], $0xffff  }
0x25e: {  	v45 =	vor.u32 v35, v52;
	_ =	sdelay $0x3  }
0x25f: {  	v53 =	vor.u32 s28, v10;
	[tilespmem:v42+s19+$0x0] =	vst.idx.msk $0xffff, v44  }
0x260: {  	v54 =	vshrl.u32 v53, $0x5;
	v43 =	vand.u32 v5, v51;
	v44 =	vld.idx.msk [tilespmem:v45+s15+$0x0], $0xffff  }
0x261: {  	v45 =	vor.u32 v35, v54;
	_ =	sdelay $0x3  }
0x262: {  	v55 =	vor.u32 s28, v11;
	[tilespmem:v43+s19+$0x0] =	vst.idx.msk $0xffff, v44  }
0x263: {  	v56 =	vshrl.u32 v55, $0x5;
	v42 =	vand.u32 v26, v53;
	v44 =	vld.idx.msk [tilespmem:v45+s15+$0x0], $0xffff  }
0x264: {  	v45 =	vor.u32 v35, v56;
	_ =	sdelay $0x3  }
0x265: {  	v57 =	vor.u32 s28, v12;
	[tilespmem:v42+s19+$0x0] =	vst.idx.msk $0xffff, v44  }
0x266: {  	v58 =	vshrl.u32 v57, $0x5;
	v43 =	vand.u32 v28, v55;
	v44 =	vld.idx.msk [tilespmem:v45+s15+$0x0], $0xffff  }
0x267: {  	v45 =	vor.u32 v35, v58;
	_ =	sdelay $0x3  }
0x268: {  	v59 =	vor.u32 s28, v13;
	[tilespmem:v43+s19+$0x0] =	vst.idx.msk $0xffff, v44  }
0x269: {  	v60 =	vshrl.u32 v59, $0x5;
	v42 =	vand.u32 v4, v57;
	v44 =	vld.idx.msk [tilespmem:v45+s15+$0x0], $0xffff  }
0x26a: {  	v45 =	vor.u32 v35, v60;
	_ =	sdelay $0x3  }
0x26b: {  	v61 =	vor.u32 s28, v14;
	[tilespmem:v42+s19+$0x0] =	vst.idx.msk $0xffff, v44  }
0x26c: {  	v62 =	vshrl.u32 v61, $0x5;
	v43 =	vand.u32 v5, v59;
	v42 =	vld.idx.msk [tilespmem:v45+s15+$0x0], $0xffff  }
0x26d: {  	v45 =	vor.u32 v35, v62;
	_ =	sdelay $0x3  }
0x26e: {  	[tilespmem:v43+s19+$0x0] =	vst.idx.msk $0xffff, v42;
	v42 =	vor.u32 s28, v15  }
0x26f: {  	v44 =	vand.u32 v26, v61;
	v43 =	vld.idx.msk [tilespmem:v45+s15+$0x0], $0xffff;
	v63 =	vshrl.u32 v42, $0x5  }
0x270: {  	v45 =	vor.u32 v35, v63;
	_ =	sdelay $0x3  }
0x271: {  	s26 =	simm.s32 $0x200;
	[tilespmem:v44+s19+$0x0] =	vst.idx.msk $0xffff, v43  }
0x272: {  	s30 =	simm.s32 $0x400;
	s29 =	simm.s32 $0x200;
	v43 =	vor.u32 s26, v32;
	v44 =	vld.idx.msk [tilespmem:v45+s15+$0x0], $0xffff  }
.LBB2_10:
0x273: {  	p1 =	sne.s32 s30, $0xE00;
	v45 =	vshrl.u32 v43, $0x5;
	v42 =	vand.u32 v28, v42  }
0x274: {  	v45 =	vor.u32 v35, v45;
	_ =	sdelay $0x3  }
0x275: {  	[tilespmem:v42+s19+$0x0] =	vst.idx.msk $0xffff, v44  }
0x276: {  	v44 =	vor.u32 s29, v6;
	v42 =	vld.idx.msk [tilespmem:v45+s15+$0x0], $0xffff  }
0x277: {  	v43 =	vand.u32 v4, v43;
	v45 =	vshrl.u32 v44, $0x5  }
0x278: {  	v45 =	vor.u32 v35, v45;
	_ =	sdelay $0x3  }
0x279: {  	[tilespmem:v43+s19+$0x0] =	vst.idx.msk $0xffff, v42  }
0x27a: {  	v43 =	vor.u32 s29, v7;
	v42 =	vld.idx.msk [tilespmem:v45+s15+$0x0], $0xffff  }
0x27b: {  	v44 =	vand.u32 v5, v44;
	v45 =	vshrl.u32 v43, $0x5  }
0x27c: {  	v45 =	vor.u32 v35, v45;
	_ =	sdelay $0x3  }
0x27d: {  	[tilespmem:v44+s19+$0x0] =	vst.idx.msk $0xffff, v42  }
0x27e: {  	v44 =	vor.u32 s29, v27;
	v42 =	vld.idx.msk [tilespmem:v45+s15+$0x0], $0xffff  }
0x27f: {  	v43 =	vand.u32 v26, v43;
	v45 =	vshrl.u32 v44, $0x5  }
0x280: {  	v45 =	vor.u32 v35, v45;
	_ =	sdelay $0x3  }
0x281: {  	[tilespmem:v43+s19+$0x0] =	vst.idx.msk $0xffff, v42  }
0x282: {  	v43 =	vor.u32 s29, v29;
	v42 =	vld.idx.msk [tilespmem:v45+s15+$0x0], $0xffff  }
0x283: {  	v44 =	vand.u32 v28, v44;
	v45 =	vshrl.u32 v43, $0x5  }
0x284: {  	v45 =	vor.u32 v35, v45;
	_ =	sdelay $0x3  }
0x285: {  	[tilespmem:v44+s19+$0x0] =	vst.idx.msk $0xffff, v42  }
0x286: {  	v44 =	vor.u32 s29, v0;
	v42 =	vld.idx.msk [tilespmem:v45+s15+$0x0], $0xffff  }
0x287: {  	v43 =	vand.u32 v4, v43;
	v45 =	vshrl.u32 v44, $0x5  }
0x288: {  	v45 =	vor.u32 v35, v45;
	_ =	sdelay $0x3  }
0x289: {  	[tilespmem:v43+s19+$0x0] =	vst.idx.msk $0xffff, v42  }
0x28a: {  	v43 =	vor.u32 s29, v8;
	v42 =	vld.idx.msk [tilespmem:v45+s15+$0x0], $0xffff  }
0x28b: {  	v44 =	vand.u32 v5, v44;
	v45 =	vshrl.u32 v43, $0x5  }
0x28c: {  	v45 =	vor.u32 v35, v45;
	_ =	sdelay $0x3  }
0x28d: {  	[tilespmem:v44+s19+$0x0] =	vst.idx.msk $0xffff, v42  }
0x28e: {  	v44 =	vor.u32 s29, v9;
	v42 =	vld.idx.msk [tilespmem:v45+s15+$0x0], $0xffff  }
0x28f: {  	v43 =	vand.u32 v26, v43;
	v45 =	vshrl.u32 v44, $0x5  }
0x290: {  	v45 =	vor.u32 v35, v45;
	_ =	sdelay $0x3  }
0x291: {  	[tilespmem:v43+s19+$0x0] =	vst.idx.msk $0xffff, v42  }
0x292: {  	v43 =	vor.u32 s29, v30;
	v42 =	vld.idx.msk [tilespmem:v45+s15+$0x0], $0xffff  }
0x293: {  	v44 =	vand.u32 v28, v44;
	v45 =	vshrl.u32 v43, $0x5  }
0x294: {  	v45 =	vor.u32 v35, v45;
	_ =	sdelay $0x3  }
0x295: {  	[tilespmem:v44+s19+$0x0] =	vst.idx.msk $0xffff, v42  }
0x296: {  	v44 =	vor.u32 s29, v1;
	v42 =	vld.idx.msk [tilespmem:v45+s15+$0x0], $0xffff  }
0x297: {  	v43 =	vand.u32 v4, v43;
	v45 =	vshrl.u32 v44, $0x5  }
0x298: {  	v45 =	vor.u32 v35, v45;
	_ =	sdelay $0x3  }
0x299: {  	[tilespmem:v43+s19+$0x0] =	vst.idx.msk $0xffff, v42  }
0x29a: {  	v43 =	vor.u32 s29, v10;
	v42 =	vld.idx.msk [tilespmem:v45+s15+$0x0], $0xffff  }
0x29b: {  	v44 =	vand.u32 v5, v44;
	v45 =	vshrl.u32 v43, $0x5  }
0x29c: {  	v45 =	vor.u32 v35, v45;
	_ =	sdelay $0x3  }
0x29d: {  	[tilespmem:v44+s19+$0x0] =	vst.idx.msk $0xffff, v42  }
0x29e: {  	v44 =	vor.u32 s29, v11;
	v42 =	vld.idx.msk [tilespmem:v45+s15+$0x0], $0xffff  }
0x29f: {  	v43 =	vand.u32 v26, v43;
	v45 =	vshrl.u32 v44, $0x5  }
0x2a0: {  	v45 =	vor.u32 v35, v45;
	_ =	sdelay $0x3  }
0x2a1: {  	[tilespmem:v43+s19+$0x0] =	vst.idx.msk $0xffff, v42  }
0x2a2: {  	v43 =	vor.u32 s29, v12;
	v42 =	vld.idx.msk [tilespmem:v45+s15+$0x0], $0xffff  }
0x2a3: {  	v44 =	vand.u32 v28, v44;
	v45 =	vshrl.u32 v43, $0x5  }
0x2a4: {  	v45 =	vor.u32 v35, v45;
	_ =	sdelay $0x3  }
0x2a5: {  	[tilespmem:v44+s19+$0x0] =	vst.idx.msk $0xffff, v42  }
0x2a6: {  	v44 =	vor.u32 s29, v13;
	v42 =	vld.idx.msk [tilespmem:v45+s15+$0x0], $0xffff  }
0x2a7: {  	v43 =	vand.u32 v4, v43;
	v45 =	vshrl.u32 v44, $0x5  }
0x2a8: {  	v45 =	vor.u32 v35, v45;
	_ =	sdelay $0x3  }
0x2a9: {  	[tilespmem:v43+s19+$0x0] =	vst.idx.msk $0xffff, v42  }
0x2aa: {  	v43 =	vor.u32 s29, v14;
	v42 =	vld.idx.msk [tilespmem:v45+s15+$0x0], $0xffff  }
0x2ab: {  	v44 =	vand.u32 v5, v44;
	v45 =	vshrl.u32 v43, $0x5  }
0x2ac: {  	v45 =	vor.u32 v35, v45;
	_ =	sdelay $0x3  }
0x2ad: {  	[tilespmem:v44+s19+$0x0] =	vst.idx.msk $0xffff, v42  }
0x2ae: {  	v42 =	vor.u32 s29, v15;
	s29 =	smov.u32 s30;
	v44 =	vld.idx.msk [tilespmem:v45+s15+$0x0], $0xffff  }
0x2af: {  	v43 =	vand.u32 v26, v43;
	v45 =	vshrl.u32 v42, $0x5  }
0x2b0: {  	v45 =	vor.u32 v35, v45  }
.Ltmp8:
0x2b1: {  	(pc) =	sbr.rel @p1 .LBB2_10-.Ltmp8, $3  }
0x2b2: {  	_ =	sdelay $0x1  }
0x2b3: {  	[tilespmem:v43+s19+$0x0] =	vst.idx.msk $0xffff, v44  }
0x2b4: {  	s30 =	sadd.s32 $0x200, s30;
	v43 =	vor.u32 s29, v32;
	v44 =	vld.idx.msk [tilespmem:v45+s15+$0x0], $0xffff  }
0x2b5: {  	v45 =	vshrl.u32 v43, $0x5;
	v42 =	vand.u32 v28, v42  }
0x2b6: {  	v45 =	vor.u32 v35, v45;
	_ =	sdelay $0x3  }
0x2b7: {  	v50 =	vor.u32 s29, v6;
	[tilespmem:v42+s19+$0x0] =	vst.idx.msk $0xffff, v44  }
0x2b8: {  	v51 =	vand.u32 v4, v43;
	v52 =	vshrl.u32 v50, $0x5;
	v44 =	vld.idx.msk [tilespmem:v45+s15+$0x0], $0xffff  }
0x2b9: {  	v45 =	vor.u32 v35, v52;
	_ =	sdelay $0x3  }
0x2ba: {  	v53 =	vor.u32 s29, v7;
	[tilespmem:v51+s19+$0x0] =	vst.idx.msk $0xffff, v44  }
0x2bb: {  	v54 =	vshrl.u32 v53, $0x5;
	v42 =	vand.u32 v5, v50;
	v44 =	vld.idx.msk [tilespmem:v45+s15+$0x0], $0xffff  }
0x2bc: {  	v45 =	vor.u32 v35, v54;
	_ =	sdelay $0x3  }
0x2bd: {  	v55 =	vor.u32 s29, v27;
	[tilespmem:v42+s19+$0x0] =	vst.idx.msk $0xffff, v44  }
0x2be: {  	v43 =	vand.u32 v26, v53;
	v56 =	vshrl.u32 v55, $0x5;
	v44 =	vld.idx.msk [tilespmem:v45+s15+$0x0], $0xffff  }
0x2bf: {  	v45 =	vor.u32 v35, v56;
	_ =	sdelay $0x3  }
0x2c0: {  	v57 =	vor.u32 s29, v29;
	[tilespmem:v43+s19+$0x0] =	vst.idx.msk $0xffff, v44  }
0x2c1: {  	v58 =	vshrl.u32 v57, $0x5;
	v42 =	vand.u32 v28, v55;
	v44 =	vld.idx.msk [tilespmem:v45+s15+$0x0], $0xffff  }
0x2c2: {  	v45 =	vor.u32 v35, v58;
	_ =	sdelay $0x3  }
0x2c3: {  	v59 =	vor.u32 s29, v0;
	[tilespmem:v42+s19+$0x0] =	vst.idx.msk $0xffff, v44  }
0x2c4: {  	v60 =	vshrl.u32 v59, $0x5;
	v43 =	vand.u32 v4, v57;
	v44 =	vld.idx.msk [tilespmem:v45+s15+$0x0], $0xffff  }
0x2c5: {  	v45 =	vor.u32 v35, v60;
	_ =	sdelay $0x3  }
0x2c6: {  	v61 =	vor.u32 s29, v8;
	[tilespmem:v43+s19+$0x0] =	vst.idx.msk $0xffff, v44  }
0x2c7: {  	v62 =	vshrl.u32 v61, $0x5;
	v42 =	vand.u32 v5, v59;
	v44 =	vld.idx.msk [tilespmem:v45+s15+$0x0], $0xffff  }
0x2c8: {  	v45 =	vor.u32 v35, v62;
	_ =	sdelay $0x3  }
0x2c9: {  	v63 =	vor.u32 s29, v9;
	[tilespmem:v42+s19+$0x0] =	vst.idx.msk $0xffff, v44  }
0x2ca: {  	v48 =	vshrl.u32 v63, $0x5;
	v43 =	vand.u32 v26, v61;
	v44 =	vld.idx.msk [tilespmem:v45+s15+$0x0], $0xffff  }
0x2cb: {  	v45 =	vor.u32 v35, v48;
	_ =	sdelay $0x3  }
0x2cc: {  	v49 =	vor.u32 s29, v30;
	[tilespmem:v43+s19+$0x0] =	vst.idx.msk $0xffff, v44  }
0x2cd: {  	v50 =	vshrl.u32 v49, $0x5;
	v42 =	vand.u32 v28, v63;
	v44 =	vld.idx.msk [tilespmem:v45+s15+$0x0], $0xffff  }
0x2ce: {  	v45 =	vor.u32 v35, v50;
	_ =	sdelay $0x3  }
0x2cf: {  	v51 =	vor.u32 s29, v1;
	[tilespmem:v42+s19+$0x0] =	vst.idx.msk $0xffff, v44  }
0x2d0: {  	v52 =	vshrl.u32 v51, $0x5;
	v43 =	vand.u32 v4, v49;
	v44 =	vld.idx.msk [tilespmem:v45+s15+$0x0], $0xffff  }
0x2d1: {  	v45 =	vor.u32 v35, v52;
	_ =	sdelay $0x3  }
0x2d2: {  	v53 =	vor.u32 s29, v10;
	[tilespmem:v43+s19+$0x0] =	vst.idx.msk $0xffff, v44  }
0x2d3: {  	v54 =	vshrl.u32 v53, $0x5;
	v42 =	vand.u32 v5, v51;
	v44 =	vld.idx.msk [tilespmem:v45+s15+$0x0], $0xffff  }
0x2d4: {  	v45 =	vor.u32 v35, v54;
	_ =	sdelay $0x3  }
0x2d5: {  	v55 =	vor.u32 s29, v11;
	[tilespmem:v42+s19+$0x0] =	vst.idx.msk $0xffff, v44  }
0x2d6: {  	v56 =	vshrl.u32 v55, $0x5;
	v43 =	vand.u32 v26, v53;
	v44 =	vld.idx.msk [tilespmem:v45+s15+$0x0], $0xffff  }
0x2d7: {  	v45 =	vor.u32 v35, v56;
	_ =	sdelay $0x3  }
0x2d8: {  	v57 =	vor.u32 s29, v12;
	[tilespmem:v43+s19+$0x0] =	vst.idx.msk $0xffff, v44  }
0x2d9: {  	v58 =	vshrl.u32 v57, $0x5;
	v42 =	vand.u32 v28, v55;
	v44 =	vld.idx.msk [tilespmem:v45+s15+$0x0], $0xffff  }
0x2da: {  	v45 =	vor.u32 v35, v58;
	_ =	sdelay $0x3  }
0x2db: {  	v59 =	vor.u32 s29, v13;
	[tilespmem:v42+s19+$0x0] =	vst.idx.msk $0xffff, v44  }
0x2dc: {  	v60 =	vshrl.u32 v59, $0x5;
	v43 =	vand.u32 v4, v57;
	v44 =	vld.idx.msk [tilespmem:v45+s15+$0x0], $0xffff  }
0x2dd: {  	v45 =	vor.u32 v35, v60;
	_ =	sdelay $0x3  }
0x2de: {  	v61 =	vor.u32 s29, v14;
	[tilespmem:v43+s19+$0x0] =	vst.idx.msk $0xffff, v44  }
0x2df: {  	v62 =	vshrl.u32 v61, $0x5;
	v42 =	vand.u32 v5, v59;
	v44 =	vld.idx.msk [tilespmem:v45+s15+$0x0], $0xffff  }
0x2e0: {  	v45 =	vor.u32 v35, v62;
	_ =	sdelay $0x3  }
0x2e1: {  	v63 =	vor.u32 s29, v15;
	[tilespmem:v42+s19+$0x0] =	vst.idx.msk $0xffff, v44  }
0x2e2: {  	v48 =	vshrl.u32 v63, $0x5;
	v43 =	vand.u32 v26, v61;
	v44 =	vld.idx.msk [tilespmem:v45+s15+$0x0], $0xffff  }
0x2e3: {  	v45 =	vor.u32 v35, v48;
	_ =	sdelay $0x3  }
0x2e4: {  	v49 =	vor.u32 s28, v38;
	[tilespmem:v43+s19+$0x0] =	vst.idx.msk $0xffff, v44  }
0x2e5: {  	v50 =	vshrl.u32 v49, $0x5;
	v42 =	vand.u32 v28, v63;
	v44 =	vld.idx.msk [tilespmem:v45+s15+$0x0], $0xffff  }
0x2e6: {  	v45 =	vor.u32 v40, v50;
	_ =	sdelay $0x3  }
0x2e7: {  	v51 =	vor.u32 s28, v16;
	[tilespmem:v42+s19+$0x0] =	vst.idx.msk $0xffff, v44  }
0x2e8: {  	v52 =	vshrl.u32 v51, $0x5;
	v43 =	vand.u32 v31, v49;
	v44 =	vld.idx.msk [tilespmem:v45+s15+$0x0], $0xffff  }
0x2e9: {  	v45 =	vor.u32 v40, v52;
	_ =	sdelay $0x3  }
0x2ea: {  	v53 =	vor.u32 s28, v17;
	[tilespmem:v43+s19+$0x0] =	vst.idx.msk $0xffff, v44  }
0x2eb: {  	v54 =	vshrl.u32 v53, $0x5;
	v42 =	vand.u32 v33, v51;
	v44 =	vld.idx.msk [tilespmem:v45+s15+$0x0], $0xffff  }
0x2ec: {  	v45 =	vor.u32 v40, v54;
	_ =	sdelay $0x3  }
0x2ed: {  	v55 =	vor.u32 s28, v36;
	[tilespmem:v42+s19+$0x0] =	vst.idx.msk $0xffff, v44  }
0x2ee: {  	v56 =	vshrl.u32 v55, $0x5;
	v43 =	vand.u32 v34, v53;
	v44 =	vld.idx.msk [tilespmem:v45+s15+$0x0], $0xffff  }
0x2ef: {  	v45 =	vor.u32 v40, v56;
	_ =	sdelay $0x3  }
0x2f0: {  	v57 =	vor.u32 s28, v39;
	[tilespmem:v43+s19+$0x0] =	vst.idx.msk $0xffff, v44  }
0x2f1: {  	v58 =	vshrl.u32 v57, $0x5;
	v42 =	vand.u32 v37, v55;
	v44 =	vld.idx.msk [tilespmem:v45+s15+$0x0], $0xffff  }
0x2f2: {  	v45 =	vor.u32 v40, v58;
	_ =	sdelay $0x3  }
0x2f3: {  	v59 =	vor.u32 s28, v2;
	[tilespmem:v42+s19+$0x0] =	vst.idx.msk $0xffff, v44  }
0x2f4: {  	v60 =	vshrl.u32 v59, $0x5;
	v43 =	vand.u32 v31, v57;
	v44 =	vld.idx.msk [tilespmem:v45+s15+$0x0], $0xffff  }
0x2f5: {  	v45 =	vor.u32 v40, v60;
	_ =	sdelay $0x3  }
0x2f6: {  	v61 =	vor.u32 s28, v18;
	[tilespmem:v43+s19+$0x0] =	vst.idx.msk $0xffff, v44  }
0x2f7: {  	v62 =	vshrl.u32 v61, $0x5;
	v42 =	vand.u32 v33, v59;
	v44 =	vld.idx.msk [tilespmem:v45+s15+$0x0], $0xffff  }
0x2f8: {  	v45 =	vor.u32 v40, v62;
	_ =	sdelay $0x3  }
0x2f9: {  	v63 =	vor.u32 s28, v19;
	[tilespmem:v42+s19+$0x0] =	vst.idx.msk $0xffff, v44  }
0x2fa: {  	v48 =	vshrl.u32 v63, $0x5;
	v43 =	vand.u32 v34, v61;
	v44 =	vld.idx.msk [tilespmem:v45+s15+$0x0], $0xffff  }
0x2fb: {  	v45 =	vor.u32 v40, v48;
	_ =	sdelay $0x3  }
0x2fc: {  	v49 =	vor.u32 s28, v41;
	[tilespmem:v43+s19+$0x0] =	vst.idx.msk $0xffff, v44  }
0x2fd: {  	v50 =	vshrl.u32 v49, $0x5;
	v42 =	vand.u32 v37, v63;
	v44 =	vld.idx.msk [tilespmem:v45+s15+$0x0], $0xffff  }
0x2fe: {  	v45 =	vor.u32 v40, v50;
	_ =	sdelay $0x3  }
0x2ff: {  	v51 =	vor.u32 s28, v3;
	[tilespmem:v42+s19+$0x0] =	vst.idx.msk $0xffff, v44  }
0x300: {  	v52 =	vshrl.u32 v51, $0x5;
	v43 =	vand.u32 v31, v49;
	v44 =	vld.idx.msk [tilespmem:v45+s15+$0x0], $0xffff  }
0x301: {  	v45 =	vor.u32 v40, v52;
	_ =	sdelay $0x3  }
0x302: {  	v53 =	vor.u32 s28, v20;
	[tilespmem:v43+s19+$0x0] =	vst.idx.msk $0xffff, v44  }
0x303: {  	v54 =	vshrl.u32 v53, $0x5;
	v42 =	vand.u32 v33, v51;
	v44 =	vld.idx.msk [tilespmem:v45+s15+$0x0], $0xffff  }
0x304: {  	v45 =	vor.u32 v40, v54;
	_ =	sdelay $0x3  }
0x305: {  	v55 =	vor.u32 s28, v21;
	[tilespmem:v42+s19+$0x0] =	vst.idx.msk $0xffff, v44  }
0x306: {  	v56 =	vshrl.u32 v55, $0x5;
	v43 =	vand.u32 v34, v53;
	v44 =	vld.idx.msk [tilespmem:v45+s15+$0x0], $0xffff  }
0x307: {  	v45 =	vor.u32 v40, v56;
	_ =	sdelay $0x3  }
0x308: {  	v57 =	vor.u32 s28, v22;
	[tilespmem:v43+s19+$0x0] =	vst.idx.msk $0xffff, v44  }
0x309: {  	v58 =	vshrl.u32 v57, $0x5;
	v42 =	vand.u32 v37, v55;
	v44 =	vld.idx.msk [tilespmem:v45+s15+$0x0], $0xffff  }
0x30a: {  	v45 =	vor.u32 v40, v58;
	_ =	sdelay $0x3  }
0x30b: {  	v59 =	vor.u32 s28, v23;
	[tilespmem:v42+s19+$0x0] =	vst.idx.msk $0xffff, v44  }
0x30c: {  	v60 =	vshrl.u32 v59, $0x5;
	v43 =	vand.u32 v31, v57;
	v44 =	vld.idx.msk [tilespmem:v45+s15+$0x0], $0xffff  }
0x30d: {  	v45 =	vor.u32 v40, v60;
	_ =	sdelay $0x3  }
0x30e: {  	v61 =	vor.u32 s28, v24;
	[tilespmem:v43+s19+$0x0] =	vst.idx.msk $0xffff, v44  }
0x30f: {  	v62 =	vshrl.u32 v61, $0x5;
	v42 =	vand.u32 v33, v59;
	v44 =	vld.idx.msk [tilespmem:v45+s15+$0x0], $0xffff  }
0x310: {  	v45 =	vor.u32 v40, v62;
	_ =	sdelay $0x3  }
0x311: {  	[tilespmem:v42+s19+$0x0] =	vst.idx.msk $0xffff, v44;
	v42 =	vor.u32 s28, v25  }
0x312: {  	v43 =	vand.u32 v34, v61;
	v44 =	vld.idx.msk [tilespmem:v45+s15+$0x0], $0xffff;
	v63 =	vshrl.u32 v42, $0x5  }
0x313: {  	v45 =	vor.u32 v40, v63;
	_ =	sdelay $0x3  }
0x314: {  	[tilespmem:v43+s19+$0x0] =	vst.idx.msk $0xffff, v44  }
0x315: {  	s28 =	simm.s32 $0x400;
	v43 =	vor.u32 s26, v38;
	v44 =	vld.idx.msk [tilespmem:v45+s15+$0x0], $0xffff  }
.LBB2_12:
0x316: {  	p1 =	sne.s32 s28, $0xE00;
	v45 =	vshrl.u32 v43, $0x5;
	v42 =	vand.u32 v37, v42  }
0x317: {  	v45 =	vor.u32 v40, v45;
	_ =	sdelay $0x3  }
0x318: {  	[tilespmem:v42+s19+$0x0] =	vst.idx.msk $0xffff, v44  }
0x319: {  	v44 =	vor.u32 s26, v16;
	v42 =	vld.idx.msk [tilespmem:v45+s15+$0x0], $0xffff  }
0x31a: {  	v43 =	vand.u32 v31, v43;
	v45 =	vshrl.u32 v44, $0x5  }
0x31b: {  	v45 =	vor.u32 v40, v45;
	_ =	sdelay $0x3  }
0x31c: {  	[tilespmem:v43+s19+$0x0] =	vst.idx.msk $0xffff, v42  }
0x31d: {  	v43 =	vor.u32 s26, v17;
	v42 =	vld.idx.msk [tilespmem:v45+s15+$0x0], $0xffff  }
0x31e: {  	v44 =	vand.u32 v33, v44;
	v45 =	vshrl.u32 v43, $0x5  }
0x31f: {  	v45 =	vor.u32 v40, v45;
	_ =	sdelay $0x3  }
0x320: {  	[tilespmem:v44+s19+$0x0] =	vst.idx.msk $0xffff, v42  }
0x321: {  	v44 =	vor.u32 s26, v36;
	v42 =	vld.idx.msk [tilespmem:v45+s15+$0x0], $0xffff  }
0x322: {  	v43 =	vand.u32 v34, v43;
	v45 =	vshrl.u32 v44, $0x5  }
0x323: {  	v45 =	vor.u32 v40, v45;
	_ =	sdelay $0x3  }
0x324: {  	[tilespmem:v43+s19+$0x0] =	vst.idx.msk $0xffff, v42  }
0x325: {  	v43 =	vor.u32 s26, v39;
	v42 =	vld.idx.msk [tilespmem:v45+s15+$0x0], $0xffff  }
0x326: {  	v44 =	vand.u32 v37, v44;
	v45 =	vshrl.u32 v43, $0x5  }
0x327: {  	v45 =	vor.u32 v40, v45;
	_ =	sdelay $0x3  }
0x328: {  	[tilespmem:v44+s19+$0x0] =	vst.idx.msk $0xffff, v42  }
0x329: {  	v44 =	vor.u32 s26, v2;
	v42 =	vld.idx.msk [tilespmem:v45+s15+$0x0], $0xffff  }
0x32a: {  	v43 =	vand.u32 v31, v43;
	v45 =	vshrl.u32 v44, $0x5  }
0x32b: {  	v45 =	vor.u32 v40, v45;
	_ =	sdelay $0x3  }
0x32c: {  	[tilespmem:v43+s19+$0x0] =	vst.idx.msk $0xffff, v42  }
0x32d: {  	v43 =	vor.u32 s26, v18;
	v42 =	vld.idx.msk [tilespmem:v45+s15+$0x0], $0xffff  }
0x32e: {  	v44 =	vand.u32 v33, v44;
	v45 =	vshrl.u32 v43, $0x5  }
0x32f: {  	v45 =	vor.u32 v40, v45;
	_ =	sdelay $0x3  }
0x330: {  	[tilespmem:v44+s19+$0x0] =	vst.idx.msk $0xffff, v42  }
0x331: {  	v44 =	vor.u32 s26, v19;
	v42 =	vld.idx.msk [tilespmem:v45+s15+$0x0], $0xffff  }
0x332: {  	v43 =	vand.u32 v34, v43;
	v45 =	vshrl.u32 v44, $0x5  }
0x333: {  	v45 =	vor.u32 v40, v45;
	_ =	sdelay $0x3  }
0x334: {  	[tilespmem:v43+s19+$0x0] =	vst.idx.msk $0xffff, v42  }
0x335: {  	v43 =	vor.u32 s26, v41;
	v42 =	vld.idx.msk [tilespmem:v45+s15+$0x0], $0xffff  }
0x336: {  	v44 =	vand.u32 v37, v44;
	v45 =	vshrl.u32 v43, $0x5  }
0x337: {  	v45 =	vor.u32 v40, v45;
	_ =	sdelay $0x3  }
0x338: {  	[tilespmem:v44+s19+$0x0] =	vst.idx.msk $0xffff, v42  }
0x339: {  	v44 =	vor.u32 s26, v3;
	v42 =	vld.idx.msk [tilespmem:v45+s15+$0x0], $0xffff  }
0x33a: {  	v43 =	vand.u32 v31, v43;
	v45 =	vshrl.u32 v44, $0x5  }
0x33b: {  	v45 =	vor.u32 v40, v45;
	_ =	sdelay $0x3  }
0x33c: {  	[tilespmem:v43+s19+$0x0] =	vst.idx.msk $0xffff, v42  }
0x33d: {  	v43 =	vor.u32 s26, v20;
	v42 =	vld.idx.msk [tilespmem:v45+s15+$0x0], $0xffff  }
0x33e: {  	v44 =	vand.u32 v33, v44;
	v45 =	vshrl.u32 v43, $0x5  }
0x33f: {  	v45 =	vor.u32 v40, v45;
	_ =	sdelay $0x3  }
0x340: {  	[tilespmem:v44+s19+$0x0] =	vst.idx.msk $0xffff, v42  }
0x341: {  	v44 =	vor.u32 s26, v21;
	v42 =	vld.idx.msk [tilespmem:v45+s15+$0x0], $0xffff  }
0x342: {  	v43 =	vand.u32 v34, v43;
	v45 =	vshrl.u32 v44, $0x5  }
0x343: {  	v45 =	vor.u32 v40, v45;
	_ =	sdelay $0x3  }
0x344: {  	[tilespmem:v43+s19+$0x0] =	vst.idx.msk $0xffff, v42  }
0x345: {  	v43 =	vor.u32 s26, v22;
	v42 =	vld.idx.msk [tilespmem:v45+s15+$0x0], $0xffff  }
0x346: {  	v44 =	vand.u32 v37, v44;
	v45 =	vshrl.u32 v43, $0x5  }
0x347: {  	v45 =	vor.u32 v40, v45;
	_ =	sdelay $0x3  }
0x348: {  	[tilespmem:v44+s19+$0x0] =	vst.idx.msk $0xffff, v42  }
0x349: {  	v44 =	vor.u32 s26, v23;
	v42 =	vld.idx.msk [tilespmem:v45+s15+$0x0], $0xffff  }
0x34a: {  	v43 =	vand.u32 v31, v43;
	v45 =	vshrl.u32 v44, $0x5  }
0x34b: {  	v45 =	vor.u32 v40, v45;
	_ =	sdelay $0x3  }
0x34c: {  	[tilespmem:v43+s19+$0x0] =	vst.idx.msk $0xffff, v42  }
0x34d: {  	v43 =	vor.u32 s26, v24;
	v42 =	vld.idx.msk [tilespmem:v45+s15+$0x0], $0xffff  }
0x34e: {  	v44 =	vand.u32 v33, v44;
	v45 =	vshrl.u32 v43, $0x5  }
0x34f: {  	v45 =	vor.u32 v40, v45;
	_ =	sdelay $0x3  }
0x350: {  	[tilespmem:v44+s19+$0x0] =	vst.idx.msk $0xffff, v42  }
0x351: {  	v42 =	vor.u32 s26, v25;
	s26 =	smov.u32 s28;
	v44 =	vld.idx.msk [tilespmem:v45+s15+$0x0], $0xffff  }
0x352: {  	v43 =	vand.u32 v34, v43;
	v45 =	vshrl.u32 v42, $0x5  }
0x353: {  	v45 =	vor.u32 v40, v45  }
.Ltmp9:
0x354: {  	(pc) =	sbr.rel @p1 .LBB2_12-.Ltmp9, $3  }
0x355: {  	_ =	sdelay $0x1  }
0x356: {  	[tilespmem:v43+s19+$0x0] =	vst.idx.msk $0xffff, v44  }
0x357: {  	s28 =	sadd.s32 $0x200, s28;
	v43 =	vor.u32 s26, v38;
	v44 =	vld.idx.msk [tilespmem:v45+s15+$0x0], $0xffff  }
0x358: {  	v45 =	vshrl.u32 v43, $0x5;
	v42 =	vand.u32 v37, v42  }
0x359: {  	v45 =	vor.u32 v40, v45;
	_ =	sdelay $0x3  }
0x35a: {  	v49 =	vor.u32 s26, v16;
	[tilespmem:v42+s19+$0x0] =	vst.idx.msk $0xffff, v44  }
0x35b: {  	v50 =	vand.u32 v31, v43;
	v51 =	vshrl.u32 v49, $0x5;
	v44 =	vld.idx.msk [tilespmem:v45+s15+$0x0], $0xffff  }
0x35c: {  	v45 =	vor.u32 v40, v51;
	_ =	sdelay $0x3  }
0x35d: {  	v52 =	vor.u32 s26, v17;
	[tilespmem:v50+s19+$0x0] =	vst.idx.msk $0xffff, v44  }
0x35e: {  	v53 =	vshrl.u32 v52, $0x5;
	v42 =	vand.u32 v33, v49;
	v44 =	vld.idx.msk [tilespmem:v45+s15+$0x0], $0xffff  }
0x35f: {  	v45 =	vor.u32 v40, v53;
	_ =	sdelay $0x3  }
0x360: {  	v54 =	vor.u32 s26, v36;
	[tilespmem:v42+s19+$0x0] =	vst.idx.msk $0xffff, v44  }
0x361: {  	v43 =	vand.u32 v34, v52;
	v55 =	vshrl.u32 v54, $0x5;
	v44 =	vld.idx.msk [tilespmem:v45+s15+$0x0], $0xffff  }
0x362: {  	v45 =	vor.u32 v40, v55;
	_ =	sdelay $0x3  }
0x363: {  	v56 =	vor.u32 s26, v39;
	[tilespmem:v43+s19+$0x0] =	vst.idx.msk $0xffff, v44  }
0x364: {  	v57 =	vshrl.u32 v56, $0x5;
	v42 =	vand.u32 v37, v54;
	v44 =	vld.idx.msk [tilespmem:v45+s15+$0x0], $0xffff  }
0x365: {  	v45 =	vor.u32 v40, v57;
	_ =	sdelay $0x3  }
0x366: {  	v58 =	vor.u32 s26, v2;
	[tilespmem:v42+s19+$0x0] =	vst.idx.msk $0xffff, v44  }
0x367: {  	v59 =	vshrl.u32 v58, $0x5;
	v43 =	vand.u32 v31, v56;
	v44 =	vld.idx.msk [tilespmem:v45+s15+$0x0], $0xffff  }
0x368: {  	v45 =	vor.u32 v40, v59;
	_ =	sdelay $0x3  }
0x369: {  	v60 =	vor.u32 s26, v18;
	[tilespmem:v43+s19+$0x0] =	vst.idx.msk $0xffff, v44  }
0x36a: {  	v61 =	vshrl.u32 v60, $0x5;
	v42 =	vand.u32 v33, v58;
	v44 =	vld.idx.msk [tilespmem:v45+s15+$0x0], $0xffff  }
0x36b: {  	v45 =	vor.u32 v40, v61;
	_ =	sdelay $0x3  }
0x36c: {  	v62 =	vor.u32 s26, v19;
	[tilespmem:v42+s19+$0x0] =	vst.idx.msk $0xffff, v44  }
0x36d: {  	v63 =	vshrl.u32 v62, $0x5;
	v43 =	vand.u32 v34, v60;
	v44 =	vld.idx.msk [tilespmem:v45+s15+$0x0], $0xffff  }
0x36e: {  	v45 =	vor.u32 v40, v63;
	_ =	sdelay $0x3  }
0x36f: {  	v48 =	vor.u32 s26, v41;
	[tilespmem:v43+s19+$0x0] =	vst.idx.msk $0xffff, v44  }
0x370: {  	v49 =	vshrl.u32 v48, $0x5;
	v42 =	vand.u32 v37, v62;
	v44 =	vld.idx.msk [tilespmem:v45+s15+$0x0], $0xffff  }
0x371: {  	v45 =	vor.u32 v40, v49;
	_ =	sdelay $0x3  }
0x372: {  	v50 =	vor.u32 s26, v3;
	[tilespmem:v42+s19+$0x0] =	vst.idx.msk $0xffff, v44  }
0x373: {  	v51 =	vshrl.u32 v50, $0x5;
	v43 =	vand.u32 v31, v48;
	v44 =	vld.idx.msk [tilespmem:v45+s15+$0x0], $0xffff  }
0x374: {  	v45 =	vor.u32 v40, v51;
	_ =	sdelay $0x3  }
0x375: {  	v52 =	vor.u32 s26, v20;
	[tilespmem:v43+s19+$0x0] =	vst.idx.msk $0xffff, v44  }
0x376: {  	v53 =	vshrl.u32 v52, $0x5;
	v42 =	vand.u32 v33, v50;
	v44 =	vld.idx.msk [tilespmem:v45+s15+$0x0], $0xffff  }
0x377: {  	v45 =	vor.u32 v40, v53;
	_ =	sdelay $0x3  }
0x378: {  	v54 =	vor.u32 s26, v21;
	[tilespmem:v42+s19+$0x0] =	vst.idx.msk $0xffff, v44  }
0x379: {  	v55 =	vshrl.u32 v54, $0x5;
	v43 =	vand.u32 v34, v52;
	v44 =	vld.idx.msk [tilespmem:v45+s15+$0x0], $0xffff  }
0x37a: {  	v45 =	vor.u32 v40, v55;
	_ =	sdelay $0x3  }
0x37b: {  	v56 =	vor.u32 s26, v22;
	[tilespmem:v43+s19+$0x0] =	vst.idx.msk $0xffff, v44  }
0x37c: {  	v57 =	vshrl.u32 v56, $0x5;
	v42 =	vand.u32 v37, v54;
	v44 =	vld.idx.msk [tilespmem:v45+s15+$0x0], $0xffff  }
0x37d: {  	v45 =	vor.u32 v40, v57;
	_ =	sdelay $0x3  }
0x37e: {  	v58 =	vor.u32 s26, v23;
	[tilespmem:v42+s19+$0x0] =	vst.idx.msk $0xffff, v44  }
0x37f: {  	v59 =	vshrl.u32 v58, $0x5;
	v43 =	vand.u32 v31, v56;
	v44 =	vld.idx.msk [tilespmem:v45+s15+$0x0], $0xffff  }
0x380: {  	v45 =	vor.u32 v40, v59;
	_ =	sdelay $0x3  }
0x381: {  	v60 =	vor.u32 s26, v24;
	[tilespmem:v43+s19+$0x0] =	vst.idx.msk $0xffff, v44  }
0x382: {  	v61 =	vshrl.u32 v60, $0x5;
	v42 =	vand.u32 v33, v58;
	v44 =	vld.idx.msk [tilespmem:v45+s15+$0x0], $0xffff  }
0x383: {  	v45 =	vor.u32 v40, v61;
	_ =	sdelay $0x3  }
0x384: {  	v62 =	vor.u32 s26, v25;
	[tilespmem:v42+s19+$0x0] =	vst.idx.msk $0xffff, v44  }
0x385: {  	v63 =	vshrl.u32 v62, $0x5;
	v43 =	vand.u32 v34, v60;
	v44 =	vld.idx.msk [tilespmem:v45+s15+$0x0], $0xffff  }
0x386: {  	v45 =	vor.u32 v40, v63;
	_ =	sdelay $0x3  }
0x387: {  	[tilespmem:v43+s19+$0x0] =	vst.idx.msk $0xffff, v44  }
0x388: {  	v42 =	vand.u32 v37, v62;
	v43 =	vld.idx.msk [tilespmem:v45+s15+$0x0], $0xffff;
	_ =	sdelay $0x1  }
.Ltmp10:
0x389: {  	_ = 	snop;
	(pc) =	sbr.rel .LBB2_14-.Ltmp10, $4  }
0x38a: {  	_ = 	snop  }
0x38b: {  	s25 =	sshll.u32 s25, $0x9  }
0x38c: {  	s25 =	sadd.s32 s4, s25;
	[tilespmem:v42+s19+$0x0] =	vst.idx.msk $0xffff, v43  }
0x38d: {  	[hbm4b:s25+s6] =	stream.linear.scatter [tilespmem:s19], [sflag:$0x4], $0x1000, $0x38;
	[tilespmem:$0x4800] =	vst v63  }
.LBB2_16:
0x38e: {  	_ =	sfence.sel $0x180000  }
0x38f: {  	[bflag:$0x0] =	sbarrier.arrive $0xFFFF  }
0x390: {  	p0 =	sne.s32 s2, $0x0;
	_ =	strace $0x90000047  }
0x391: {  	s0 =	sadd.s32 @!p0 $0x100000, s3;
	[bflag:$0x2] =	sbarrier.arrive $0xFFFF  }
0x392: {  	[sflag:s0] =	ssyncadd.tile.s32 @!p0 $0x1;
	_ =	shalt  }
.Lfunc_end2:
_tile_overlayer_lowered:
.L_overlay_start_2:
0x393: {  	(tag) =	ssettag $0x2  }
0x394: {  	s0 =	rddreg [dreg:$0x0];
	s2 =	stileid.u32  }
0x395: {  	s1 =	rddreg [dreg:$0x1];
	p0 =	sne.s32 s2, $0x0  }
0x396: {  	s3 =	rddreg [dreg:$0x2];
	[bflag:$0x3] =	sbarrier.arrive $0xFFFF;
	s2 =	simm.s32 @!p0 $0x1C05  }
0x397: {  	[timem:s3], [sflag:s2] =	dma.local @!p0 [hbm:s0], s1  }
0x398: {  	s0 =	simm.s32 @!p0 $0x5  }
0x399: {  	_ =	swait.ge @!p0 [sflag:s0], s1  }
0x39a: {  	s1 =	ssub.s32 @!p0 $0x0, s1;
	[sflag:s0] =	ssyncset.done @!p0 $0x0  }
0x39b: {  	[sflag:s0] =	ssyncadd.s32 @!p0 s1  }
0x39c: {  	[bflag:$0x3] =	sbarrier.arrive $0xFFFF  }
0x39d: {  	_ =	shalt  }

</sc_bundles>
